<compile_context>
chip_gen: v7x
topology: tpu7x:2x2x1
jax: 0.10.2.dev20260603
libtpu: 0.0.44.dev20260713+nightly
codegen_flags: <defaults>
</compile_context>

<pallas_src>
import jax
import jax.numpy as jnp
from jax import lax
from jax.experimental import pallas as pl
from jax.experimental.pallas import tpu as pltpu
from jax.experimental.pallas import tpu_sc as plsc

N = 10000
E = 320000
D = 128
H = 5
C = 128
HP = 16
NEG = 0.2
INVH = 1.0 / H

NW = 32
EW = E // NW
CHA = 80
NCHA = EW // CHA
CHB = 40
NCHB = EW // CHB
RPT = 624
RCHA, NZA = 104, 6
RCHB, NZB = 48, 13


def _s1_body(x_ref, w_ref, attm_ref, psum_ref, mask_ref,
             alphas_ref, exs_ref, g16_ref):
    wa = jnp.dot(w_ref[...], attm_ref[...], preferred_element_type=jnp.float32)
    al = jnp.dot(x_ref[...], wa, preferred_element_type=jnp.float32)
    alphas_ref[...] = al
    asum = jnp.dot(al, psum_ref[...], preferred_element_type=jnp.float32)
    gmax = jnp.max(al, axis=0, keepdims=True)
    gsum = jnp.dot(gmax, psum_ref[...], preferred_element_type=jnp.float32)
    g = jnp.where(gsum >= 0.0, gsum, NEG * gsum)
    lr = jnp.where(asum >= 0.0, asum, NEG * asum)
    exs_ref[...] = jnp.exp(lr - g) * mask_ref[...]
    g16_ref[...] = g


def _s1(x, w, attm, psum, mask):
    return pl.pallas_call(
        _s1_body,
        out_shape=[
            jax.ShapeDtypeStruct((N, HP), jnp.float32),
            jax.ShapeDtypeStruct((N, HP), jnp.float32),
            jax.ShapeDtypeStruct((1, HP), jnp.float32),
        ],
    )(x, w, attm, psum, mask)


def _s2_body(x_ref, w_ref, xw_ref):
    xw_ref[...] = jnp.dot(x_ref[...], w_ref[...],
                          preferred_element_type=jnp.float32)


def _s2(x, w):
    blk = 1000
    return pl.pallas_call(
        _s2_body,
        grid=(N // blk,),
        in_specs=[
            pl.BlockSpec((blk, D), lambda i: (i, 0)),
            pl.BlockSpec((D, H * C), lambda i: (0, 0)),
        ],
        out_specs=pl.BlockSpec((blk, H * C), lambda i: (i, 0)),
        out_shape=jax.ShapeDtypeStruct((N, H * C), jnp.float32),
    )(x, w)


def _s3_body(pa_ref, exs_ref, den_ref, selfw_ref):
    den = pa_ref[0] + pa_ref[1] + exs_ref[...]
    den_ref[...] = den
    selfw_ref[...] = exs_ref[...] / (den + 1e-16) * INVH


def _s3(pa, exs):
    return pl.pallas_call(
        _s3_body,
        out_shape=[
            jax.ShapeDtypeStruct((N, HP), jnp.float32),
            jax.ShapeDtypeStruct((N, HP), jnp.float32),
        ],
    )(pa, exs)


def _s4_body(x_ref, p0_ref, p1_ref, xw_ref, selfw_ref, r_ref, bias_ref,
             out_ref):
    sw = jnp.dot(selfw_ref[...], r_ref[...],
                 preferred_element_type=jnp.float32)
    prod = sw * xw_ref[...]
    s = prod[:, 0:C]
    for h in range(1, H):
        s = s + prod[:, h * C:(h + 1) * C]
    out_ref[...] = x_ref[...] + p0_ref[...] + p1_ref[...] + s + bias_ref[...]


def _s4(x, p0, p1, xw, selfw, r, bias):
    blk = 1000
    return pl.pallas_call(
        _s4_body,
        grid=(N // blk,),
        in_specs=[
            pl.BlockSpec((blk, C), lambda i: (i, 0)),
            pl.BlockSpec((blk, C), lambda i: (i, 0)),
            pl.BlockSpec((blk, C), lambda i: (i, 0)),
            pl.BlockSpec((blk, H * C), lambda i: (i, 0)),
            pl.BlockSpec((blk, HP), lambda i: (i, 0)),
            pl.BlockSpec((HP, H * C), lambda i: (0, 0)),
            pl.BlockSpec((1, C), lambda i: (0, 0)),
        ],
        out_specs=pl.BlockSpec((blk, C), lambda i: (i, 0)),
        out_shape=jax.ShapeDtypeStruct((N, C), jnp.float32),
    )(x, p0, p1, xw, selfw, r, bias)


def _lane_consts():
    iota = lax.iota(jnp.int32, 16)
    shift = jnp.bitwise_and(iota + 8, 15)
    maskv = jnp.where(iota < H, 1.0, 0.0).astype(jnp.float32)
    return iota, shift, maskv


def _edge_ex(asr, adr, shift, maskv, gv):
    al = asr + adr.at[shift].get(mode="promise_in_bounds")
    al = jnp.where(al >= 0.0, al, NEG * al)
    return jnp.exp(al - gv) * maskv


def _pa_body(alphas_hbm, g_hbm, src_hbm, dst_hbm, pout_hbm,
             gbuf, sbuf, dbuf, asg, adg, stage, zb, den, sem):
    cid = lax.axis_index("c")
    sid = lax.axis_index("s")
    wid = cid * 16 + sid
    pltpu.sync_copy(g_hbm, gbuf)

    z = jnp.zeros((16,), jnp.float32)

    def _zrow(buf, r):
        def body(i, carry):
            buf[i, :] = z
            return carry
        lax.fori_loop(0, r, body, 0)

    _zrow(zb, RCHA)
    for k in range(NZA):
        pltpu.sync_copy(zb, den.at[pl.ds(sid * RPT + k * RCHA, RCHA)])

    @pl.when(sid == 15)
    def _():
        pltpu.sync_copy(zb.at[pl.ds(0, 16)], den.at[pl.ds(16 * RPT, 16)])
    plsc.subcore_barrier()

    _, shift, maskv = _lane_consts()
    gv = gbuf[...]

    def chunk(c, carry):
        base = wid * EW + c * CHA
        pltpu.sync_copy(src_hbm.at[pl.ds(base, CHA)], sbuf)
        pltpu.sync_copy(dst_hbm.at[pl.ds(base, CHA)], dbuf)
        pltpu.async_copy(alphas_hbm.at[sbuf], asg, sem).wait()
        pltpu.async_copy(alphas_hbm.at[dbuf], adg, sem).wait()

        def edge(e, carry2):
            stage[e, :] = _edge_ex(asg[e, :], adg[e, :], shift, maskv, gv)
            return carry2

        lax.fori_loop(0, CHA, edge, 0)
        pltpu.sync_copy(stage, den.at[dbuf], add=True)
        return carry

    lax.fori_loop(0, NCHA, chunk, 0)
    plsc.subcore_barrier()
    for k in range(NZA):
        pltpu.sync_copy(den.at[pl.ds(sid * RPT + k * RCHA, RCHA)], zb)
        pltpu.sync_copy(zb, pout_hbm.at[cid, pl.ds(sid * RPT + k * RCHA, RCHA)])

    @pl.when(sid == 15)
    def _():
        pltpu.sync_copy(den.at[pl.ds(16 * RPT, 16)], zb.at[pl.ds(0, 16)])
        pltpu.sync_copy(zb.at[pl.ds(0, 16)],
                        pout_hbm.at[cid, pl.ds(16 * RPT, 16)])


def _pass_a(alphas, g16, src, dst):
    kfn = pl.kernel(
        _pa_body,
        out_type=jax.ShapeDtypeStruct((2, N, HP), jnp.float32),
        mesh=plsc.VectorSubcoreMesh(core_axis_name="c", subcore_axis_name="s"),
        compiler_params=pltpu.CompilerParams(use_tc_tiling_on_sc=False),
        scratch_types=[
            pltpu.VMEM((HP,), jnp.float32),
            pltpu.VMEM((CHA,), jnp.int32),
            pltpu.VMEM((CHA,), jnp.int32),
            pltpu.VMEM((CHA, HP), jnp.float32),
            pltpu.VMEM((CHA, HP), jnp.float32),
            pltpu.VMEM((CHA, HP), jnp.float32),
            pltpu.VMEM((RCHA, HP), jnp.float32),
            pltpu.VMEM_SHARED((N, HP), jnp.float32),
            pltpu.SemaphoreType.DMA,
        ],
    )
    return kfn(alphas, g16, src, dst)


def _pb_body(alphas_hbm, g_hbm, den_hbm, xw_hbm, src_hbm, dst_hbm, pout_hbm,
             gbuf, sbuf, dbuf, asg, adg, dng, xwg, msg, zb, acc, sem):
    cid = lax.axis_index("c")
    sid = lax.axis_index("s")
    wid = cid * 16 + sid
    pltpu.sync_copy(g_hbm, gbuf)

    z = jnp.zeros((16,), jnp.float32)

    def zbody(i, carry):
        zb[i // 8, pl.ds((i % 8) * 16, 16)] = z
        return carry
    lax.fori_loop(0, RCHB * 8, zbody, 0)
    for k in range(NZB):
        pltpu.sync_copy(zb, acc.at[pl.ds(sid * RPT + k * RCHB, RCHB)])

    @pl.when(sid == 15)
    def _():
        pltpu.sync_copy(zb.at[pl.ds(0, 16)], acc.at[pl.ds(16 * RPT, 16)])
    plsc.subcore_barrier()

    _, shift, maskv = _lane_consts()
    gv = gbuf[...]
    hidx = [jnp.full((16,), h, jnp.int32) for h in range(H)]

    def chunk(c, carry):
        base = wid * EW + c * CHB
        pltpu.sync_copy(src_hbm.at[pl.ds(base, CHB)], sbuf)
        pltpu.sync_copy(dst_hbm.at[pl.ds(base, CHB)], dbuf)
        pltpu.async_copy(alphas_hbm.at[sbuf], asg, sem).wait()
        pltpu.async_copy(alphas_hbm.at[dbuf], adg, sem).wait()
        pltpu.async_copy(den_hbm.at[dbuf], dng, sem).wait()
        pltpu.async_copy(xw_hbm.at[sbuf], xwg, sem).wait()

        def edge(e, carry2):
            ex = _edge_ex(asg[e, :], adg[e, :], shift, maskv, gv)
            w16 = ex / (dng[e, :] + 1e-16) * INVH
            wv = [w16.at[hidx[h]].get(mode="promise_in_bounds")
                  for h in range(H)]
            for cb in range(C // 16):
                a = wv[0] * xwg[e, pl.ds(cb * 16, 16)]
                for h in range(1, H):
                    a = a + wv[h] * xwg[e, pl.ds(h * C + cb * 16, 16)]
                msg[e, pl.ds(cb * 16, 16)] = a
            return carry2

        lax.fori_loop(0, CHB, edge, 0)
        pltpu.sync_copy(msg, acc.at[dbuf], add=True)
        return carry

    lax.fori_loop(0, NCHB, chunk, 0)
    plsc.subcore_barrier()
    for k in range(NZB):
        pltpu.sync_copy(acc.at[pl.ds(sid * RPT + k * RCHB, RCHB)], zb)
        pltpu.sync_copy(zb, pout_hbm.at[cid, pl.ds(sid * RPT + k * RCHB, RCHB)])

    @pl.when(sid == 15)
    def _():
        pltpu.sync_copy(acc.at[pl.ds(16 * RPT, 16)], zb.at[pl.ds(0, 16)])
        pltpu.sync_copy(zb.at[pl.ds(0, 16)],
                        pout_hbm.at[cid, pl.ds(16 * RPT, 16)])


def _pass_b(alphas, g16, den, xw, src, dst):
    kfn = pl.kernel(
        _pb_body,
        out_type=jax.ShapeDtypeStruct((2, N, C), jnp.float32),
        mesh=plsc.VectorSubcoreMesh(core_axis_name="c", subcore_axis_name="s"),
        compiler_params=pltpu.CompilerParams(use_tc_tiling_on_sc=False),
        scratch_types=[
            pltpu.VMEM((HP,), jnp.float32),
            pltpu.VMEM((CHB,), jnp.int32),
            pltpu.VMEM((CHB,), jnp.int32),
            pltpu.VMEM((CHB, HP), jnp.float32),
            pltpu.VMEM((CHB, HP), jnp.float32),
            pltpu.VMEM((CHB, HP), jnp.float32),
            pltpu.VMEM((CHB, H * C), jnp.float32),
            pltpu.VMEM((CHB, C), jnp.float32),
            pltpu.VMEM((RCHB, C), jnp.float32),
            pltpu.VMEM_SHARED((N, C), jnp.float32),
            pltpu.SemaphoreType.DMA,
        ],
    )
    return kfn(alphas, g16, den, xw, src, dst)


def kernel(features, edge_index, W, att_src, att_dst, bias):
    f32 = jnp.float32
    eye5 = jnp.eye(H, dtype=f32)
    src_cols = (att_src[:, :, None] * eye5[:, None, :]).reshape(H * C, H)
    dst_cols = (att_dst[:, :, None] * eye5[:, None, :]).reshape(H * C, H)
    zpad = jnp.zeros((H * C, 3), f32)
    attm = jnp.concatenate([src_cols, zpad, dst_cols, zpad], axis=1)
    psum = jnp.zeros((HP, HP), f32)
    idx = jnp.arange(H)
    psum = psum.at[idx, idx].set(1.0).at[idx + 8, idx].set(1.0)
    mask = jnp.concatenate(
        [jnp.ones((1, H), f32), jnp.zeros((1, HP - H), f32)], axis=1)
    r = jnp.concatenate(
        [jnp.repeat(jnp.eye(H, dtype=f32), C, axis=1),
         jnp.zeros((HP - H, H * C), f32)], axis=0)

    src = edge_index[0]
    dst = edge_index[1]

    alphas, exs, g16 = _s1(features, W, attm, psum, mask)
    xw = _s2(features, W)
    pa = _pass_a(alphas, g16.reshape(HP), src, dst)
    den, selfw = _s3(pa, exs)
    pb = _pass_b(alphas, g16.reshape(HP), den, xw, src, dst)
    return _s4(features, pb[0], pb[1], xw, selfw, r, bias.reshape(1, C))

# --- scband reference (transcript-rebuilt; emitter-appended) ---
"""Pipeline reference for scband-improved-gatlayer-9423158247920 (READ-ONLY COPY).

The authoritative reference and input builder live on the scoring server;
editing this copy changes nothing except your own understanding.
"""

import jax, jax.numpy as jnp
import numpy as np

N = 10000
E = 320000
D = 128
H = 5
C = 128

def setup_inputs(seed: int = 0) -> dict:
    key = jax.random.key(seed)
    k1, k2, k3, k4, k5, k6 = jax.random.split(key, 6)
    features = jax.random.normal(k1, (N, D), dtype=jnp.float32)
    edge_index = jax.random.randint(k2, (2, E), 0, N, dtype=jnp.int32)
    glorot_w = float(np.sqrt(6.0 / (D + H * C)))
    W = jax.random.uniform(k3, (D, H * C), dtype=jnp.float32, minval=-glorot_w, maxval=glorot_w)
    glorot_a = float(np.sqrt(6.0 / (1 + H * C)))
    att_src = jax.random.uniform(k4, (H, C), dtype=jnp.float32, minval=-glorot_a, maxval=glorot_a)
    att_dst = jax.random.uniform(k5, (H, C), dtype=jnp.float32, minval=-glorot_a, maxval=glorot_a)
    bias = jnp.zeros((C,), dtype=jnp.float32)
    return {"features": features, "edge_index": edge_index, "W": W, "att_src": att_src, "att_dst": att_dst, "bias": bias}


def _gat_conv(x, edge_index, W, att_src, att_dst, bias):
    Nn = x.shape[0]
    xw = (x @ W).reshape(Nn, H, C)
    alpha_src = jnp.sum(xw * att_src[None, :, :], axis=-1)  # [N, H]
    alpha_dst = jnp.sum(xw * att_dst[None, :, :], axis=-1)  # [N, H]
    # add self loops (PyG add_self_loops=True)
    loops = jnp.arange(Nn, dtype=edge_index.dtype)
    src = jnp.concatenate([edge_index[0], loops])
    dst = jnp.concatenate([edge_index[1], loops])
    alpha = alpha_src[src] + alpha_dst[dst]  # [E+N, H]
    alpha = jax.nn.leaky_relu(alpha, negative_slope=0.2)
    # softmax over incoming edges per destination node
    amax = jax.ops.segment_max(alpha, dst, num_segments=Nn)
    amax = jnp.where(jnp.isfinite(amax), amax, 0.0)
    ex = jnp.exp(alpha - amax[dst])
    denom = jax.ops.segment_sum(ex, dst, num_segments=Nn)
    a = ex / (denom[dst] + 1e-16)
    msg = xw[src] * a[:, :, None]  # [E+N, H, C]
    out = jax.ops.segment_sum(msg, dst, num_segments=Nn)  # [N, H, C]
    out = jnp.mean(out, axis=1)  # concat=False -> average heads
    return out + bias


def reference(features, edge_index, W, att_src, att_dst, bias):
    # use_residual=True: x + GATConv(x, edge_index)
    return features + _gat_conv(features, edge_index, W, att_src, att_dst, bias)

if __name__ == "__main__":
    import jax
    _d = setup_inputs()
    print(jax.jit(kernel)(*tuple(_d.values())))

</pallas_src>

<mosaic_0001>
#map = affine_map<(d0, d1) -> (0, 0)>
#map1 = affine_map<(d0, d1) -> (0)>
#map2 = affine_map<(d0, d1) -> (0, 0, 0)>
module attributes {stable_mosaic.version = 14 : i64} {
  func.func @_pb_body(%arg0: i32, %arg1: i32, %arg2: memref<10000x16xf32, #tpu.memory_space<hbm>>, %arg3: memref<16xf32, #tpu.memory_space<hbm>>, %arg4: memref<10000x16xf32, #tpu.memory_space<hbm>>, %arg5: memref<10000x640xf32, #tpu.memory_space<hbm>>, %arg6: memref<320000xi32, #tpu.memory_space<hbm>>, %arg7: memref<320000xi32, #tpu.memory_space<hbm>>, %arg8: memref<2x10000x128xf32, #tpu.memory_space<hbm>>, %arg9: memref<16xf32, #tpu.memory_space<vmem>>, %arg10: memref<40xi32, #tpu.memory_space<vmem>>, %arg11: memref<40xi32, #tpu.memory_space<vmem>>, %arg12: memref<40x16xf32, #tpu.memory_space<vmem>>, %arg13: memref<40x16xf32, #tpu.memory_space<vmem>>, %arg14: memref<40x16xf32, #tpu.memory_space<vmem>>, %arg15: memref<40x640xf32, #tpu.memory_space<vmem>>, %arg16: memref<40x128xf32, #tpu.memory_space<vmem>>, %arg17: memref<48x128xf32, #tpu.memory_space<vmem>>, %arg18: memref<10000x128xf32, #tpu.memory_space<vmem_shared>>, %arg19: memref<!tpu.dma_semaphore, #tpu.memory_space<semaphore_mem>>) attributes {dimension_semantics = [#tpu.dimension_semantics<core_parallel>, #tpu.dimension_semantics<subcore_parallel>], iteration_bounds = array<i64: 2, 16>, scalar_prefetch = 0 : i64, scratch_operands = 11 : i64, tpu.core_type = #tpu.core_type<sc_vector_subcore>, window_params = [{transform_indices = #map}, {transform_indices = #map1}, {transform_indices = #map}, {transform_indices = #map}, {transform_indices = #map1}, {transform_indices = #map1}, {transform_indices = #map2}]} {
    %mul3A = arith.constant 16 : i32
    %mul3A_0 = arith.muli %arg0, %mul3A : i32
    %add3A = arith.addi %mul3A_0, %arg1 : i32
    "tpu.region"() ({
      %run_scoped3A = tpu.sem_alloc : memref<!tpu.dma_semaphore, #tpu.memory_space<semaphore_mem>>
      tpu.enqueue_dma source(%arg3 : memref<16xf32, #tpu.memory_space<hbm>>) target(%arg9 : memref<16xf32, #tpu.memory_space<vmem>>) target_semaphore(%run_scoped3A : memref<!tpu.dma_semaphore, #tpu.memory_space<semaphore_mem>>)
      tpu.wait_dma2 semaphore(%run_scoped3A : memref<!tpu.dma_semaphore, #tpu.memory_space<semaphore_mem>>) src(%arg3 : memref<16xf32, #tpu.memory_space<hbm>>) dst(%arg9 : memref<16xf32, #tpu.memory_space<vmem>>)
      tpu.yield
    }) : () -> ()
    %broadcast_in_dim3A = arith.constant 0.000000e+00 : f32
    %broadcast_in_dim3A_1 = vector.broadcast %broadcast_in_dim3A : f32 to vector<16xf32>
    %scan3A = arith.constant 0 : i32
    %scan3A_2 = arith.constant 0 : i32
    %scan3A_3 = arith.constant 384 : i32
    %scan3A_4 = arith.addi %scan3A_2, %scan3A_3 : i32
    %scan3A_5 = arith.constant 1 : i32
    scf.for %scan3A_199 = %scan3A_2 to %scan3A_4 step %scan3A_5  : i32 {
      %jit3A_200 = arith.constant 8 : i32
      %div3A = arith.divsi %scan3A_199, %jit3A_200 : i32
      %sign3A = arith.constant 0 : i32
      %sign3A_201 = arith.cmpi sgt, %scan3A_199, %sign3A : i32
      %sign3A_202 = arith.extui %sign3A_201 : i1 to i32
      %sign3A_203 = arith.constant 0 : i32
      %sign3A_204 = arith.cmpi slt, %scan3A_199, %sign3A_203 : i32
      %sign3A_205 = arith.extui %sign3A_204 : i1 to i32
      %sign3A_206 = arith.subi %sign3A_202, %sign3A_205 : i32
      %sign3A_207 = arith.constant 0 : i32
      %sign3A_208 = arith.cmpi sgt, %jit3A_200, %sign3A_207 : i32
      %sign3A_209 = arith.extui %sign3A_208 : i1 to i32
      %sign3A_210 = arith.constant 0 : i32
      %sign3A_211 = arith.cmpi slt, %jit3A_200, %sign3A_210 : i32
      %sign3A_212 = arith.extui %sign3A_211 : i1 to i32
      %sign3A_213 = arith.subi %sign3A_209, %sign3A_212 : i32
      %ne3A = arith.cmpi ne, %sign3A_206, %sign3A_213 : i32
      %rem3A = arith.remsi %scan3A_199, %jit3A_200 : i32
      %ne3A_214 = arith.constant 0 : i32
      %ne3A_215 = arith.cmpi ne, %rem3A, %ne3A_214 : i32
      %and3A_216 = arith.andi %ne3A, %ne3A_215 : i1
      %sub3A = arith.constant 1 : i32
      %sub3A_217 = arith.subi %div3A, %sub3A : i32
      %select_n3A_218 = arith.select %and3A_216, %sub3A_217, %div3A : i32
      %jit3A_219 = arith.constant 8 : i32
      %eq3A_220 = arith.constant 0 : i32
      %eq3A_221 = arith.cmpi eq, %jit3A_219, %eq3A_220 : i32
      %jit3A_222 = arith.constant 1 : i32
      %select_n3A_223 = arith.select %eq3A_221, %jit3A_222, %jit3A_219 : i32
      %rem3A_224 = arith.remsi %scan3A_199, %select_n3A_223 : i32
      %ne3A_225 = arith.constant 0 : i32
      %ne3A_226 = arith.cmpi ne, %rem3A_224, %ne3A_225 : i32
      %lt3A_227 = arith.constant 0 : i32
      %lt3A_228 = arith.cmpi slt, %rem3A_224, %lt3A_227 : i32
      %lt3A_229 = arith.constant 0 : i32
      %lt3A_230 = arith.cmpi slt, %select_n3A_223, %lt3A_229 : i32
      %ne3A_231 = arith.xori %lt3A_228, %lt3A_230 : i1
      %and3A_232 = arith.andi %ne3A_231, %ne3A_226 : i1
      %add3A_233 = arith.addi %rem3A_224, %select_n3A_223 : i32
      %select_n3A_234 = arith.select %and3A_232, %add3A_233, %rem3A_224 : i32
      %mul3A_235 = arith.constant 16 : i32
      %mul3A_236 = arith.muli %select_n3A_234, %mul3A_235 : i32
      %swap3A = arith.index_cast %select_n3A_218 : i32 to index
      %swap3A_237 = arith.index_cast %mul3A_236 : i32 to index
      %swap3A_238 = tpu.vector_load %arg17[%swap3A, %swap3A_237] {strides = array<i32>} : memref<48x128xf32, #tpu.memory_space<vmem>>, vector<1x16xf32>,
      %swap3A_239 = vector.shape_cast %swap3A_238 : vector<1x16xf32> to vector<16xf32>
      %swap3A_240 = vector.shape_cast %broadcast_in_dim3A_1 : vector<16xf32> to vector<1x16xf32>
      tpu.vector_store %arg17[%swap3A, %swap3A_237], %swap3A_240 {strides = array<i32>} : memref<48x128xf32, #tpu.memory_space<vmem>>, vector<1x16xf32>,
    }
    %scan3A_6 = arith.constant 384 : i32
    %mul3A_7 = arith.constant 624 : i32
    %mul3A_8 = arith.muli %arg1, %mul3A_7 : i32
    %add3A_9 = arith.constant 0 : i32
    %add3A_10 = arith.addi %mul3A_8, %add3A_9 : i32
    "tpu.region"() ({
      %run_scoped3A = tpu.sem_alloc : memref<!tpu.dma_semaphore, #tpu.memory_space<semaphore_mem>>
      %dma_start3A = arith.constant 0 : i32
      %dma_start3A_199 = tpu.memref_slice %arg18[%add3A_10, %dma_start3A] : memref<10000x128xf32, #tpu.memory_space<vmem_shared>> -> memref<48x128xf32, #tpu.memory_space<vmem_shared>>
      %dma_start3A_200 = arith.constant 0 : i32
      %dma_start3A_201 = tpu.memref_slice %arg18[%add3A_10, %dma_start3A_200] : memref<10000x128xf32, #tpu.memory_space<vmem_shared>> -> memref<48x128xf32, #tpu.memory_space<vmem_shared>>
      tpu.enqueue_dma source(%arg17 : memref<48x128xf32, #tpu.memory_space<vmem>>) target(%dma_start3A_201 : memref<48x128xf32, #tpu.memory_space<vmem_shared>>) target_semaphore(%run_scoped3A : memref<!tpu.dma_semaphore, #tpu.memory_space<semaphore_mem>>)
      %dma_wait3A = arith.constant 0 : i32
      %dma_wait3A_202 = tpu.memref_slice %arg18[%add3A_10, %dma_wait3A] : memref<10000x128xf32, #tpu.memory_space<vmem_shared>> -> memref<48x128xf32, #tpu.memory_space<vmem_shared>>
      %dma_wait3A_203 = arith.constant 0 : i32
      %dma_wait3A_204 = tpu.memref_slice %arg18[%add3A_10, %dma_wait3A_203] : memref<10000x128xf32, #tpu.memory_space<vmem_shared>> -> memref<48x128xf32, #tpu.memory_space<vmem_shared>>
      tpu.wait_dma2 semaphore(%run_scoped3A : memref<!tpu.dma_semaphore, #tpu.memory_space<semaphore_mem>>) src(%arg17 : memref<48x128xf32, #tpu.memory_space<vmem>>) dst(%dma_wait3A_204 : memref<48x128xf32, #tpu.memory_space<vmem_shared>>)
      tpu.yield
    }) : () -> ()
    %mul3A_11 = arith.constant 624 : i32
    %mul3A_12 = arith.muli %arg1, %mul3A_11 : i32
    %add3A_13 = arith.constant 48 : i32
    %add3A_14 = arith.addi %mul3A_12, %add3A_13 : i32
    "tpu.region"() ({
      %run_scoped3A = tpu.sem_alloc : memref<!tpu.dma_semaphore, #tpu.memory_space<semaphore_mem>>
      %dma_start3A = arith.constant 0 : i32
      %dma_start3A_199 = tpu.memref_slice %arg18[%add3A_14, %dma_start3A] : memref<10000x128xf32, #tpu.memory_space<vmem_shared>> -> memref<48x128xf32, #tpu.memory_space<vmem_shared>>
      %dma_start3A_200 = arith.constant 0 : i32
      %dma_start3A_201 = tpu.memref_slice %arg18[%add3A_14, %dma_start3A_200] : memref<10000x128xf32, #tpu.memory_space<vmem_shared>> -> memref<48x128xf32, #tpu.memory_space<vmem_shared>>
      tpu.enqueue_dma source(%arg17 : memref<48x128xf32, #tpu.memory_space<vmem>>) target(%dma_start3A_201 : memref<48x128xf32, #tpu.memory_space<vmem_shared>>) target_semaphore(%run_scoped3A : memref<!tpu.dma_semaphore, #tpu.memory_space<semaphore_mem>>)
      %dma_wait3A = arith.constant 0 : i32
      %dma_wait3A_202 = tpu.memref_slice %arg18[%add3A_14, %dma_wait3A] : memref<10000x128xf32, #tpu.memory_space<vmem_shared>> -> memref<48x128xf32, #tpu.memory_space<vmem_shared>>
      %dma_wait3A_203 = arith.constant 0 : i32
      %dma_wait3A_204 = tpu.memref_slice %arg18[%add3A_14, %dma_wait3A_203] : memref<10000x128xf32, #tpu.memory_space<vmem_shared>> -> memref<48x128xf32, #tpu.memory_space<vmem_shared>>
      tpu.wait_dma2 semaphore(%run_scoped3A : memref<!tpu.dma_semaphore, #tpu.memory_space<semaphore_mem>>) src(%arg17 : memref<48x128xf32, #tpu.memory_space<vmem>>) dst(%dma_wait3A_204 : memref<48x128xf32, #tpu.memory_space<vmem_shared>>)
      tpu.yield
    }) : () -> ()
    %mul3A_15 = arith.constant 624 : i32
    %mul3A_16 = arith.muli %arg1, %mul3A_15 : i32
    %add3A_17 = arith.constant 96 : i32
    %add3A_18 = arith.addi %mul3A_16, %add3A_17 : i32
    "tpu.region"() ({
      %run_scoped3A = tpu.sem_alloc : memref<!tpu.dma_semaphore, #tpu.memory_space<semaphore_mem>>
      %dma_start3A = arith.constant 0 : i32
      %dma_start3A_199 = tpu.memref_slice %arg18[%add3A_18, %dma_start3A] : memref<10000x128xf32, #tpu.memory_space<vmem_shared>> -> memref<48x128xf32, #tpu.memory_space<vmem_shared>>
      %dma_start3A_200 = arith.constant 0 : i32
      %dma_start3A_201 = tpu.memref_slice %arg18[%add3A_18, %dma_start3A_200] : memref<10000x128xf32, #tpu.memory_space<vmem_shared>> -> memref<48x128xf32, #tpu.memory_space<vmem_shared>>
      tpu.enqueue_dma source(%arg17 : memref<48x128xf32, #tpu.memory_space<vmem>>) target(%dma_start3A_201 : memref<48x128xf32, #tpu.memory_space<vmem_shared>>) target_semaphore(%run_scoped3A : memref<!tpu.dma_semaphore, #tpu.memory_space<semaphore_mem>>)
      %dma_wait3A = arith.constant 0 : i32
      %dma_wait3A_202 = tpu.memref_slice %arg18[%add3A_18, %dma_wait3A] : memref<10000x128xf32, #tpu.memory_space<vmem_shared>> -> memref<48x128xf32, #tpu.memory_space<vmem_shared>>
      %dma_wait3A_203 = arith.constant 0 : i32
      %dma_wait3A_204 = tpu.memref_slice %arg18[%add3A_18, %dma_wait3A_203] : memref<10000x128xf32, #tpu.memory_space<vmem_shared>> -> memref<48x128xf32, #tpu.memory_space<vmem_shared>>
      tpu.wait_dma2 semaphore(%run_scoped3A : memref<!tpu.dma_semaphore, #tpu.memory_space<semaphore_mem>>) src(%arg17 : memref<48x128xf32, #tpu.memory_space<vmem>>) dst(%dma_wait3A_204 : memref<48x128xf32, #tpu.memory_space<vmem_shared>>)
      tpu.yield
    }) : () -> ()
    %mul3A_19 = arith.constant 624 : i32
    %mul3A_20 = arith.muli %arg1, %mul3A_19 : i32
    %add3A_21 = arith.constant 144 : i32
    %add3A_22 = arith.addi %mul3A_20, %add3A_21 : i32
    "tpu.region"() ({
      %run_scoped3A = tpu.sem_alloc : memref<!tpu.dma_semaphore, #tpu.memory_space<semaphore_mem>>
      %dma_start3A = arith.constant 0 : i32
      %dma_start3A_199 = tpu.memref_slice %arg18[%add3A_22, %dma_start3A] : memref<10000x128xf32, #tpu.memory_space<vmem_shared>> -> memref<48x128xf32, #tpu.memory_space<vmem_shared>>
      %dma_start3A_200 = arith.constant 0 : i32
      %dma_start3A_201 = tpu.memref_slice %arg18[%add3A_22, %dma_start3A_200] : memref<10000x128xf32, #tpu.memory_space<vmem_shared>> -> memref<48x128xf32, #tpu.memory_space<vmem_shared>>
      tpu.enqueue_dma source(%arg17 : memref<48x128xf32, #tpu.memory_space<vmem>>) target(%dma_start3A_201 : memref<48x128xf32, #tpu.memory_space<vmem_shared>>) target_semaphore(%run_scoped3A : memref<!tpu.dma_semaphore, #tpu.memory_space<semaphore_mem>>)
      %dma_wait3A = arith.constant 0 : i32
      %dma_wait3A_202 = tpu.memref_slice %arg18[%add3A_22, %dma_wait3A] : memref<10000x128xf32, #tpu.memory_space<vmem_shared>> -> memref<48x128xf32, #tpu.memory_space<vmem_shared>>
      %dma_wait3A_203 = arith.constant 0 : i32
      %dma_wait3A_204 = tpu.memref_slice %arg18[%add3A_22, %dma_wait3A_203] : memref<10000x128xf32, #tpu.memory_space<vmem_shared>> -> memref<48x128xf32, #tpu.memory_space<vmem_shared>>
      tpu.wait_dma2 semaphore(%run_scoped3A : memref<!tpu.dma_semaphore, #tpu.memory_space<semaphore_mem>>) src(%arg17 : memref<48x128xf32, #tpu.memory_space<vmem>>) dst(%dma_wait3A_204 : memref<48x128xf32, #tpu.memory_space<vmem_shared>>)
      tpu.yield
    }) : () -> ()
    %mul3A_23 = arith.constant 624 : i32
    %mul3A_24 = arith.muli %arg1, %mul3A_23 : i32
    %add3A_25 = arith.constant 192 : i32
    %add3A_26 = arith.addi %mul3A_24, %add3A_25 : i32
    "tpu.region"() ({
      %run_scoped3A = tpu.sem_alloc : memref<!tpu.dma_semaphore, #tpu.memory_space<semaphore_mem>>
      %dma_start3A = arith.constant 0 : i32
      %dma_start3A_199 = tpu.memref_slice %arg18[%add3A_26, %dma_start3A] : memref<10000x128xf32, #tpu.memory_space<vmem_shared>> -> memref<48x128xf32, #tpu.memory_space<vmem_shared>>
      %dma_start3A_200 = arith.constant 0 : i32
      %dma_start3A_201 = tpu.memref_slice %arg18[%add3A_26, %dma_start3A_200] : memref<10000x128xf32, #tpu.memory_space<vmem_shared>> -> memref<48x128xf32, #tpu.memory_space<vmem_shared>>
      tpu.enqueue_dma source(%arg17 : memref<48x128xf32, #tpu.memory_space<vmem>>) target(%dma_start3A_201 : memref<48x128xf32, #tpu.memory_space<vmem_shared>>) target_semaphore(%run_scoped3A : memref<!tpu.dma_semaphore, #tpu.memory_space<semaphore_mem>>)
      %dma_wait3A = arith.constant 0 : i32
      %dma_wait3A_202 = tpu.memref_slice %arg18[%add3A_26, %dma_wait3A] : memref<10000x128xf32, #tpu.memory_space<vmem_shared>> -> memref<48x128xf32, #tpu.memory_space<vmem_shared>>
      %dma_wait3A_203 = arith.constant 0 : i32
      %dma_wait3A_204 = tpu.memref_slice %arg18[%add3A_26, %dma_wait3A_203] : memref<10000x128xf32, #tpu.memory_space<vmem_shared>> -> memref<48x128xf32, #tpu.memory_space<vmem_shared>>
      tpu.wait_dma2 semaphore(%run_scoped3A : memref<!tpu.dma_semaphore, #tpu.memory_space<semaphore_mem>>) src(%arg17 : memref<48x128xf32, #tpu.memory_space<vmem>>) dst(%dma_wait3A_204 : memref<48x128xf32, #tpu.memory_space<vmem_shared>>)
      tpu.yield
    }) : () -> ()
    %mul3A_27 = arith.constant 624 : i32
    %mul3A_28 = arith.muli %arg1, %mul3A_27 : i32
    %add3A_29 = arith.constant 240 : i32
    %add3A_30 = arith.addi %mul3A_28, %add3A_29 : i32
    "tpu.region"() ({
      %run_scoped3A = tpu.sem_alloc : memref<!tpu.dma_semaphore, #tpu.memory_space<semaphore_mem>>
      %dma_start3A = arith.constant 0 : i32
      %dma_start3A_199 = tpu.memref_slice %arg18[%add3A_30, %dma_start3A] : memref<10000x128xf32, #tpu.memory_space<vmem_shared>> -> memref<48x128xf32, #tpu.memory_space<vmem_shared>>
      %dma_start3A_200 = arith.constant 0 : i32
      %dma_start3A_201 = tpu.memref_slice %arg18[%add3A_30, %dma_start3A_200] : memref<10000x128xf32, #tpu.memory_space<vmem_shared>> -> memref<48x128xf32, #tpu.memory_space<vmem_shared>>
      tpu.enqueue_dma source(%arg17 : memref<48x128xf32, #tpu.memory_space<vmem>>) target(%dma_start3A_201 : memref<48x128xf32, #tpu.memory_space<vmem_shared>>) target_semaphore(%run_scoped3A : memref<!tpu.dma_semaphore, #tpu.memory_space<semaphore_mem>>)
      %dma_wait3A = arith.constant 0 : i32
      %dma_wait3A_202 = tpu.memref_slice %arg18[%add3A_30, %dma_wait3A] : memref<10000x128xf32, #tpu.memory_space<vmem_shared>> -> memref<48x128xf32, #tpu.memory_space<vmem_shared>>
      %dma_wait3A_203 = arith.constant 0 : i32
      %dma_wait3A_204 = tpu.memref_slice %arg18[%add3A_30, %dma_wait3A_203] : memref<10000x128xf32, #tpu.memory_space<vmem_shared>> -> memref<48x128xf32, #tpu.memory_space<vmem_shared>>
      tpu.wait_dma2 semaphore(%run_scoped3A : memref<!tpu.dma_semaphore, #tpu.memory_space<semaphore_mem>>) src(%arg17 : memref<48x128xf32, #tpu.memory_space<vmem>>) dst(%dma_wait3A_204 : memref<48x128xf32, #tpu.memory_space<vmem_shared>>)
      tpu.yield
    }) : () -> ()
    %mul3A_31 = arith.constant 624 : i32
    %mul3A_32 = arith.muli %arg1, %mul3A_31 : i32
    %add3A_33 = arith.constant 288 : i32
    %add3A_34 = arith.addi %mul3A_32, %add3A_33 : i32
    "tpu.region"() ({
      %run_scoped3A = tpu.sem_alloc : memref<!tpu.dma_semaphore, #tpu.memory_space<semaphore_mem>>
      %dma_start3A = arith.constant 0 : i32
      %dma_start3A_199 = tpu.memref_slice %arg18[%add3A_34, %dma_start3A] : memref<10000x128xf32, #tpu.memory_space<vmem_shared>> -> memref<48x128xf32, #tpu.memory_space<vmem_shared>>
      %dma_start3A_200 = arith.constant 0 : i32
      %dma_start3A_201 = tpu.memref_slice %arg18[%add3A_34, %dma_start3A_200] : memref<10000x128xf32, #tpu.memory_space<vmem_shared>> -> memref<48x128xf32, #tpu.memory_space<vmem_shared>>
      tpu.enqueue_dma source(%arg17 : memref<48x128xf32, #tpu.memory_space<vmem>>) target(%dma_start3A_201 : memref<48x128xf32, #tpu.memory_space<vmem_shared>>) target_semaphore(%run_scoped3A : memref<!tpu.dma_semaphore, #tpu.memory_space<semaphore_mem>>)
      %dma_wait3A = arith.constant 0 : i32
      %dma_wait3A_202 = tpu.memref_slice %arg18[%add3A_34, %dma_wait3A] : memref<10000x128xf32, #tpu.memory_space<vmem_shared>> -> memref<48x128xf32, #tpu.memory_space<vmem_shared>>
      %dma_wait3A_203 = arith.constant 0 : i32
      %dma_wait3A_204 = tpu.memref_slice %arg18[%add3A_34, %dma_wait3A_203] : memref<10000x128xf32, #tpu.memory_space<vmem_shared>> -> memref<48x128xf32, #tpu.memory_space<vmem_shared>>
      tpu.wait_dma2 semaphore(%run_scoped3A : memref<!tpu.dma_semaphore, #tpu.memory_space<semaphore_mem>>) src(%arg17 : memref<48x128xf32, #tpu.memory_space<vmem>>) dst(%dma_wait3A_204 : memref<48x128xf32, #tpu.memory_space<vmem_shared>>)
      tpu.yield
    }) : () -> ()
    %mul3A_35 = arith.constant 624 : i32
    %mul3A_36 = arith.muli %arg1, %mul3A_35 : i32
    %add3A_37 = arith.constant 336 : i32
    %add3A_38 = arith.addi %mul3A_36, %add3A_37 : i32
    "tpu.region"() ({
      %run_scoped3A = tpu.sem_alloc : memref<!tpu.dma_semaphore, #tpu.memory_space<semaphore_mem>>
      %dma_start3A = arith.constant 0 : i32
      %dma_start3A_199 = tpu.memref_slice %arg18[%add3A_38, %dma_start3A] : memref<10000x128xf32, #tpu.memory_space<vmem_shared>> -> memref<48x128xf32, #tpu.memory_space<vmem_shared>>
      %dma_start3A_200 = arith.constant 0 : i32
      %dma_start3A_201 = tpu.memref_slice %arg18[%add3A_38, %dma_start3A_200] : memref<10000x128xf32, #tpu.memory_space<vmem_shared>> -> memref<48x128xf32, #tpu.memory_space<vmem_shared>>
      tpu.enqueue_dma source(%arg17 : memref<48x128xf32, #tpu.memory_space<vmem>>) target(%dma_start3A_201 : memref<48x128xf32, #tpu.memory_space<vmem_shared>>) target_semaphore(%run_scoped3A : memref<!tpu.dma_semaphore, #tpu.memory_space<semaphore_mem>>)
      %dma_wait3A = arith.constant 0 : i32
      %dma_wait3A_202 = tpu.memref_slice %arg18[%add3A_38, %dma_wait3A] : memref<10000x128xf32, #tpu.memory_space<vmem_shared>> -> memref<48x128xf32, #tpu.memory_space<vmem_shared>>
      %dma_wait3A_203 = arith.constant 0 : i32
      %dma_wait3A_204 = tpu.memref_slice %arg18[%add3A_38, %dma_wait3A_203] : memref<10000x128xf32, #tpu.memory_space<vmem_shared>> -> memref<48x128xf32, #tpu.memory_space<vmem_shared>>
      tpu.wait_dma2 semaphore(%run_scoped3A : memref<!tpu.dma_semaphore, #tpu.memory_space<semaphore_mem>>) src(%arg17 : memref<48x128xf32, #tpu.memory_space<vmem>>) dst(%dma_wait3A_204 : memref<48x128xf32, #tpu.memory_space<vmem_shared>>)
      tpu.yield
    }) : () -> ()
    %mul3A_39 = arith.constant 624 : i32
    %mul3A_40 = arith.muli %arg1, %mul3A_39 : i32
    %add3A_41 = arith.constant 384 : i32
    %add3A_42 = arith.addi %mul3A_40, %add3A_41 : i32
    "tpu.region"() ({
      %run_scoped3A = tpu.sem_alloc : memref<!tpu.dma_semaphore, #tpu.memory_space<semaphore_mem>>
      %dma_start3A = arith.constant 0 : i32
      %dma_start3A_199 = tpu.memref_slice %arg18[%add3A_42, %dma_start3A] : memref<10000x128xf32, #tpu.memory_space<vmem_shared>> -> memref<48x128xf32, #tpu.memory_space<vmem_shared>>
      %dma_start3A_200 = arith.constant 0 : i32
      %dma_start3A_201 = tpu.memref_slice %arg18[%add3A_42, %dma_start3A_200] : memref<10000x128xf32, #tpu.memory_space<vmem_shared>> -> memref<48x128xf32, #tpu.memory_space<vmem_shared>>
      tpu.enqueue_dma source(%arg17 : memref<48x128xf32, #tpu.memory_space<vmem>>) target(%dma_start3A_201 : memref<48x128xf32, #tpu.memory_space<vmem_shared>>) target_semaphore(%run_scoped3A : memref<!tpu.dma_semaphore, #tpu.memory_space<semaphore_mem>>)
      %dma_wait3A = arith.constant 0 : i32
      %dma_wait3A_202 = tpu.memref_slice %arg18[%add3A_42, %dma_wait3A] : memref<10000x128xf32, #tpu.memory_space<vmem_shared>> -> memref<48x128xf32, #tpu.memory_space<vmem_shared>>
      %dma_wait3A_203 = arith.constant 0 : i32
      %dma_wait3A_204 = tpu.memref_slice %arg18[%add3A_42, %dma_wait3A_203] : memref<10000x128xf32, #tpu.memory_space<vmem_shared>> -> memref<48x128xf32, #tpu.memory_space<vmem_shared>>
      tpu.wait_dma2 semaphore(%run_scoped3A : memref<!tpu.dma_semaphore, #tpu.memory_space<semaphore_mem>>) src(%arg17 : memref<48x128xf32, #tpu.memory_space<vmem>>) dst(%dma_wait3A_204 : memref<48x128xf32, #tpu.memory_space<vmem_shared>>)
      tpu.yield
    }) : () -> ()
    %mul3A_43 = arith.constant 624 : i32
    %mul3A_44 = arith.muli %arg1, %mul3A_43 : i32
    %add3A_45 = arith.constant 432 : i32
    %add3A_46 = arith.addi %mul3A_44, %add3A_45 : i32
    "tpu.region"() ({
      %run_scoped3A = tpu.sem_alloc : memref<!tpu.dma_semaphore, #tpu.memory_space<semaphore_mem>>
      %dma_start3A = arith.constant 0 : i32
      %dma_start3A_199 = tpu.memref_slice %arg18[%add3A_46, %dma_start3A] : memref<10000x128xf32, #tpu.memory_space<vmem_shared>> -> memref<48x128xf32, #tpu.memory_space<vmem_shared>>
      %dma_start3A_200 = arith.constant 0 : i32
      %dma_start3A_201 = tpu.memref_slice %arg18[%add3A_46, %dma_start3A_200] : memref<10000x128xf32, #tpu.memory_space<vmem_shared>> -> memref<48x128xf32, #tpu.memory_space<vmem_shared>>
      tpu.enqueue_dma source(%arg17 : memref<48x128xf32, #tpu.memory_space<vmem>>) target(%dma_start3A_201 : memref<48x128xf32, #tpu.memory_space<vmem_shared>>) target_semaphore(%run_scoped3A : memref<!tpu.dma_semaphore, #tpu.memory_space<semaphore_mem>>)
      %dma_wait3A = arith.constant 0 : i32
      %dma_wait3A_202 = tpu.memref_slice %arg18[%add3A_46, %dma_wait3A] : memref<10000x128xf32, #tpu.memory_space<vmem_shared>> -> memref<48x128xf32, #tpu.memory_space<vmem_shared>>
      %dma_wait3A_203 = arith.constant 0 : i32
      %dma_wait3A_204 = tpu.memref_slice %arg18[%add3A_46, %dma_wait3A_203] : memref<10000x128xf32, #tpu.memory_space<vmem_shared>> -> memref<48x128xf32, #tpu.memory_space<vmem_shared>>
      tpu.wait_dma2 semaphore(%run_scoped3A : memref<!tpu.dma_semaphore, #tpu.memory_space<semaphore_mem>>) src(%arg17 : memref<48x128xf32, #tpu.memory_space<vmem>>) dst(%dma_wait3A_204 : memref<48x128xf32, #tpu.memory_space<vmem_shared>>)
      tpu.yield
    }) : () -> ()
    %mul3A_47 = arith.constant 624 : i32
    %mul3A_48 = arith.muli %arg1, %mul3A_47 : i32
    %add3A_49 = arith.constant 480 : i32
    %add3A_50 = arith.addi %mul3A_48, %add3A_49 : i32
    "tpu.region"() ({
      %run_scoped3A = tpu.sem_alloc : memref<!tpu.dma_semaphore, #tpu.memory_space<semaphore_mem>>
      %dma_start3A = arith.constant 0 : i32
      %dma_start3A_199 = tpu.memref_slice %arg18[%add3A_50, %dma_start3A] : memref<10000x128xf32, #tpu.memory_space<vmem_shared>> -> memref<48x128xf32, #tpu.memory_space<vmem_shared>>
      %dma_start3A_200 = arith.constant 0 : i32
      %dma_start3A_201 = tpu.memref_slice %arg18[%add3A_50, %dma_start3A_200] : memref<10000x128xf32, #tpu.memory_space<vmem_shared>> -> memref<48x128xf32, #tpu.memory_space<vmem_shared>>
      tpu.enqueue_dma source(%arg17 : memref<48x128xf32, #tpu.memory_space<vmem>>) target(%dma_start3A_201 : memref<48x128xf32, #tpu.memory_space<vmem_shared>>) target_semaphore(%run_scoped3A : memref<!tpu.dma_semaphore, #tpu.memory_space<semaphore_mem>>)
      %dma_wait3A = arith.constant 0 : i32
      %dma_wait3A_202 = tpu.memref_slice %arg18[%add3A_50, %dma_wait3A] : memref<10000x128xf32, #tpu.memory_space<vmem_shared>> -> memref<48x128xf32, #tpu.memory_space<vmem_shared>>
      %dma_wait3A_203 = arith.constant 0 : i32
      %dma_wait3A_204 = tpu.memref_slice %arg18[%add3A_50, %dma_wait3A_203] : memref<10000x128xf32, #tpu.memory_space<vmem_shared>> -> memref<48x128xf32, #tpu.memory_space<vmem_shared>>
      tpu.wait_dma2 semaphore(%run_scoped3A : memref<!tpu.dma_semaphore, #tpu.memory_space<semaphore_mem>>) src(%arg17 : memref<48x128xf32, #tpu.memory_space<vmem>>) dst(%dma_wait3A_204 : memref<48x128xf32, #tpu.memory_space<vmem_shared>>)
      tpu.yield
    }) : () -> ()
    %mul3A_51 = arith.constant 624 : i32
    %mul3A_52 = arith.muli %arg1, %mul3A_51 : i32
    %add3A_53 = arith.constant 528 : i32
    %add3A_54 = arith.addi %mul3A_52, %add3A_53 : i32
    "tpu.region"() ({
      %run_scoped3A = tpu.sem_alloc : memref<!tpu.dma_semaphore, #tpu.memory_space<semaphore_mem>>
      %dma_start3A = arith.constant 0 : i32
      %dma_start3A_199 = tpu.memref_slice %arg18[%add3A_54, %dma_start3A] : memref<10000x128xf32, #tpu.memory_space<vmem_shared>> -> memref<48x128xf32, #tpu.memory_space<vmem_shared>>
      %dma_start3A_200 = arith.constant 0 : i32
      %dma_start3A_201 = tpu.memref_slice %arg18[%add3A_54, %dma_start3A_200] : memref<10000x128xf32, #tpu.memory_space<vmem_shared>> -> memref<48x128xf32, #tpu.memory_space<vmem_shared>>
      tpu.enqueue_dma source(%arg17 : memref<48x128xf32, #tpu.memory_space<vmem>>) target(%dma_start3A_201 : memref<48x128xf32, #tpu.memory_space<vmem_shared>>) target_semaphore(%run_scoped3A : memref<!tpu.dma_semaphore, #tpu.memory_space<semaphore_mem>>)
      %dma_wait3A = arith.constant 0 : i32
      %dma_wait3A_202 = tpu.memref_slice %arg18[%add3A_54, %dma_wait3A] : memref<10000x128xf32, #tpu.memory_space<vmem_shared>> -> memref<48x128xf32, #tpu.memory_space<vmem_shared>>
      %dma_wait3A_203 = arith.constant 0 : i32
      %dma_wait3A_204 = tpu.memref_slice %arg18[%add3A_54, %dma_wait3A_203] : memref<10000x128xf32, #tpu.memory_space<vmem_shared>> -> memref<48x128xf32, #tpu.memory_space<vmem_shared>>
      tpu.wait_dma2 semaphore(%run_scoped3A : memref<!tpu.dma_semaphore, #tpu.memory_space<semaphore_mem>>) src(%arg17 : memref<48x128xf32, #tpu.memory_space<vmem>>) dst(%dma_wait3A_204 : memref<48x128xf32, #tpu.memory_space<vmem_shared>>)
      tpu.yield
    }) : () -> ()
    %mul3A_55 = arith.constant 624 : i32
    %mul3A_56 = arith.muli %arg1, %mul3A_55 : i32
    %add3A_57 = arith.constant 576 : i32
    %add3A_58 = arith.addi %mul3A_56, %add3A_57 : i32
    "tpu.region"() ({
      %run_scoped3A = tpu.sem_alloc : memref<!tpu.dma_semaphore, #tpu.memory_space<semaphore_mem>>
      %dma_start3A = arith.constant 0 : i32
      %dma_start3A_199 = tpu.memref_slice %arg18[%add3A_58, %dma_start3A] : memref<10000x128xf32, #tpu.memory_space<vmem_shared>> -> memref<48x128xf32, #tpu.memory_space<vmem_shared>>
      %dma_start3A_200 = arith.constant 0 : i32
      %dma_start3A_201 = tpu.memref_slice %arg18[%add3A_58, %dma_start3A_200] : memref<10000x128xf32, #tpu.memory_space<vmem_shared>> -> memref<48x128xf32, #tpu.memory_space<vmem_shared>>
      tpu.enqueue_dma source(%arg17 : memref<48x128xf32, #tpu.memory_space<vmem>>) target(%dma_start3A_201 : memref<48x128xf32, #tpu.memory_space<vmem_shared>>) target_semaphore(%run_scoped3A : memref<!tpu.dma_semaphore, #tpu.memory_space<semaphore_mem>>)
      %dma_wait3A = arith.constant 0 : i32
      %dma_wait3A_202 = tpu.memref_slice %arg18[%add3A_58, %dma_wait3A] : memref<10000x128xf32, #tpu.memory_space<vmem_shared>> -> memref<48x128xf32, #tpu.memory_space<vmem_shared>>
      %dma_wait3A_203 = arith.constant 0 : i32
      %dma_wait3A_204 = tpu.memref_slice %arg18[%add3A_58, %dma_wait3A_203] : memref<10000x128xf32, #tpu.memory_space<vmem_shared>> -> memref<48x128xf32, #tpu.memory_space<vmem_shared>>
      tpu.wait_dma2 semaphore(%run_scoped3A : memref<!tpu.dma_semaphore, #tpu.memory_space<semaphore_mem>>) src(%arg17 : memref<48x128xf32, #tpu.memory_space<vmem>>) dst(%dma_wait3A_204 : memref<48x128xf32, #tpu.memory_space<vmem_shared>>)
      tpu.yield
    }) : () -> ()
    %eq3A = arith.constant 15 : i32
    %eq3A_59 = arith.cmpi eq, %arg1, %eq3A : i32
    %convert_element_type3A = arith.extui %eq3A_59 : i1 to i32
    %cond3A = arith.constant 0 : i32
    %cond3A_60 = arith.cmpi ne, %convert_element_type3A, %cond3A : i32
    scf.if %cond3A_60 {
      "tpu.region"() ({
        %run_scoped3A = tpu.sem_alloc : memref<!tpu.dma_semaphore, #tpu.memory_space<semaphore_mem>>
        %dma_start3A = arith.constant 0 : i32
        %dma_start3A_199 = arith.constant 0 : i32
        %dma_start3A_200 = tpu.memref_slice %arg17[%dma_start3A, %dma_start3A_199] : memref<48x128xf32, #tpu.memory_space<vmem>> -> memref<16x128xf32, #tpu.memory_space<vmem>>
        %dma_start3A_201 = arith.constant 9984 : i32
        %dma_start3A_202 = arith.constant 0 : i32
        %dma_start3A_203 = tpu.memref_slice %arg18[%dma_start3A_201, %dma_start3A_202] : memref<10000x128xf32, #tpu.memory_space<vmem_shared>> -> memref<16x128xf32, #tpu.memory_space<vmem_shared>>
        %dma_start3A_204 = arith.constant 9984 : i32
        %dma_start3A_205 = arith.constant 0 : i32
        %dma_start3A_206 = tpu.memref_slice %arg18[%dma_start3A_204, %dma_start3A_205] : memref<10000x128xf32, #tpu.memory_space<vmem_shared>> -> memref<16x128xf32, #tpu.memory_space<vmem_shared>>
        %dma_start3A_207 = arith.constant 0 : i32
        %dma_start3A_208 = arith.constant 0 : i32
        %dma_start3A_209 = tpu.memref_slice %arg17[%dma_start3A_207, %dma_start3A_208] : memref<48x128xf32, #tpu.memory_space<vmem>> -> memref<16x128xf32, #tpu.memory_space<vmem>>
        tpu.enqueue_dma source(%dma_start3A_209 : memref<16x128xf32, #tpu.memory_space<vmem>>) target(%dma_start3A_206 : memref<16x128xf32, #tpu.memory_space<vmem_shared>>) target_semaphore(%run_scoped3A : memref<!tpu.dma_semaphore, #tpu.memory_space<semaphore_mem>>)
        %dma_wait3A = arith.constant 0 : i32
        %dma_wait3A_210 = arith.constant 0 : i32
        %dma_wait3A_211 = tpu.memref_slice %arg17[%dma_wait3A, %dma_wait3A_210] : memref<48x128xf32, #tpu.memory_space<vmem>> -> memref<16x128xf32, #tpu.memory_space<vmem>>
        %dma_wait3A_212 = arith.constant 9984 : i32
        %dma_wait3A_213 = arith.constant 0 : i32
        %dma_wait3A_214 = tpu.memref_slice %arg18[%dma_wait3A_212, %dma_wait3A_213] : memref<10000x128xf32, #tpu.memory_space<vmem_shared>> -> memref<16x128xf32, #tpu.memory_space<vmem_shared>>
        %dma_wait3A_215 = arith.constant 9984 : i32
        %dma_wait3A_216 = arith.constant 0 : i32
        %dma_wait3A_217 = tpu.memref_slice %arg18[%dma_wait3A_215, %dma_wait3A_216] : memref<10000x128xf32, #tpu.memory_space<vmem_shared>> -> memref<16x128xf32, #tpu.memory_space<vmem_shared>>
        %dma_wait3A_218 = arith.constant 0 : i32
        %dma_wait3A_219 = arith.constant 0 : i32
        %dma_wait3A_220 = tpu.memref_slice %arg17[%dma_wait3A_218, %dma_wait3A_219] : memref<48x128xf32, #tpu.memory_space<vmem>> -> memref<16x128xf32, #tpu.memory_space<vmem>>
        tpu.wait_dma2 semaphore(%run_scoped3A : memref<!tpu.dma_semaphore, #tpu.memory_space<semaphore_mem>>) src(%dma_wait3A_220 : memref<16x128xf32, #tpu.memory_space<vmem>>) dst(%dma_wait3A_217 : memref<16x128xf32, #tpu.memory_space<vmem_shared>>)
        tpu.yield
      }) : () -> ()
    } else {
    }
    %barrier3A = arith.constant 0 : index
    tpu.barrier barrier_id(%barrier3A)
    %iota3A = tpu.iota {dimensions = array<i32: 0>} : vector<16xi32>
    %add3A_61 = arith.constant 8 : i32
    %add3A_62 = vector.broadcast %add3A_61 : i32 to vector<16xi32>
    %add3A_63 = arith.addi %iota3A, %add3A_62 : vector<16xi32>
    %and3A = arith.constant 15 : i32
    %and3A_64 = vector.broadcast %and3A : i32 to vector<16xi32>
    %and3A_65 = arith.andi %add3A_63, %and3A_64 : vector<16xi32>
    %lt3A = arith.constant 5 : i32
    %lt3A_66 = vector.broadcast %lt3A : i32 to vector<16xi32>
    %lt3A_67 = arith.cmpi slt, %iota3A, %lt3A_66 : vector<16xi32>
    %jit3A = arith.constant 1.000000e+00 : f32
    %jit3A_68 = arith.constant 0.000000e+00 : f32
    %broadcast_in_dim3A_69 = vector.broadcast %jit3A : f32 to vector<16xf32>
    %broadcast_in_dim3A_70 = vector.broadcast %jit3A_68 : f32 to vector<16xf32>
    %select_n3A = arith.select %lt3A_67, %broadcast_in_dim3A_69, %broadcast_in_dim3A_70 : vector<16xi1>, vector<16xf32>
    %get3A = arith.constant 0 : index
    %get3A_71 = tpu.vector_load %arg9[%get3A] {strides = array<i32>} : memref<16xf32, #tpu.memory_space<vmem>>, vector<16xf32>,
    %get3A_72 = vector.shape_cast %get3A_71 : vector<16xf32> to vector<16xf32>
    %broadcast_in_dim3A_73 = arith.constant 0 : i32
    %broadcast_in_dim3A_74 = vector.broadcast %broadcast_in_dim3A_73 : i32 to vector<16xi32>
    %broadcast_in_dim3A_75 = arith.constant 1 : i32
    %broadcast_in_dim3A_76 = vector.broadcast %broadcast_in_dim3A_75 : i32 to vector<16xi32>
    %broadcast_in_dim3A_77 = arith.constant 2 : i32
    %broadcast_in_dim3A_78 = vector.broadcast %broadcast_in_dim3A_77 : i32 to vector<16xi32>
    %broadcast_in_dim3A_79 = arith.constant 3 : i32
    %broadcast_in_dim3A_80 = vector.broadcast %broadcast_in_dim3A_79 : i32 to vector<16xi32>
    %broadcast_in_dim3A_81 = arith.constant 4 : i32
    %broadcast_in_dim3A_82 = vector.broadcast %broadcast_in_dim3A_81 : i32 to vector<16xi32>
    %scan3A_83 = arith.constant 0 : i32
    %scan3A_84 = arith.constant 0 : i32
    %scan3A_85 = arith.constant 250 : i32
    %scan3A_86 = arith.addi %scan3A_84, %scan3A_85 : i32
    %scan3A_87 = arith.constant 1 : i32
    scf.for %scan3A_199 = %scan3A_84 to %scan3A_86 step %scan3A_87  : i32 {
      %mul3A_200 = arith.constant 10000 : i32
      %mul3A_201 = arith.muli %add3A, %mul3A_200 : i32
      %mul3A_202 = arith.constant 40 : i32
      %mul3A_203 = arith.muli %scan3A_199, %mul3A_202 : i32
      %add3A_204 = arith.addi %mul3A_201, %mul3A_203 : i32
      "tpu.region"() ({
        %run_scoped3A = tpu.sem_alloc : memref<!tpu.dma_semaphore, #tpu.memory_space<semaphore_mem>>
        %dma_start3A_233 = tpu.memref_slice %arg6[%add3A_204] : memref<320000xi32, #tpu.memory_space<hbm>> -> memref<40xi32, #tpu.memory_space<hbm>>
        %dma_start3A_234 = tpu.memref_slice %arg6[%add3A_204] : memref<320000xi32, #tpu.memory_space<hbm>> -> memref<40xi32, #tpu.memory_space<hbm>>
        tpu.enqueue_dma source(%dma_start3A_234 : memref<40xi32, #tpu.memory_space<hbm>>) target(%arg10 : memref<40xi32, #tpu.memory_space<vmem>>) target_semaphore(%run_scoped3A : memref<!tpu.dma_semaphore, #tpu.memory_space<semaphore_mem>>)
        %dma_wait3A_235 = tpu.memref_slice %arg6[%add3A_204] : memref<320000xi32, #tpu.memory_space<hbm>> -> memref<40xi32, #tpu.memory_space<hbm>>
        %dma_wait3A_236 = tpu.memref_slice %arg6[%add3A_204] : memref<320000xi32, #tpu.memory_space<hbm>> -> memref<40xi32, #tpu.memory_space<hbm>>
        tpu.wait_dma2 semaphore(%run_scoped3A : memref<!tpu.dma_semaphore, #tpu.memory_space<semaphore_mem>>) src(%dma_wait3A_236 : memref<40xi32, #tpu.memory_space<hbm>>) dst(%arg10 : memref<40xi32, #tpu.memory_space<vmem>>)
        tpu.yield
      }) : () -> ()
      "tpu.region"() ({
        %run_scoped3A = tpu.sem_alloc : memref<!tpu.dma_semaphore, #tpu.memory_space<semaphore_mem>>
        %dma_start3A_233 = tpu.memref_slice %arg7[%add3A_204] : memref<320000xi32, #tpu.memory_space<hbm>> -> memref<40xi32, #tpu.memory_space<hbm>>
        %dma_start3A_234 = tpu.memref_slice %arg7[%add3A_204] : memref<320000xi32, #tpu.memory_space<hbm>> -> memref<40xi32, #tpu.memory_space<hbm>>
        tpu.enqueue_dma source(%dma_start3A_234 : memref<40xi32, #tpu.memory_space<hbm>>) target(%arg11 : memref<40xi32, #tpu.memory_space<vmem>>) target_semaphore(%run_scoped3A : memref<!tpu.dma_semaphore, #tpu.memory_space<semaphore_mem>>)
        %dma_wait3A_235 = tpu.memref_slice %arg7[%add3A_204] : memref<320000xi32, #tpu.memory_space<hbm>> -> memref<40xi32, #tpu.memory_space<hbm>>
        %dma_wait3A_236 = tpu.memref_slice %arg7[%add3A_204] : memref<320000xi32, #tpu.memory_space<hbm>> -> memref<40xi32, #tpu.memory_space<hbm>>
        tpu.wait_dma2 semaphore(%run_scoped3A : memref<!tpu.dma_semaphore, #tpu.memory_space<semaphore_mem>>) src(%dma_wait3A_236 : memref<40xi32, #tpu.memory_space<hbm>>) dst(%arg11 : memref<40xi32, #tpu.memory_space<vmem>>)
        tpu.yield
      }) : () -> ()
      %dma_start3A = arith.constant 0 : i32
      %dma_start3A_205 = arith.constant 0 : i32
      %dma_start3A_206 = tpu.memref_slice %arg2[%dma_start3A, %dma_start3A_205] : memref<10000x16xf32, #tpu.memory_space<hbm>> -> memref<10000x16xf32, #tpu.memory_space<hbm>>
      tpu.enqueue_indirect_dma source(%dma_start3A_206 : memref<10000x16xf32, #tpu.memory_space<hbm>>) target(%arg12 : memref<40x16xf32, #tpu.memory_space<vmem>>) offsets(%arg10 : memref<40xi32, #tpu.memory_space<vmem>>) semaphore(%arg19 : memref<!tpu.dma_semaphore, #tpu.memory_space<semaphore_mem>>)
      %dma_wait3A = arith.constant 0 : i32
      %dma_wait3A_207 = arith.constant 0 : i32
      %dma_wait3A_208 = tpu.memref_slice %arg2[%dma_wait3A, %dma_wait3A_207] : memref<10000x16xf32, #tpu.memory_space<hbm>> -> memref<10000x16xf32, #tpu.memory_space<hbm>>
      tpu.wait_indirect_dma semaphore(%arg19 : memref<!tpu.dma_semaphore, #tpu.memory_space<semaphore_mem>>) src(%dma_wait3A_208 : memref<10000x16xf32, #tpu.memory_space<hbm>>) dst(%arg12 : memref<40x16xf32, #tpu.memory_space<vmem>>)
      %dma_start3A_209 = arith.constant 0 : i32
      %dma_start3A_210 = arith.constant 0 : i32
      %dma_start3A_211 = tpu.memref_slice %arg2[%dma_start3A_209, %dma_start3A_210] : memref<10000x16xf32, #tpu.memory_space<hbm>> -> memref<10000x16xf32, #tpu.memory_space<hbm>>
      tpu.enqueue_indirect_dma source(%dma_start3A_211 : memref<10000x16xf32, #tpu.memory_space<hbm>>) target(%arg13 : memref<40x16xf32, #tpu.memory_space<vmem>>) offsets(%arg11 : memref<40xi32, #tpu.memory_space<vmem>>) semaphore(%arg19 : memref<!tpu.dma_semaphore, #tpu.memory_space<semaphore_mem>>)
      %dma_wait3A_212 = arith.constant 0 : i32
      %dma_wait3A_213 = arith.constant 0 : i32
      %dma_wait3A_214 = tpu.memref_slice %arg2[%dma_wait3A_212, %dma_wait3A_213] : memref<10000x16xf32, #tpu.memory_space<hbm>> -> memref<10000x16xf32, #tpu.memory_space<hbm>>
      tpu.wait_indirect_dma semaphore(%arg19 : memref<!tpu.dma_semaphore, #tpu.memory_space<semaphore_mem>>) src(%dma_wait3A_214 : memref<10000x16xf32, #tpu.memory_space<hbm>>) dst(%arg13 : memref<40x16xf32, #tpu.memory_space<vmem>>)
      %dma_start3A_215 = arith.constant 0 : i32
      %dma_start3A_216 = arith.constant 0 : i32
      %dma_start3A_217 = tpu.memref_slice %arg4[%dma_start3A_215, %dma_start3A_216] : memref<10000x16xf32, #tpu.memory_space<hbm>> -> memref<10000x16xf32, #tpu.memory_space<hbm>>
      tpu.enqueue_indirect_dma source(%dma_start3A_217 : memref<10000x16xf32, #tpu.memory_space<hbm>>) target(%arg14 : memref<40x16xf32, #tpu.memory_space<vmem>>) offsets(%arg11 : memref<40xi32, #tpu.memory_space<vmem>>) semaphore(%arg19 : memref<!tpu.dma_semaphore, #tpu.memory_space<semaphore_mem>>)
      %dma_wait3A_218 = arith.constant 0 : i32
      %dma_wait3A_219 = arith.constant 0 : i32
      %dma_wait3A_220 = tpu.memref_slice %arg4[%dma_wait3A_218, %dma_wait3A_219] : memref<10000x16xf32, #tpu.memory_space<hbm>> -> memref<10000x16xf32, #tpu.memory_space<hbm>>
      tpu.wait_indirect_dma semaphore(%arg19 : memref<!tpu.dma_semaphore, #tpu.memory_space<semaphore_mem>>) src(%dma_wait3A_220 : memref<10000x16xf32, #tpu.memory_space<hbm>>) dst(%arg14 : memref<40x16xf32, #tpu.memory_space<vmem>>)
      %dma_start3A_221 = arith.constant 0 : i32
      %dma_start3A_222 = arith.constant 0 : i32
      %dma_start3A_223 = tpu.memref_slice %arg5[%dma_start3A_221, %dma_start3A_222] : memref<10000x640xf32, #tpu.memory_space<hbm>> -> memref<10000x640xf32, #tpu.memory_space<hbm>>
      tpu.enqueue_indirect_dma source(%dma_start3A_223 : memref<10000x640xf32, #tpu.memory_space<hbm>>) target(%arg15 : memref<40x640xf32, #tpu.memory_space<vmem>>) offsets(%arg10 : memref<40xi32, #tpu.memory_space<vmem>>) semaphore(%arg19 : memref<!tpu.dma_semaphore, #tpu.memory_space<semaphore_mem>>)
      %dma_wait3A_224 = arith.constant 0 : i32
      %dma_wait3A_225 = arith.constant 0 : i32
      %dma_wait3A_226 = tpu.memref_slice %arg5[%dma_wait3A_224, %dma_wait3A_225] : memref<10000x640xf32, #tpu.memory_space<hbm>> -> memref<10000x640xf32, #tpu.memory_space<hbm>>
      tpu.wait_indirect_dma semaphore(%arg19 : memref<!tpu.dma_semaphore, #tpu.memory_space<semaphore_mem>>) src(%dma_wait3A_226 : memref<10000x640xf32, #tpu.memory_space<hbm>>) dst(%arg15 : memref<40x640xf32, #tpu.memory_space<vmem>>)
      %scan3A_227 = arith.constant 0 : i32
      %scan3A_228 = arith.constant 0 : i32
      %scan3A_229 = arith.constant 40 : i32
      %scan3A_230 = arith.addi %scan3A_228, %scan3A_229 : i32
      %scan3A_231 = arith.constant 1 : i32
      scf.for %scan3A_233 = %scan3A_228 to %scan3A_230 step %scan3A_231  : i32 {
        %get3A_234 = arith.index_cast %scan3A_233 : i32 to index
        %get3A_235 = arith.constant 0 : index
        %get3A_236 = tpu.vector_load %arg12[%get3A_234, %get3A_235] {strides = array<i32>} : memref<40x16xf32, #tpu.memory_space<vmem>>, vector<1x16xf32>,
        %get3A_237 = vector.shape_cast %get3A_236 : vector<1x16xf32> to vector<16xf32>
        %get3A_238 = arith.index_cast %scan3A_233 : i32 to index
        %get3A_239 = arith.constant 0 : index
        %get3A_240 = tpu.vector_load %arg13[%get3A_238, %get3A_239] {strides = array<i32>} : memref<40x16xf32, #tpu.memory_space<vmem>>, vector<1x16xf32>,
        %get3A_241 = vector.shape_cast %get3A_240 : vector<1x16xf32> to vector<16xf32>
        %lt3A_242 = arith.constant 0 : i32
        %lt3A_243 = vector.broadcast %lt3A_242 : i32 to vector<16xi32>
        %lt3A_244 = arith.cmpi slt, %and3A_65, %lt3A_243 : vector<16xi32>
        %add3A_245 = arith.constant 16 : i32
        %add3A_246 = vector.broadcast %add3A_245 : i32 to vector<16xi32>
        %add3A_247 = arith.addi %and3A_65, %add3A_246 : vector<16xi32>
        %select_n3A_248 = arith.select %lt3A_244, %add3A_247, %and3A_65 : vector<16xi1>, vector<16xi32>
        %broadcast_in_dim3A_249 = vector.shape_cast %select_n3A_248 : vector<16xi32> to vector<16x1xi32>
        %gather3A = vector.shape_cast %broadcast_in_dim3A_249 : vector<16x1xi32> to vector<16xi32>
        %gather3A_250 = tpu.dynamic_gather %get3A_241[%gather3A] in [0] : vector<16xf32>, vector<16xi32> -> vector<16xf32>
        %add3A_251 = arith.addf %get3A_237, %gather3A_250 : vector<16xf32>
        %ge3A = arith.constant 0.000000e+00 : f32
        %ge3A_252 = vector.broadcast %ge3A : f32 to vector<16xf32>
        %ge3A_253 = arith.cmpf oge, %add3A_251, %ge3A_252 : vector<16xf32>
        %mul3A_254 = arith.constant 2.000000e-01 : f32
        %mul3A_255 = vector.broadcast %mul3A_254 : f32 to vector<16xf32>
        %mul3A_256 = arith.mulf %mul3A_255, %add3A_251 : vector<16xf32>
        %select_n3A_257 = arith.select %ge3A_253, %add3A_251, %mul3A_256 : vector<16xi1>, vector<16xf32>
        %sub3A = arith.subf %select_n3A_257, %get3A_72 : vector<16xf32>
        %exp3A = math.exp %sub3A : vector<16xf32>
        %mul3A_258 = arith.mulf %exp3A, %select_n3A : vector<16xf32>
        %get3A_259 = arith.index_cast %scan3A_233 : i32 to index
        %get3A_260 = arith.constant 0 : index
        %get3A_261 = tpu.vector_load %arg14[%get3A_259, %get3A_260] {strides = array<i32>} : memref<40x16xf32, #tpu.memory_space<vmem>>, vector<1x16xf32>,
        %get3A_262 = vector.shape_cast %get3A_261 : vector<1x16xf32> to vector<16xf32>
        %add3A_263 = arith.constant 1.000000e-16 : f32
        %add3A_264 = vector.broadcast %add3A_263 : f32 to vector<16xf32>
        %add3A_265 = arith.addf %get3A_262, %add3A_264 : vector<16xf32>
        %div3A = arith.divf %mul3A_258, %add3A_265 : vector<16xf32>
        %mul3A_266 = arith.constant 2.000000e-01 : f32
        %mul3A_267 = vector.broadcast %mul3A_266 : f32 to vector<16xf32>
        %mul3A_268 = arith.mulf %div3A, %mul3A_267 : vector<16xf32>
        %lt3A_269 = arith.constant 0 : i32
        %lt3A_270 = vector.broadcast %lt3A_269 : i32 to vector<16xi32>
        %lt3A_271 = arith.cmpi slt, %broadcast_in_dim3A_74, %lt3A_270 : vector<16xi32>
        %add3A_272 = arith.constant 16 : i32
        %add3A_273 = vector.broadcast %add3A_272 : i32 to vector<16xi32>
        %add3A_274 = arith.addi %broadcast_in_dim3A_74, %add3A_273 : vector<16xi32>
        %select_n3A_275 = arith.select %lt3A_271, %add3A_274, %broadcast_in_dim3A_74 : vector<16xi1>, vector<16xi32>
        %broadcast_in_dim3A_276 = vector.shape_cast %select_n3A_275 : vector<16xi32> to vector<16x1xi32>
        %gather3A_277 = vector.shape_cast %broadcast_in_dim3A_276 : vector<16x1xi32> to vector<16xi32>
        %gather3A_278 = tpu.dynamic_gather %mul3A_268[%gather3A_277] in [0] : vector<16xf32>, vector<16xi32> -> vector<16xf32>
        %lt3A_279 = arith.constant 0 : i32
        %lt3A_280 = vector.broadcast %lt3A_279 : i32 to vector<16xi32>
        %lt3A_281 = arith.cmpi slt, %broadcast_in_dim3A_76, %lt3A_280 : vector<16xi32>
        %add3A_282 = arith.constant 16 : i32
        %add3A_283 = vector.broadcast %add3A_282 : i32 to vector<16xi32>
        %add3A_284 = arith.addi %broadcast_in_dim3A_76, %add3A_283 : vector<16xi32>
        %select_n3A_285 = arith.select %lt3A_281, %add3A_284, %broadcast_in_dim3A_76 : vector<16xi1>, vector<16xi32>
        %broadcast_in_dim3A_286 = vector.shape_cast %select_n3A_285 : vector<16xi32> to vector<16x1xi32>
        %gather3A_287 = vector.shape_cast %broadcast_in_dim3A_286 : vector<16x1xi32> to vector<16xi32>
        %gather3A_288 = tpu.dynamic_gather %mul3A_268[%gather3A_287] in [0] : vector<16xf32>, vector<16xi32> -> vector<16xf32>
        %lt3A_289 = arith.constant 0 : i32
        %lt3A_290 = vector.broadcast %lt3A_289 : i32 to vector<16xi32>
        %lt3A_291 = arith.cmpi slt, %broadcast_in_dim3A_78, %lt3A_290 : vector<16xi32>
        %add3A_292 = arith.constant 16 : i32
        %add3A_293 = vector.broadcast %add3A_292 : i32 to vector<16xi32>
        %add3A_294 = arith.addi %broadcast_in_dim3A_78, %add3A_293 : vector<16xi32>
        %select_n3A_295 = arith.select %lt3A_291, %add3A_294, %broadcast_in_dim3A_78 : vector<16xi1>, vector<16xi32>
        %broadcast_in_dim3A_296 = vector.shape_cast %select_n3A_295 : vector<16xi32> to vector<16x1xi32>
        %gather3A_297 = vector.shape_cast %broadcast_in_dim3A_296 : vector<16x1xi32> to vector<16xi32>
        %gather3A_298 = tpu.dynamic_gather %mul3A_268[%gather3A_297] in [0] : vector<16xf32>, vector<16xi32> -> vector<16xf32>
        %lt3A_299 = arith.constant 0 : i32
        %lt3A_300 = vector.broadcast %lt3A_299 : i32 to vector<16xi32>
        %lt3A_301 = arith.cmpi slt, %broadcast_in_dim3A_80, %lt3A_300 : vector<16xi32>
        %add3A_302 = arith.constant 16 : i32
        %add3A_303 = vector.broadcast %add3A_302 : i32 to vector<16xi32>
        %add3A_304 = arith.addi %broadcast_in_dim3A_80, %add3A_303 : vector<16xi32>
        %select_n3A_305 = arith.select %lt3A_301, %add3A_304, %broadcast_in_dim3A_80 : vector<16xi1>, vector<16xi32>
        %broadcast_in_dim3A_306 = vector.shape_cast %select_n3A_305 : vector<16xi32> to vector<16x1xi32>
        %gather3A_307 = vector.shape_cast %broadcast_in_dim3A_306 : vector<16x1xi32> to vector<16xi32>
        %gather3A_308 = tpu.dynamic_gather %mul3A_268[%gather3A_307] in [0] : vector<16xf32>, vector<16xi32> -> vector<16xf32>
        %lt3A_309 = arith.constant 0 : i32
        %lt3A_310 = vector.broadcast %lt3A_309 : i32 to vector<16xi32>
        %lt3A_311 = arith.cmpi slt, %broadcast_in_dim3A_82, %lt3A_310 : vector<16xi32>
        %add3A_312 = arith.constant 16 : i32
        %add3A_313 = vector.broadcast %add3A_312 : i32 to vector<16xi32>
        %add3A_314 = arith.addi %broadcast_in_dim3A_82, %add3A_313 : vector<16xi32>
        %select_n3A_315 = arith.select %lt3A_311, %add3A_314, %broadcast_in_dim3A_82 : vector<16xi1>, vector<16xi32>
        %broadcast_in_dim3A_316 = vector.shape_cast %select_n3A_315 : vector<16xi32> to vector<16x1xi32>
        %gather3A_317 = vector.shape_cast %broadcast_in_dim3A_316 : vector<16x1xi32> to vector<16xi32>
        %gather3A_318 = tpu.dynamic_gather %mul3A_268[%gather3A_317] in [0] : vector<16xf32>, vector<16xi32> -> vector<16xf32>
        %get3A_319 = arith.index_cast %scan3A_233 : i32 to index
        %get3A_320 = arith.constant 0 : index
        %get3A_321 = tpu.vector_load %arg15[%get3A_319, %get3A_320] {strides = array<i32>} : memref<40x640xf32, #tpu.memory_space<vmem>>, vector<1x16xf32>,
        %get3A_322 = vector.shape_cast %get3A_321 : vector<1x16xf32> to vector<16xf32>
        %mul3A_323 = arith.mulf %gather3A_278, %get3A_322 : vector<16xf32>
        %get3A_324 = arith.index_cast %scan3A_233 : i32 to index
        %get3A_325 = arith.constant 128 : index
        %get3A_326 = tpu.vector_load %arg15[%get3A_324, %get3A_325] {strides = array<i32>} : memref<40x640xf32, #tpu.memory_space<vmem>>, vector<1x16xf32>,
        %get3A_327 = vector.shape_cast %get3A_326 : vector<1x16xf32> to vector<16xf32>
        %mul3A_328 = arith.mulf %gather3A_288, %get3A_327 : vector<16xf32>
        %add3A_329 = arith.addf %mul3A_323, %mul3A_328 : vector<16xf32>
        %get3A_330 = arith.index_cast %scan3A_233 : i32 to index
        %get3A_331 = arith.constant 256 : index
        %get3A_332 = tpu.vector_load %arg15[%get3A_330, %get3A_331] {strides = array<i32>} : memref<40x640xf32, #tpu.memory_space<vmem>>, vector<1x16xf32>,
        %get3A_333 = vector.shape_cast %get3A_332 : vector<1x16xf32> to vector<16xf32>
        %mul3A_334 = arith.mulf %gather3A_298, %get3A_333 : vector<16xf32>
        %add3A_335 = arith.addf %add3A_329, %mul3A_334 : vector<16xf32>
        %get3A_336 = arith.index_cast %scan3A_233 : i32 to index
        %get3A_337 = arith.constant 384 : index
        %get3A_338 = tpu.vector_load %arg15[%get3A_336, %get3A_337] {strides = array<i32>} : memref<40x640xf32, #tpu.memory_space<vmem>>, vector<1x16xf32>,
        %get3A_339 = vector.shape_cast %get3A_338 : vector<1x16xf32> to vector<16xf32>
        %mul3A_340 = arith.mulf %gather3A_308, %get3A_339 : vector<16xf32>
        %add3A_341 = arith.addf %add3A_335, %mul3A_340 : vector<16xf32>
        %get3A_342 = arith.index_cast %scan3A_233 : i32 to index
        %get3A_343 = arith.constant 512 : index
        %get3A_344 = tpu.vector_load %arg15[%get3A_342, %get3A_343] {strides = array<i32>} : memref<40x640xf32, #tpu.memory_space<vmem>>, vector<1x16xf32>,
        %get3A_345 = vector.shape_cast %get3A_344 : vector<1x16xf32> to vector<16xf32>
        %mul3A_346 = arith.mulf %gather3A_318, %get3A_345 : vector<16xf32>
        %add3A_347 = arith.addf %add3A_341, %mul3A_346 : vector<16xf32>
        %swap3A = arith.index_cast %scan3A_233 : i32 to index
        %swap3A_348 = arith.constant 0 : index
        %swap3A_349 = tpu.vector_load %arg16[%swap3A, %swap3A_348] {strides = array<i32>} : memref<40x128xf32, #tpu.memory_space<vmem>>, vector<1x16xf32>,
        %swap3A_350 = vector.shape_cast %swap3A_349 : vector<1x16xf32> to vector<16xf32>
        %swap3A_351 = vector.shape_cast %add3A_347 : vector<16xf32> to vector<1x16xf32>
        tpu.vector_store %arg16[%swap3A, %swap3A_348], %swap3A_351 {strides = array<i32>} : memref<40x128xf32, #tpu.memory_space<vmem>>, vector<1x16xf32>,
        %get3A_352 = arith.index_cast %scan3A_233 : i32 to index
        %get3A_353 = arith.constant 16 : index
        %get3A_354 = tpu.vector_load %arg15[%get3A_352, %get3A_353] {strides = array<i32>} : memref<40x640xf32, #tpu.memory_space<vmem>>, vector<1x16xf32>,
        %get3A_355 = vector.shape_cast %get3A_354 : vector<1x16xf32> to vector<16xf32>
        %mul3A_356 = arith.mulf %gather3A_278, %get3A_355 : vector<16xf32>
        %get3A_357 = arith.index_cast %scan3A_233 : i32 to index
        %get3A_358 = arith.constant 144 : index
        %get3A_359 = tpu.vector_load %arg15[%get3A_357, %get3A_358] {strides = array<i32>} : memref<40x640xf32, #tpu.memory_space<vmem>>, vector<1x16xf32>,
        %get3A_360 = vector.shape_cast %get3A_359 : vector<1x16xf32> to vector<16xf32>
        %mul3A_361 = arith.mulf %gather3A_288, %get3A_360 : vector<16xf32>
        %add3A_362 = arith.addf %mul3A_356, %mul3A_361 : vector<16xf32>
        %get3A_363 = arith.index_cast %scan3A_233 : i32 to index
        %get3A_364 = arith.constant 272 : index
        %get3A_365 = tpu.vector_load %arg15[%get3A_363, %get3A_364] {strides = array<i32>} : memref<40x640xf32, #tpu.memory_space<vmem>>, vector<1x16xf32>,
        %get3A_366 = vector.shape_cast %get3A_365 : vector<1x16xf32> to vector<16xf32>
        %mul3A_367 = arith.mulf %gather3A_298, %get3A_366 : vector<16xf32>
        %add3A_368 = arith.addf %add3A_362, %mul3A_367 : vector<16xf32>
        %get3A_369 = arith.index_cast %scan3A_233 : i32 to index
        %get3A_370 = arith.constant 400 : index
        %get3A_371 = tpu.vector_load %arg15[%get3A_369, %get3A_370] {strides = array<i32>} : memref<40x640xf32, #tpu.memory_space<vmem>>, vector<1x16xf32>,
        %get3A_372 = vector.shape_cast %get3A_371 : vector<1x16xf32> to vector<16xf32>
        %mul3A_373 = arith.mulf %gather3A_308, %get3A_372 : vector<16xf32>
        %add3A_374 = arith.addf %add3A_368, %mul3A_373 : vector<16xf32>
        %get3A_375 = arith.index_cast %scan3A_233 : i32 to index
        %get3A_376 = arith.constant 528 : index
        %get3A_377 = tpu.vector_load %arg15[%get3A_375, %get3A_376] {strides = array<i32>} : memref<40x640xf32, #tpu.memory_space<vmem>>, vector<1x16xf32>,
        %get3A_378 = vector.shape_cast %get3A_377 : vector<1x16xf32> to vector<16xf32>
        %mul3A_379 = arith.mulf %gather3A_318, %get3A_378 : vector<16xf32>
        %add3A_380 = arith.addf %add3A_374, %mul3A_379 : vector<16xf32>
        %swap3A_381 = arith.index_cast %scan3A_233 : i32 to index
        %swap3A_382 = arith.constant 16 : index
        %swap3A_383 = tpu.vector_load %arg16[%swap3A_381, %swap3A_382] {strides = array<i32>} : memref<40x128xf32, #tpu.memory_space<vmem>>, vector<1x16xf32>,
        %swap3A_384 = vector.shape_cast %swap3A_383 : vector<1x16xf32> to vector<16xf32>
        %swap3A_385 = vector.shape_cast %add3A_380 : vector<16xf32> to vector<1x16xf32>
        tpu.vector_store %arg16[%swap3A_381, %swap3A_382], %swap3A_385 {strides = array<i32>} : memref<40x128xf32, #tpu.memory_space<vmem>>, vector<1x16xf32>,
        %get3A_386 = arith.index_cast %scan3A_233 : i32 to index
        %get3A_387 = arith.constant 32 : index
        %get3A_388 = tpu.vector_load %arg15[%get3A_386, %get3A_387] {strides = array<i32>} : memref<40x640xf32, #tpu.memory_space<vmem>>, vector<1x16xf32>,
        %get3A_389 = vector.shape_cast %get3A_388 : vector<1x16xf32> to vector<16xf32>
        %mul3A_390 = arith.mulf %gather3A_278, %get3A_389 : vector<16xf32>
        %get3A_391 = arith.index_cast %scan3A_233 : i32 to index
        %get3A_392 = arith.constant 160 : index
        %get3A_393 = tpu.vector_load %arg15[%get3A_391, %get3A_392] {strides = array<i32>} : memref<40x640xf32, #tpu.memory_space<vmem>>, vector<1x16xf32>,
        %get3A_394 = vector.shape_cast %get3A_393 : vector<1x16xf32> to vector<16xf32>
        %mul3A_395 = arith.mulf %gather3A_288, %get3A_394 : vector<16xf32>
        %add3A_396 = arith.addf %mul3A_390, %mul3A_395 : vector<16xf32>
        %get3A_397 = arith.index_cast %scan3A_233 : i32 to index
        %get3A_398 = arith.constant 288 : index
        %get3A_399 = tpu.vector_load %arg15[%get3A_397, %get3A_398] {strides = array<i32>} : memref<40x640xf32, #tpu.memory_space<vmem>>, vector<1x16xf32>,
        %get3A_400 = vector.shape_cast %get3A_399 : vector<1x16xf32> to vector<16xf32>
        %mul3A_401 = arith.mulf %gather3A_298, %get3A_400 : vector<16xf32>
        %add3A_402 = arith.addf %add3A_396, %mul3A_401 : vector<16xf32>
        %get3A_403 = arith.index_cast %scan3A_233 : i32 to index
        %get3A_404 = arith.constant 416 : index
        %get3A_405 = tpu.vector_load %arg15[%get3A_403, %get3A_404] {strides = array<i32>} : memref<40x640xf32, #tpu.memory_space<vmem>>, vector<1x16xf32>,
        %get3A_406 = vector.shape_cast %get3A_405 : vector<1x16xf32> to vector<16xf32>
        %mul3A_407 = arith.mulf %gather3A_308, %get3A_406 : vector<16xf32>
        %add3A_408 = arith.addf %add3A_402, %mul3A_407 : vector<16xf32>
        %get3A_409 = arith.index_cast %scan3A_233 : i32 to index
        %get3A_410 = arith.constant 544 : index
        %get3A_411 = tpu.vector_load %arg15[%get3A_409, %get3A_410] {strides = array<i32>} : memref<40x640xf32, #tpu.memory_space<vmem>>, vector<1x16xf32>,
        %get3A_412 = vector.shape_cast %get3A_411 : vector<1x16xf32> to vector<16xf32>
        %mul3A_413 = arith.mulf %gather3A_318, %get3A_412 : vector<16xf32>
        %add3A_414 = arith.addf %add3A_408, %mul3A_413 : vector<16xf32>
        %swap3A_415 = arith.index_cast %scan3A_233 : i32 to index
        %swap3A_416 = arith.constant 32 : index
        %swap3A_417 = tpu.vector_load %arg16[%swap3A_415, %swap3A_416] {strides = array<i32>} : memref<40x128xf32, #tpu.memory_space<vmem>>, vector<1x16xf32>,
        %swap3A_418 = vector.shape_cast %swap3A_417 : vector<1x16xf32> to vector<16xf32>
        %swap3A_419 = vector.shape_cast %add3A_414 : vector<16xf32> to vector<1x16xf32>
        tpu.vector_store %arg16[%swap3A_415, %swap3A_416], %swap3A_419 {strides = array<i32>} : memref<40x128xf32, #tpu.memory_space<vmem>>, vector<1x16xf32>,
        %get3A_420 = arith.index_cast %scan3A_233 : i32 to index
        %get3A_421 = arith.constant 48 : index
        %get3A_422 = tpu.vector_load %arg15[%get3A_420, %get3A_421] {strides = array<i32>} : memref<40x640xf32, #tpu.memory_space<vmem>>, vector<1x16xf32>,
        %get3A_423 = vector.shape_cast %get3A_422 : vector<1x16xf32> to vector<16xf32>
        %mul3A_424 = arith.mulf %gather3A_278, %get3A_423 : vector<16xf32>
        %get3A_425 = arith.index_cast %scan3A_233 : i32 to index
        %get3A_426 = arith.constant 176 : index
        %get3A_427 = tpu.vector_load %arg15[%get3A_425, %get3A_426] {strides = array<i32>} : memref<40x640xf32, #tpu.memory_space<vmem>>, vector<1x16xf32>,
        %get3A_428 = vector.shape_cast %get3A_427 : vector<1x16xf32> to vector<16xf32>
        %mul3A_429 = arith.mulf %gather3A_288, %get3A_428 : vector<16xf32>
        %add3A_430 = arith.addf %mul3A_424, %mul3A_429 : vector<16xf32>
        %get3A_431 = arith.index_cast %scan3A_233 : i32 to index
        %get3A_432 = arith.constant 304 : index
        %get3A_433 = tpu.vector_load %arg15[%get3A_431, %get3A_432] {strides = array<i32>} : memref<40x640xf32, #tpu.memory_space<vmem>>, vector<1x16xf32>,
        %get3A_434 = vector.shape_cast %get3A_433 : vector<1x16xf32> to vector<16xf32>
        %mul3A_435 = arith.mulf %gather3A_298, %get3A_434 : vector<16xf32>
        %add3A_436 = arith.addf %add3A_430, %mul3A_435 : vector<16xf32>
        %get3A_437 = arith.index_cast %scan3A_233 : i32 to index
        %get3A_438 = arith.constant 432 : index
        %get3A_439 = tpu.vector_load %arg15[%get3A_437, %get3A_438] {strides = array<i32>} : memref<40x640xf32, #tpu.memory_space<vmem>>, vector<1x16xf32>,
        %get3A_440 = vector.shape_cast %get3A_439 : vector<1x16xf32> to vector<16xf32>
        %mul3A_441 = arith.mulf %gather3A_308, %get3A_440 : vector<16xf32>
        %add3A_442 = arith.addf %add3A_436, %mul3A_441 : vector<16xf32>
        %get3A_443 = arith.index_cast %scan3A_233 : i32 to index
        %get3A_444 = arith.constant 560 : index
        %get3A_445 = tpu.vector_load %arg15[%get3A_443, %get3A_444] {strides = array<i32>} : memref<40x640xf32, #tpu.memory_space<vmem>>, vector<1x16xf32>,
        %get3A_446 = vector.shape_cast %get3A_445 : vector<1x16xf32> to vector<16xf32>
        %mul3A_447 = arith.mulf %gather3A_318, %get3A_446 : vector<16xf32>
        %add3A_448 = arith.addf %add3A_442, %mul3A_447 : vector<16xf32>
        %swap3A_449 = arith.index_cast %scan3A_233 : i32 to index
        %swap3A_450 = arith.constant 48 : index
        %swap3A_451 = tpu.vector_load %arg16[%swap3A_449, %swap3A_450] {strides = array<i32>} : memref<40x128xf32, #tpu.memory_space<vmem>>, vector<1x16xf32>,
        %swap3A_452 = vector.shape_cast %swap3A_451 : vector<1x16xf32> to vector<16xf32>
        %swap3A_453 = vector.shape_cast %add3A_448 : vector<16xf32> to vector<1x16xf32>
        tpu.vector_store %arg16[%swap3A_449, %swap3A_450], %swap3A_453 {strides = array<i32>} : memref<40x128xf32, #tpu.memory_space<vmem>>, vector<1x16xf32>,
        %get3A_454 = arith.index_cast %scan3A_233 : i32 to index
        %get3A_455 = arith.constant 64 : index
        %get3A_456 = tpu.vector_load %arg15[%get3A_454, %get3A_455] {strides = array<i32>} : memref<40x640xf32, #tpu.memory_space<vmem>>, vector<1x16xf32>,
        %get3A_457 = vector.shape_cast %get3A_456 : vector<1x16xf32> to vector<16xf32>
        %mul3A_458 = arith.mulf %gather3A_278, %get3A_457 : vector<16xf32>
        %get3A_459 = arith.index_cast %scan3A_233 : i32 to index
        %get3A_460 = arith.constant 192 : index
        %get3A_461 = tpu.vector_load %arg15[%get3A_459, %get3A_460] {strides = array<i32>} : memref<40x640xf32, #tpu.memory_space<vmem>>, vector<1x16xf32>,
        %get3A_462 = vector.shape_cast %get3A_461 : vector<1x16xf32> to vector<16xf32>
        %mul3A_463 = arith.mulf %gather3A_288, %get3A_462 : vector<16xf32>
        %add3A_464 = arith.addf %mul3A_458, %mul3A_463 : vector<16xf32>
        %get3A_465 = arith.index_cast %scan3A_233 : i32 to index
        %get3A_466 = arith.constant 320 : index
        %get3A_467 = tpu.vector_load %arg15[%get3A_465, %get3A_466] {strides = array<i32>} : memref<40x640xf32, #tpu.memory_space<vmem>>, vector<1x16xf32>,
        %get3A_468 = vector.shape_cast %get3A_467 : vector<1x16xf32> to vector<16xf32>
        %mul3A_469 = arith.mulf %gather3A_298, %get3A_468 : vector<16xf32>
        %add3A_470 = arith.addf %add3A_464, %mul3A_469 : vector<16xf32>
        %get3A_471 = arith.index_cast %scan3A_233 : i32 to index
        %get3A_472 = arith.constant 448 : index
        %get3A_473 = tpu.vector_load %arg15[%get3A_471, %get3A_472] {strides = array<i32>} : memref<40x640xf32, #tpu.memory_space<vmem>>, vector<1x16xf32>,
        %get3A_474 = vector.shape_cast %get3A_473 : vector<1x16xf32> to vector<16xf32>
        %mul3A_475 = arith.mulf %gather3A_308, %get3A_474 : vector<16xf32>
        %add3A_476 = arith.addf %add3A_470, %mul3A_475 : vector<16xf32>
        %get3A_477 = arith.index_cast %scan3A_233 : i32 to index
        %get3A_478 = arith.constant 576 : index
        %get3A_479 = tpu.vector_load %arg15[%get3A_477, %get3A_478] {strides = array<i32>} : memref<40x640xf32, #tpu.memory_space<vmem>>, vector<1x16xf32>,
        %get3A_480 = vector.shape_cast %get3A_479 : vector<1x16xf32> to vector<16xf32>
        %mul3A_481 = arith.mulf %gather3A_318, %get3A_480 : vector<16xf32>
        %add3A_482 = arith.addf %add3A_476, %mul3A_481 : vector<16xf32>
        %swap3A_483 = arith.index_cast %scan3A_233 : i32 to index
        %swap3A_484 = arith.constant 64 : index
        %swap3A_485 = tpu.vector_load %arg16[%swap3A_483, %swap3A_484] {strides = array<i32>} : memref<40x128xf32, #tpu.memory_space<vmem>>, vector<1x16xf32>,
        %swap3A_486 = vector.shape_cast %swap3A_485 : vector<1x16xf32> to vector<16xf32>
        %swap3A_487 = vector.shape_cast %add3A_482 : vector<16xf32> to vector<1x16xf32>
        tpu.vector_store %arg16[%swap3A_483, %swap3A_484], %swap3A_487 {strides = array<i32>} : memref<40x128xf32, #tpu.memory_space<vmem>>, vector<1x16xf32>,
        %get3A_488 = arith.index_cast %scan3A_233 : i32 to index
        %get3A_489 = arith.constant 80 : index
        %get3A_490 = tpu.vector_load %arg15[%get3A_488, %get3A_489] {strides = array<i32>} : memref<40x640xf32, #tpu.memory_space<vmem>>, vector<1x16xf32>,
        %get3A_491 = vector.shape_cast %get3A_490 : vector<1x16xf32> to vector<16xf32>
        %mul3A_492 = arith.mulf %gather3A_278, %get3A_491 : vector<16xf32>
        %get3A_493 = arith.index_cast %scan3A_233 : i32 to index
        %get3A_494 = arith.constant 208 : index
        %get3A_495 = tpu.vector_load %arg15[%get3A_493, %get3A_494] {strides = array<i32>} : memref<40x640xf32, #tpu.memory_space<vmem>>, vector<1x16xf32>,
        %get3A_496 = vector.shape_cast %get3A_495 : vector<1x16xf32> to vector<16xf32>
        %mul3A_497 = arith.mulf %gather3A_288, %get3A_496 : vector<16xf32>
        %add3A_498 = arith.addf %mul3A_492, %mul3A_497 : vector<16xf32>
        %get3A_499 = arith.index_cast %scan3A_233 : i32 to index
        %get3A_500 = arith.constant 336 : index
        %get3A_501 = tpu.vector_load %arg15[%get3A_499, %get3A_500] {strides = array<i32>} : memref<40x640xf32, #tpu.memory_space<vmem>>, vector<1x16xf32>,
        %get3A_502 = vector.shape_cast %get3A_501 : vector<1x16xf32> to vector<16xf32>
        %mul3A_503 = arith.mulf %gather3A_298, %get3A_502 : vector<16xf32>
        %add3A_504 = arith.addf %add3A_498, %mul3A_503 : vector<16xf32>
        %get3A_505 = arith.index_cast %scan3A_233 : i32 to index
        %get3A_506 = arith.constant 464 : index
        %get3A_507 = tpu.vector_load %arg15[%get3A_505, %get3A_506] {strides = array<i32>} : memref<40x640xf32, #tpu.memory_space<vmem>>, vector<1x16xf32>,
        %get3A_508 = vector.shape_cast %get3A_507 : vector<1x16xf32> to vector<16xf32>
        %mul3A_509 = arith.mulf %gather3A_308, %get3A_508 : vector<16xf32>
        %add3A_510 = arith.addf %add3A_504, %mul3A_509 : vector<16xf32>
        %get3A_511 = arith.index_cast %scan3A_233 : i32 to index
        %get3A_512 = arith.constant 592 : index
        %get3A_513 = tpu.vector_load %arg15[%get3A_511, %get3A_512] {strides = array<i32>} : memref<40x640xf32, #tpu.memory_space<vmem>>, vector<1x16xf32>,
        %get3A_514 = vector.shape_cast %get3A_513 : vector<1x16xf32> to vector<16xf32>
        %mul3A_515 = arith.mulf %gather3A_318, %get3A_514 : vector<16xf32>
        %add3A_516 = arith.addf %add3A_510, %mul3A_515 : vector<16xf32>
        %swap3A_517 = arith.index_cast %scan3A_233 : i32 to index
        %swap3A_518 = arith.constant 80 : index
        %swap3A_519 = tpu.vector_load %arg16[%swap3A_517, %swap3A_518] {strides = array<i32>} : memref<40x128xf32, #tpu.memory_space<vmem>>, vector<1x16xf32>,
        %swap3A_520 = vector.shape_cast %swap3A_519 : vector<1x16xf32> to vector<16xf32>
        %swap3A_521 = vector.shape_cast %add3A_516 : vector<16xf32> to vector<1x16xf32>
        tpu.vector_store %arg16[%swap3A_517, %swap3A_518], %swap3A_521 {strides = array<i32>} : memref<40x128xf32, #tpu.memory_space<vmem>>, vector<1x16xf32>,
        %get3A_522 = arith.index_cast %scan3A_233 : i32 to index
        %get3A_523 = arith.constant 96 : index
        %get3A_524 = tpu.vector_load %arg15[%get3A_522, %get3A_523] {strides = array<i32>} : memref<40x640xf32, #tpu.memory_space<vmem>>, vector<1x16xf32>,
        %get3A_525 = vector.shape_cast %get3A_524 : vector<1x16xf32> to vector<16xf32>
        %mul3A_526 = arith.mulf %gather3A_278, %get3A_525 : vector<16xf32>
        %get3A_527 = arith.index_cast %scan3A_233 : i32 to index
        %get3A_528 = arith.constant 224 : index
        %get3A_529 = tpu.vector_load %arg15[%get3A_527, %get3A_528] {strides = array<i32>} : memref<40x640xf32, #tpu.memory_space<vmem>>, vector<1x16xf32>,
        %get3A_530 = vector.shape_cast %get3A_529 : vector<1x16xf32> to vector<16xf32>
        %mul3A_531 = arith.mulf %gather3A_288, %get3A_530 : vector<16xf32>
        %add3A_532 = arith.addf %mul3A_526, %mul3A_531 : vector<16xf32>
        %get3A_533 = arith.index_cast %scan3A_233 : i32 to index
        %get3A_534 = arith.constant 352 : index
        %get3A_535 = tpu.vector_load %arg15[%get3A_533, %get3A_534] {strides = array<i32>} : memref<40x640xf32, #tpu.memory_space<vmem>>, vector<1x16xf32>,
        %get3A_536 = vector.shape_cast %get3A_535 : vector<1x16xf32> to vector<16xf32>
        %mul3A_537 = arith.mulf %gather3A_298, %get3A_536 : vector<16xf32>
        %add3A_538 = arith.addf %add3A_532, %mul3A_537 : vector<16xf32>
        %get3A_539 = arith.index_cast %scan3A_233 : i32 to index
        %get3A_540 = arith.constant 480 : index
        %get3A_541 = tpu.vector_load %arg15[%get3A_539, %get3A_540] {strides = array<i32>} : memref<40x640xf32, #tpu.memory_space<vmem>>, vector<1x16xf32>,
        %get3A_542 = vector.shape_cast %get3A_541 : vector<1x16xf32> to vector<16xf32>
        %mul3A_543 = arith.mulf %gather3A_308, %get3A_542 : vector<16xf32>
        %add3A_544 = arith.addf %add3A_538, %mul3A_543 : vector<16xf32>
        %get3A_545 = arith.index_cast %scan3A_233 : i32 to index
        %get3A_546 = arith.constant 608 : index
        %get3A_547 = tpu.vector_load %arg15[%get3A_545, %get3A_546] {strides = array<i32>} : memref<40x640xf32, #tpu.memory_space<vmem>>, vector<1x16xf32>,
        %get3A_548 = vector.shape_cast %get3A_547 : vector<1x16xf32> to vector<16xf32>
        %mul3A_549 = arith.mulf %gather3A_318, %get3A_548 : vector<16xf32>
        %add3A_550 = arith.addf %add3A_544, %mul3A_549 : vector<16xf32>
        %swap3A_551 = arith.index_cast %scan3A_233 : i32 to index
        %swap3A_552 = arith.constant 96 : index
        %swap3A_553 = tpu.vector_load %arg16[%swap3A_551, %swap3A_552] {strides = array<i32>} : memref<40x128xf32, #tpu.memory_space<vmem>>, vector<1x16xf32>,
        %swap3A_554 = vector.shape_cast %swap3A_553 : vector<1x16xf32> to vector<16xf32>
        %swap3A_555 = vector.shape_cast %add3A_550 : vector<16xf32> to vector<1x16xf32>
        tpu.vector_store %arg16[%swap3A_551, %swap3A_552], %swap3A_555 {strides = array<i32>} : memref<40x128xf32, #tpu.memory_space<vmem>>, vector<1x16xf32>,
        %get3A_556 = arith.index_cast %scan3A_233 : i32 to index
        %get3A_557 = arith.constant 112 : index
        %get3A_558 = tpu.vector_load %arg15[%get3A_556, %get3A_557] {strides = array<i32>} : memref<40x640xf32, #tpu.memory_space<vmem>>, vector<1x16xf32>,
        %get3A_559 = vector.shape_cast %get3A_558 : vector<1x16xf32> to vector<16xf32>
        %mul3A_560 = arith.mulf %gather3A_278, %get3A_559 : vector<16xf32>
        %get3A_561 = arith.index_cast %scan3A_233 : i32 to index
        %get3A_562 = arith.constant 240 : index
        %get3A_563 = tpu.vector_load %arg15[%get3A_561, %get3A_562] {strides = array<i32>} : memref<40x640xf32, #tpu.memory_space<vmem>>, vector<1x16xf32>,
        %get3A_564 = vector.shape_cast %get3A_563 : vector<1x16xf32> to vector<16xf32>
        %mul3A_565 = arith.mulf %gather3A_288, %get3A_564 : vector<16xf32>
        %add3A_566 = arith.addf %mul3A_560, %mul3A_565 : vector<16xf32>
        %get3A_567 = arith.index_cast %scan3A_233 : i32 to index
        %get3A_568 = arith.constant 368 : index
        %get3A_569 = tpu.vector_load %arg15[%get3A_567, %get3A_568] {strides = array<i32>} : memref<40x640xf32, #tpu.memory_space<vmem>>, vector<1x16xf32>,
        %get3A_570 = vector.shape_cast %get3A_569 : vector<1x16xf32> to vector<16xf32>
        %mul3A_571 = arith.mulf %gather3A_298, %get3A_570 : vector<16xf32>
        %add3A_572 = arith.addf %add3A_566, %mul3A_571 : vector<16xf32>
        %get3A_573 = arith.index_cast %scan3A_233 : i32 to index
        %get3A_574 = arith.constant 496 : index
        %get3A_575 = tpu.vector_load %arg15[%get3A_573, %get3A_574] {strides = array<i32>} : memref<40x640xf32, #tpu.memory_space<vmem>>, vector<1x16xf32>,
        %get3A_576 = vector.shape_cast %get3A_575 : vector<1x16xf32> to vector<16xf32>
        %mul3A_577 = arith.mulf %gather3A_308, %get3A_576 : vector<16xf32>
        %add3A_578 = arith.addf %add3A_572, %mul3A_577 : vector<16xf32>
        %get3A_579 = arith.index_cast %scan3A_233 : i32 to index
        %get3A_580 = arith.constant 624 : index
        %get3A_581 = tpu.vector_load %arg15[%get3A_579, %get3A_580] {strides = array<i32>} : memref<40x640xf32, #tpu.memory_space<vmem>>, vector<1x16xf32>,
        %get3A_582 = vector.shape_cast %get3A_581 : vector<1x16xf32> to vector<16xf32>
        %mul3A_583 = arith.mulf %gather3A_318, %get3A_582 : vector<16xf32>
        %add3A_584 = arith.addf %add3A_578, %mul3A_583 : vector<16xf32>
        %swap3A_585 = arith.index_cast %scan3A_233 : i32 to index
        %swap3A_586 = arith.constant 112 : index
        %swap3A_587 = tpu.vector_load %arg16[%swap3A_585, %swap3A_586] {strides = array<i32>} : memref<40x128xf32, #tpu.memory_space<vmem>>, vector<1x16xf32>,
        %swap3A_588 = vector.shape_cast %swap3A_587 : vector<1x16xf32> to vector<16xf32>
        %swap3A_589 = vector.shape_cast %add3A_584 : vector<16xf32> to vector<1x16xf32>
        tpu.vector_store %arg16[%swap3A_585, %swap3A_586], %swap3A_589 {strides = array<i32>} : memref<40x128xf32, #tpu.memory_space<vmem>>, vector<1x16xf32>,
      }
      %scan3A_232 = arith.constant 40 : i32
      "tpu.region"() ({
        %run_scoped3A = tpu.sem_alloc : memref<!tpu.dma_semaphore, #tpu.memory_space<semaphore_mem>>
        %dma_start3A_233 = arith.constant 0 : i32
        %dma_start3A_234 = arith.constant 0 : i32
        %dma_start3A_235 = tpu.memref_slice %arg18[%dma_start3A_233, %dma_start3A_234] : memref<10000x128xf32, #tpu.memory_space<vmem_shared>> -> memref<10000x128xf32, #tpu.memory_space<vmem_shared>>
        tpu.enqueue_indirect_dma source(%arg16 : memref<40x128xf32, #tpu.memory_space<vmem>>) target(%dma_start3A_235 : memref<10000x128xf32, #tpu.memory_space<vmem_shared>>) offsets(%arg11 : memref<40xi32, #tpu.memory_space<vmem>>) semaphore(%run_scoped3A : memref<!tpu.dma_semaphore, #tpu.memory_space<semaphore_mem>>) {add = true}
        %dma_wait3A_236 = arith.constant 0 : i32
        %dma_wait3A_237 = arith.constant 0 : i32
        %dma_wait3A_238 = tpu.memref_slice %arg18[%dma_wait3A_236, %dma_wait3A_237] : memref<10000x128xf32, #tpu.memory_space<vmem_shared>> -> memref<10000x128xf32, #tpu.memory_space<vmem_shared>>
        tpu.wait_indirect_dma semaphore(%run_scoped3A : memref<!tpu.dma_semaphore, #tpu.memory_space<semaphore_mem>>) src(%arg16 : memref<40x128xf32, #tpu.memory_space<vmem>>) dst(%dma_wait3A_238 : memref<10000x128xf32, #tpu.memory_space<vmem_shared>>)
        tpu.yield
      }) : () -> ()
    }
    %scan3A_88 = arith.constant 250 : i32
    %barrier3A_89 = arith.constant 0 : index
    tpu.barrier barrier_id(%barrier3A_89)
    %mul3A_90 = arith.constant 624 : i32
    %mul3A_91 = arith.muli %arg1, %mul3A_90 : i32
    %add3A_92 = arith.constant 0 : i32
    %add3A_93 = arith.addi %mul3A_91, %add3A_92 : i32
    "tpu.region"() ({
      %run_scoped3A = tpu.sem_alloc : memref<!tpu.dma_semaphore, #tpu.memory_space<semaphore_mem>>
      %dma_start3A = arith.constant 0 : i32
      %dma_start3A_199 = tpu.memref_slice %arg18[%add3A_93, %dma_start3A] : memref<10000x128xf32, #tpu.memory_space<vmem_shared>> -> memref<48x128xf32, #tpu.memory_space<vmem_shared>>
      %dma_start3A_200 = arith.constant 0 : i32
      %dma_start3A_201 = tpu.memref_slice %arg18[%add3A_93, %dma_start3A_200] : memref<10000x128xf32, #tpu.memory_space<vmem_shared>> -> memref<48x128xf32, #tpu.memory_space<vmem_shared>>
      tpu.enqueue_dma source(%dma_start3A_201 : memref<48x128xf32, #tpu.memory_space<vmem_shared>>) target(%arg17 : memref<48x128xf32, #tpu.memory_space<vmem>>) target_semaphore(%run_scoped3A : memref<!tpu.dma_semaphore, #tpu.memory_space<semaphore_mem>>)
      %dma_wait3A = arith.constant 0 : i32
      %dma_wait3A_202 = tpu.memref_slice %arg18[%add3A_93, %dma_wait3A] : memref<10000x128xf32, #tpu.memory_space<vmem_shared>> -> memref<48x128xf32, #tpu.memory_space<vmem_shared>>
      %dma_wait3A_203 = arith.constant 0 : i32
      %dma_wait3A_204 = tpu.memref_slice %arg18[%add3A_93, %dma_wait3A_203] : memref<10000x128xf32, #tpu.memory_space<vmem_shared>> -> memref<48x128xf32, #tpu.memory_space<vmem_shared>>
      tpu.wait_dma2 semaphore(%run_scoped3A : memref<!tpu.dma_semaphore, #tpu.memory_space<semaphore_mem>>) src(%dma_wait3A_204 : memref<48x128xf32, #tpu.memory_space<vmem_shared>>) dst(%arg17 : memref<48x128xf32, #tpu.memory_space<vmem>>)
      tpu.yield
    }) : () -> ()
    %mul3A_94 = arith.constant 624 : i32
    %mul3A_95 = arith.muli %arg1, %mul3A_94 : i32
    %add3A_96 = arith.constant 0 : i32
    %add3A_97 = arith.addi %mul3A_95, %add3A_96 : i32
    "tpu.region"() ({
      %run_scoped3A = tpu.sem_alloc : memref<!tpu.dma_semaphore, #tpu.memory_space<semaphore_mem>>
      %dma_start3A = arith.constant 0 : i32
      %dma_start3A_199 = tpu.memref_slice %arg8[%arg0, %add3A_97, %dma_start3A] : memref<2x10000x128xf32, #tpu.memory_space<hbm>> -> memref<1x48x128xf32, #tpu.memory_space<hbm>>
      %dma_start3A_200 = tpu.memref_squeeze %dma_start3A_199 : memref<1x48x128xf32, #tpu.memory_space<hbm>> -> memref<48x128xf32, #tpu.memory_space<hbm>>
      %dma_start3A_201 = arith.constant 0 : i32
      %dma_start3A_202 = tpu.memref_slice %arg8[%arg0, %add3A_97, %dma_start3A_201] : memref<2x10000x128xf32, #tpu.memory_space<hbm>> -> memref<1x48x128xf32, #tpu.memory_space<hbm>>
      %dma_start3A_203 = tpu.memref_squeeze %dma_start3A_202 : memref<1x48x128xf32, #tpu.memory_space<hbm>> -> memref<48x128xf32, #tpu.memory_space<hbm>>
      tpu.enqueue_dma source(%arg17 : memref<48x128xf32, #tpu.memory_space<vmem>>) target(%dma_start3A_203 : memref<48x128xf32, #tpu.memory_space<hbm>>) target_semaphore(%run_scoped3A : memref<!tpu.dma_semaphore, #tpu.memory_space<semaphore_mem>>)
      %dma_wait3A = arith.constant 0 : i32
      %dma_wait3A_204 = tpu.memref_slice %arg8[%arg0, %add3A_97, %dma_wait3A] : memref<2x10000x128xf32, #tpu.memory_space<hbm>> -> memref<1x48x128xf32, #tpu.memory_space<hbm>>
      %dma_wait3A_205 = tpu.memref_squeeze %dma_wait3A_204 : memref<1x48x128xf32, #tpu.memory_space<hbm>> -> memref<48x128xf32, #tpu.memory_space<hbm>>
      %dma_wait3A_206 = arith.constant 0 : i32
      %dma_wait3A_207 = tpu.memref_slice %arg8[%arg0, %add3A_97, %dma_wait3A_206] : memref<2x10000x128xf32, #tpu.memory_space<hbm>> -> memref<1x48x128xf32, #tpu.memory_space<hbm>>
      %dma_wait3A_208 = tpu.memref_squeeze %dma_wait3A_207 : memref<1x48x128xf32, #tpu.memory_space<hbm>> -> memref<48x128xf32, #tpu.memory_space<hbm>>
      tpu.wait_dma2 semaphore(%run_scoped3A : memref<!tpu.dma_semaphore, #tpu.memory_space<semaphore_mem>>) src(%arg17 : memref<48x128xf32, #tpu.memory_space<vmem>>) dst(%dma_wait3A_208 : memref<48x128xf32, #tpu.memory_space<hbm>>)
      tpu.yield
    }) : () -> ()
    %mul3A_98 = arith.constant 624 : i32
    %mul3A_99 = arith.muli %arg1, %mul3A_98 : i32
    %add3A_100 = arith.constant 48 : i32
    %add3A_101 = arith.addi %mul3A_99, %add3A_100 : i32
    "tpu.region"() ({
      %run_scoped3A = tpu.sem_alloc : memref<!tpu.dma_semaphore, #tpu.memory_space<semaphore_mem>>
      %dma_start3A = arith.constant 0 : i32
      %dma_start3A_199 = tpu.memref_slice %arg18[%add3A_101, %dma_start3A] : memref<10000x128xf32, #tpu.memory_space<vmem_shared>> -> memref<48x128xf32, #tpu.memory_space<vmem_shared>>
      %dma_start3A_200 = arith.constant 0 : i32
      %dma_start3A_201 = tpu.memref_slice %arg18[%add3A_101, %dma_start3A_200] : memref<10000x128xf32, #tpu.memory_space<vmem_shared>> -> memref<48x128xf32, #tpu.memory_space<vmem_shared>>
      tpu.enqueue_dma source(%dma_start3A_201 : memref<48x128xf32, #tpu.memory_space<vmem_shared>>) target(%arg17 : memref<48x128xf32, #tpu.memory_space<vmem>>) target_semaphore(%run_scoped3A : memref<!tpu.dma_semaphore, #tpu.memory_space<semaphore_mem>>)
      %dma_wait3A = arith.constant 0 : i32
      %dma_wait3A_202 = tpu.memref_slice %arg18[%add3A_101, %dma_wait3A] : memref<10000x128xf32, #tpu.memory_space<vmem_shared>> -> memref<48x128xf32, #tpu.memory_space<vmem_shared>>
      %dma_wait3A_203 = arith.constant 0 : i32
      %dma_wait3A_204 = tpu.memref_slice %arg18[%add3A_101, %dma_wait3A_203] : memref<10000x128xf32, #tpu.memory_space<vmem_shared>> -> memref<48x128xf32, #tpu.memory_space<vmem_shared>>
      tpu.wait_dma2 semaphore(%run_scoped3A : memref<!tpu.dma_semaphore, #tpu.memory_space<semaphore_mem>>) src(%dma_wait3A_204 : memref<48x128xf32, #tpu.memory_space<vmem_shared>>) dst(%arg17 : memref<48x128xf32, #tpu.memory_space<vmem>>)
      tpu.yield
    }) : () -> ()
    %mul3A_102 = arith.constant 624 : i32
    %mul3A_103 = arith.muli %arg1, %mul3A_102 : i32
    %add3A_104 = arith.constant 48 : i32
    %add3A_105 = arith.addi %mul3A_103, %add3A_104 : i32
    "tpu.region"() ({
      %run_scoped3A = tpu.sem_alloc : memref<!tpu.dma_semaphore, #tpu.memory_space<semaphore_mem>>
      %dma_start3A = arith.constant 0 : i32
      %dma_start3A_199 = tpu.memref_slice %arg8[%arg0, %add3A_105, %dma_start3A] : memref<2x10000x128xf32, #tpu.memory_space<hbm>> -> memref<1x48x128xf32, #tpu.memory_space<hbm>>
      %dma_start3A_200 = tpu.memref_squeeze %dma_start3A_199 : memref<1x48x128xf32, #tpu.memory_space<hbm>> -> memref<48x128xf32, #tpu.memory_space<hbm>>
      %dma_start3A_201 = arith.constant 0 : i32
      %dma_start3A_202 = tpu.memref_slice %arg8[%arg0, %add3A_105, %dma_start3A_201] : memref<2x10000x128xf32, #tpu.memory_space<hbm>> -> memref<1x48x128xf32, #tpu.memory_space<hbm>>
      %dma_start3A_203 = tpu.memref_squeeze %dma_start3A_202 : memref<1x48x128xf32, #tpu.memory_space<hbm>> -> memref<48x128xf32, #tpu.memory_space<hbm>>
      tpu.enqueue_dma source(%arg17 : memref<48x128xf32, #tpu.memory_space<vmem>>) target(%dma_start3A_203 : memref<48x128xf32, #tpu.memory_space<hbm>>) target_semaphore(%run_scoped3A : memref<!tpu.dma_semaphore, #tpu.memory_space<semaphore_mem>>)
      %dma_wait3A = arith.constant 0 : i32
      %dma_wait3A_204 = tpu.memref_slice %arg8[%arg0, %add3A_105, %dma_wait3A] : memref<2x10000x128xf32, #tpu.memory_space<hbm>> -> memref<1x48x128xf32, #tpu.memory_space<hbm>>
      %dma_wait3A_205 = tpu.memref_squeeze %dma_wait3A_204 : memref<1x48x128xf32, #tpu.memory_space<hbm>> -> memref<48x128xf32, #tpu.memory_space<hbm>>
      %dma_wait3A_206 = arith.constant 0 : i32
      %dma_wait3A_207 = tpu.memref_slice %arg8[%arg0, %add3A_105, %dma_wait3A_206] : memref<2x10000x128xf32, #tpu.memory_space<hbm>> -> memref<1x48x128xf32, #tpu.memory_space<hbm>>
      %dma_wait3A_208 = tpu.memref_squeeze %dma_wait3A_207 : memref<1x48x128xf32, #tpu.memory_space<hbm>> -> memref<48x128xf32, #tpu.memory_space<hbm>>
      tpu.wait_dma2 semaphore(%run_scoped3A : memref<!tpu.dma_semaphore, #tpu.memory_space<semaphore_mem>>) src(%arg17 : memref<48x128xf32, #tpu.memory_space<vmem>>) dst(%dma_wait3A_208 : memref<48x128xf32, #tpu.memory_space<hbm>>)
      tpu.yield
    }) : () -> ()
    %mul3A_106 = arith.constant 624 : i32
    %mul3A_107 = arith.muli %arg1, %mul3A_106 : i32
    %add3A_108 = arith.constant 96 : i32
    %add3A_109 = arith.addi %mul3A_107, %add3A_108 : i32
    "tpu.region"() ({
      %run_scoped3A = tpu.sem_alloc : memref<!tpu.dma_semaphore, #tpu.memory_space<semaphore_mem>>
      %dma_start3A = arith.constant 0 : i32
      %dma_start3A_199 = tpu.memref_slice %arg18[%add3A_109, %dma_start3A] : memref<10000x128xf32, #tpu.memory_space<vmem_shared>> -> memref<48x128xf32, #tpu.memory_space<vmem_shared>>
      %dma_start3A_200 = arith.constant 0 : i32
      %dma_start3A_201 = tpu.memref_slice %arg18[%add3A_109, %dma_start3A_200] : memref<10000x128xf32, #tpu.memory_space<vmem_shared>> -> memref<48x128xf32, #tpu.memory_space<vmem_shared>>
      tpu.enqueue_dma source(%dma_start3A_201 : memref<48x128xf32, #tpu.memory_space<vmem_shared>>) target(%arg17 : memref<48x128xf32, #tpu.memory_space<vmem>>) target_semaphore(%run_scoped3A : memref<!tpu.dma_semaphore, #tpu.memory_space<semaphore_mem>>)
      %dma_wait3A = arith.constant 0 : i32
      %dma_wait3A_202 = tpu.memref_slice %arg18[%add3A_109, %dma_wait3A] : memref<10000x128xf32, #tpu.memory_space<vmem_shared>> -> memref<48x128xf32, #tpu.memory_space<vmem_shared>>
      %dma_wait3A_203 = arith.constant 0 : i32
      %dma_wait3A_204 = tpu.memref_slice %arg18[%add3A_109, %dma_wait3A_203] : memref<10000x128xf32, #tpu.memory_space<vmem_shared>> -> memref<48x128xf32, #tpu.memory_space<vmem_shared>>
      tpu.wait_dma2 semaphore(%run_scoped3A : memref<!tpu.dma_semaphore, #tpu.memory_space<semaphore_mem>>) src(%dma_wait3A_204 : memref<48x128xf32, #tpu.memory_space<vmem_shared>>) dst(%arg17 : memref<48x128xf32, #tpu.memory_space<vmem>>)
      tpu.yield
    }) : () -> ()
    %mul3A_110 = arith.constant 624 : i32
    %mul3A_111 = arith.muli %arg1, %mul3A_110 : i32
    %add3A_112 = arith.constant 96 : i32
    %add3A_113 = arith.addi %mul3A_111, %add3A_112 : i32
    "tpu.region"() ({
      %run_scoped3A = tpu.sem_alloc : memref<!tpu.dma_semaphore, #tpu.memory_space<semaphore_mem>>
      %dma_start3A = arith.constant 0 : i32
      %dma_start3A_199 = tpu.memref_slice %arg8[%arg0, %add3A_113, %dma_start3A] : memref<2x10000x128xf32, #tpu.memory_space<hbm>> -> memref<1x48x128xf32, #tpu.memory_space<hbm>>
      %dma_start3A_200 = tpu.memref_squeeze %dma_start3A_199 : memref<1x48x128xf32, #tpu.memory_space<hbm>> -> memref<48x128xf32, #tpu.memory_space<hbm>>
      %dma_start3A_201 = arith.constant 0 : i32
      %dma_start3A_202 = tpu.memref_slice %arg8[%arg0, %add3A_113, %dma_start3A_201] : memref<2x10000x128xf32, #tpu.memory_space<hbm>> -> memref<1x48x128xf32, #tpu.memory_space<hbm>>
      %dma_start3A_203 = tpu.memref_squeeze %dma_start3A_202 : memref<1x48x128xf32, #tpu.memory_space<hbm>> -> memref<48x128xf32, #tpu.memory_space<hbm>>
      tpu.enqueue_dma source(%arg17 : memref<48x128xf32, #tpu.memory_space<vmem>>) target(%dma_start3A_203 : memref<48x128xf32, #tpu.memory_space<hbm>>) target_semaphore(%run_scoped3A : memref<!tpu.dma_semaphore, #tpu.memory_space<semaphore_mem>>)
      %dma_wait3A = arith.constant 0 : i32
      %dma_wait3A_204 = tpu.memref_slice %arg8[%arg0, %add3A_113, %dma_wait3A] : memref<2x10000x128xf32, #tpu.memory_space<hbm>> -> memref<1x48x128xf32, #tpu.memory_space<hbm>>
      %dma_wait3A_205 = tpu.memref_squeeze %dma_wait3A_204 : memref<1x48x128xf32, #tpu.memory_space<hbm>> -> memref<48x128xf32, #tpu.memory_space<hbm>>
      %dma_wait3A_206 = arith.constant 0 : i32
      %dma_wait3A_207 = tpu.memref_slice %arg8[%arg0, %add3A_113, %dma_wait3A_206] : memref<2x10000x128xf32, #tpu.memory_space<hbm>> -> memref<1x48x128xf32, #tpu.memory_space<hbm>>
      %dma_wait3A_208 = tpu.memref_squeeze %dma_wait3A_207 : memref<1x48x128xf32, #tpu.memory_space<hbm>> -> memref<48x128xf32, #tpu.memory_space<hbm>>
      tpu.wait_dma2 semaphore(%run_scoped3A : memref<!tpu.dma_semaphore, #tpu.memory_space<semaphore_mem>>) src(%arg17 : memref<48x128xf32, #tpu.memory_space<vmem>>) dst(%dma_wait3A_208 : memref<48x128xf32, #tpu.memory_space<hbm>>)
      tpu.yield
    }) : () -> ()
    %mul3A_114 = arith.constant 624 : i32
    %mul3A_115 = arith.muli %arg1, %mul3A_114 : i32
    %add3A_116 = arith.constant 144 : i32
    %add3A_117 = arith.addi %mul3A_115, %add3A_116 : i32
    "tpu.region"() ({
      %run_scoped3A = tpu.sem_alloc : memref<!tpu.dma_semaphore, #tpu.memory_space<semaphore_mem>>
      %dma_start3A = arith.constant 0 : i32
      %dma_start3A_199 = tpu.memref_slice %arg18[%add3A_117, %dma_start3A] : memref<10000x128xf32, #tpu.memory_space<vmem_shared>> -> memref<48x128xf32, #tpu.memory_space<vmem_shared>>
      %dma_start3A_200 = arith.constant 0 : i32
      %dma_start3A_201 = tpu.memref_slice %arg18[%add3A_117, %dma_start3A_200] : memref<10000x128xf32, #tpu.memory_space<vmem_shared>> -> memref<48x128xf32, #tpu.memory_space<vmem_shared>>
      tpu.enqueue_dma source(%dma_start3A_201 : memref<48x128xf32, #tpu.memory_space<vmem_shared>>) target(%arg17 : memref<48x128xf32, #tpu.memory_space<vmem>>) target_semaphore(%run_scoped3A : memref<!tpu.dma_semaphore, #tpu.memory_space<semaphore_mem>>)
      %dma_wait3A = arith.constant 0 : i32
      %dma_wait3A_202 = tpu.memref_slice %arg18[%add3A_117, %dma_wait3A] : memref<10000x128xf32, #tpu.memory_space<vmem_shared>> -> memref<48x128xf32, #tpu.memory_space<vmem_shared>>
      %dma_wait3A_203 = arith.constant 0 : i32
      %dma_wait3A_204 = tpu.memref_slice %arg18[%add3A_117, %dma_wait3A_203] : memref<10000x128xf32, #tpu.memory_space<vmem_shared>> -> memref<48x128xf32, #tpu.memory_space<vmem_shared>>
      tpu.wait_dma2 semaphore(%run_scoped3A : memref<!tpu.dma_semaphore, #tpu.memory_space<semaphore_mem>>) src(%dma_wait3A_204 : memref<48x128xf32, #tpu.memory_space<vmem_shared>>) dst(%arg17 : memref<48x128xf32, #tpu.memory_space<vmem>>)
      tpu.yield
    }) : () -> ()
    %mul3A_118 = arith.constant 624 : i32
    %mul3A_119 = arith.muli %arg1, %mul3A_118 : i32
    %add3A_120 = arith.constant 144 : i32
    %add3A_121 = arith.addi %mul3A_119, %add3A_120 : i32
    "tpu.region"() ({
      %run_scoped3A = tpu.sem_alloc : memref<!tpu.dma_semaphore, #tpu.memory_space<semaphore_mem>>
      %dma_start3A = arith.constant 0 : i32
      %dma_start3A_199 = tpu.memref_slice %arg8[%arg0, %add3A_121, %dma_start3A] : memref<2x10000x128xf32, #tpu.memory_space<hbm>> -> memref<1x48x128xf32, #tpu.memory_space<hbm>>
      %dma_start3A_200 = tpu.memref_squeeze %dma_start3A_199 : memref<1x48x128xf32, #tpu.memory_space<hbm>> -> memref<48x128xf32, #tpu.memory_space<hbm>>
      %dma_start3A_201 = arith.constant 0 : i32
      %dma_start3A_202 = tpu.memref_slice %arg8[%arg0, %add3A_121, %dma_start3A_201] : memref<2x10000x128xf32, #tpu.memory_space<hbm>> -> memref<1x48x128xf32, #tpu.memory_space<hbm>>
      %dma_start3A_203 = tpu.memref_squeeze %dma_start3A_202 : memref<1x48x128xf32, #tpu.memory_space<hbm>> -> memref<48x128xf32, #tpu.memory_space<hbm>>
      tpu.enqueue_dma source(%arg17 : memref<48x128xf32, #tpu.memory_space<vmem>>) target(%dma_start3A_203 : memref<48x128xf32, #tpu.memory_space<hbm>>) target_semaphore(%run_scoped3A : memref<!tpu.dma_semaphore, #tpu.memory_space<semaphore_mem>>)
      %dma_wait3A = arith.constant 0 : i32
      %dma_wait3A_204 = tpu.memref_slice %arg8[%arg0, %add3A_121, %dma_wait3A] : memref<2x10000x128xf32, #tpu.memory_space<hbm>> -> memref<1x48x128xf32, #tpu.memory_space<hbm>>
      %dma_wait3A_205 = tpu.memref_squeeze %dma_wait3A_204 : memref<1x48x128xf32, #tpu.memory_space<hbm>> -> memref<48x128xf32, #tpu.memory_space<hbm>>
      %dma_wait3A_206 = arith.constant 0 : i32
      %dma_wait3A_207 = tpu.memref_slice %arg8[%arg0, %add3A_121, %dma_wait3A_206] : memref<2x10000x128xf32, #tpu.memory_space<hbm>> -> memref<1x48x128xf32, #tpu.memory_space<hbm>>
      %dma_wait3A_208 = tpu.memref_squeeze %dma_wait3A_207 : memref<1x48x128xf32, #tpu.memory_space<hbm>> -> memref<48x128xf32, #tpu.memory_space<hbm>>
      tpu.wait_dma2 semaphore(%run_scoped3A : memref<!tpu.dma_semaphore, #tpu.memory_space<semaphore_mem>>) src(%arg17 : memref<48x128xf32, #tpu.memory_space<vmem>>) dst(%dma_wait3A_208 : memref<48x128xf32, #tpu.memory_space<hbm>>)
      tpu.yield
    }) : () -> ()
    %mul3A_122 = arith.constant 624 : i32
    %mul3A_123 = arith.muli %arg1, %mul3A_122 : i32
    %add3A_124 = arith.constant 192 : i32
    %add3A_125 = arith.addi %mul3A_123, %add3A_124 : i32
    "tpu.region"() ({
      %run_scoped3A = tpu.sem_alloc : memref<!tpu.dma_semaphore, #tpu.memory_space<semaphore_mem>>
      %dma_start3A = arith.constant 0 : i32
      %dma_start3A_199 = tpu.memref_slice %arg18[%add3A_125, %dma_start3A] : memref<10000x128xf32, #tpu.memory_space<vmem_shared>> -> memref<48x128xf32, #tpu.memory_space<vmem_shared>>
      %dma_start3A_200 = arith.constant 0 : i32
      %dma_start3A_201 = tpu.memref_slice %arg18[%add3A_125, %dma_start3A_200] : memref<10000x128xf32, #tpu.memory_space<vmem_shared>> -> memref<48x128xf32, #tpu.memory_space<vmem_shared>>
      tpu.enqueue_dma source(%dma_start3A_201 : memref<48x128xf32, #tpu.memory_space<vmem_shared>>) target(%arg17 : memref<48x128xf32, #tpu.memory_space<vmem>>) target_semaphore(%run_scoped3A : memref<!tpu.dma_semaphore, #tpu.memory_space<semaphore_mem>>)
      %dma_wait3A = arith.constant 0 : i32
      %dma_wait3A_202 = tpu.memref_slice %arg18[%add3A_125, %dma_wait3A] : memref<10000x128xf32, #tpu.memory_space<vmem_shared>> -> memref<48x128xf32, #tpu.memory_space<vmem_shared>>
      %dma_wait3A_203 = arith.constant 0 : i32
      %dma_wait3A_204 = tpu.memref_slice %arg18[%add3A_125, %dma_wait3A_203] : memref<10000x128xf32, #tpu.memory_space<vmem_shared>> -> memref<48x128xf32, #tpu.memory_space<vmem_shared>>
      tpu.wait_dma2 semaphore(%run_scoped3A : memref<!tpu.dma_semaphore, #tpu.memory_space<semaphore_mem>>) src(%dma_wait3A_204 : memref<48x128xf32, #tpu.memory_space<vmem_shared>>) dst(%arg17 : memref<48x128xf32, #tpu.memory_space<vmem>>)
      tpu.yield
    }) : () -> ()
    %mul3A_126 = arith.constant 624 : i32
    %mul3A_127 = arith.muli %arg1, %mul3A_126 : i32
    %add3A_128 = arith.constant 192 : i32
    %add3A_129 = arith.addi %mul3A_127, %add3A_128 : i32
    "tpu.region"() ({
      %run_scoped3A = tpu.sem_alloc : memref<!tpu.dma_semaphore, #tpu.memory_space<semaphore_mem>>
      %dma_start3A = arith.constant 0 : i32
      %dma_start3A_199 = tpu.memref_slice %arg8[%arg0, %add3A_129, %dma_start3A] : memref<2x10000x128xf32, #tpu.memory_space<hbm>> -> memref<1x48x128xf32, #tpu.memory_space<hbm>>
      %dma_start3A_200 = tpu.memref_squeeze %dma_start3A_199 : memref<1x48x128xf32, #tpu.memory_space<hbm>> -> memref<48x128xf32, #tpu.memory_space<hbm>>
      %dma_start3A_201 = arith.constant 0 : i32
      %dma_start3A_202 = tpu.memref_slice %arg8[%arg0, %add3A_129, %dma_start3A_201] : memref<2x10000x128xf32, #tpu.memory_space<hbm>> -> memref<1x48x128xf32, #tpu.memory_space<hbm>>
      %dma_start3A_203 = tpu.memref_squeeze %dma_start3A_202 : memref<1x48x128xf32, #tpu.memory_space<hbm>> -> memref<48x128xf32, #tpu.memory_space<hbm>>
      tpu.enqueue_dma source(%arg17 : memref<48x128xf32, #tpu.memory_space<vmem>>) target(%dma_start3A_203 : memref<48x128xf32, #tpu.memory_space<hbm>>) target_semaphore(%run_scoped3A : memref<!tpu.dma_semaphore, #tpu.memory_space<semaphore_mem>>)
      %dma_wait3A = arith.constant 0 : i32
      %dma_wait3A_204 = tpu.memref_slice %arg8[%arg0, %add3A_129, %dma_wait3A] : memref<2x10000x128xf32, #tpu.memory_space<hbm>> -> memref<1x48x128xf32, #tpu.memory_space<hbm>>
      %dma_wait3A_205 = tpu.memref_squeeze %dma_wait3A_204 : memref<1x48x128xf32, #tpu.memory_space<hbm>> -> memref<48x128xf32, #tpu.memory_space<hbm>>
      %dma_wait3A_206 = arith.constant 0 : i32
      %dma_wait3A_207 = tpu.memref_slice %arg8[%arg0, %add3A_129, %dma_wait3A_206] : memref<2x10000x128xf32, #tpu.memory_space<hbm>> -> memref<1x48x128xf32, #tpu.memory_space<hbm>>
      %dma_wait3A_208 = tpu.memref_squeeze %dma_wait3A_207 : memref<1x48x128xf32, #tpu.memory_space<hbm>> -> memref<48x128xf32, #tpu.memory_space<hbm>>
      tpu.wait_dma2 semaphore(%run_scoped3A : memref<!tpu.dma_semaphore, #tpu.memory_space<semaphore_mem>>) src(%arg17 : memref<48x128xf32, #tpu.memory_space<vmem>>) dst(%dma_wait3A_208 : memref<48x128xf32, #tpu.memory_space<hbm>>)
      tpu.yield
    }) : () -> ()
    %mul3A_130 = arith.constant 624 : i32
    %mul3A_131 = arith.muli %arg1, %mul3A_130 : i32
    %add3A_132 = arith.constant 240 : i32
    %add3A_133 = arith.addi %mul3A_131, %add3A_132 : i32
    "tpu.region"() ({
      %run_scoped3A = tpu.sem_alloc : memref<!tpu.dma_semaphore, #tpu.memory_space<semaphore_mem>>
      %dma_start3A = arith.constant 0 : i32
      %dma_start3A_199 = tpu.memref_slice %arg18[%add3A_133, %dma_start3A] : memref<10000x128xf32, #tpu.memory_space<vmem_shared>> -> memref<48x128xf32, #tpu.memory_space<vmem_shared>>
      %dma_start3A_200 = arith.constant 0 : i32
      %dma_start3A_201 = tpu.memref_slice %arg18[%add3A_133, %dma_start3A_200] : memref<10000x128xf32, #tpu.memory_space<vmem_shared>> -> memref<48x128xf32, #tpu.memory_space<vmem_shared>>
      tpu.enqueue_dma source(%dma_start3A_201 : memref<48x128xf32, #tpu.memory_space<vmem_shared>>) target(%arg17 : memref<48x128xf32, #tpu.memory_space<vmem>>) target_semaphore(%run_scoped3A : memref<!tpu.dma_semaphore, #tpu.memory_space<semaphore_mem>>)
      %dma_wait3A = arith.constant 0 : i32
      %dma_wait3A_202 = tpu.memref_slice %arg18[%add3A_133, %dma_wait3A] : memref<10000x128xf32, #tpu.memory_space<vmem_shared>> -> memref<48x128xf32, #tpu.memory_space<vmem_shared>>
      %dma_wait3A_203 = arith.constant 0 : i32
      %dma_wait3A_204 = tpu.memref_slice %arg18[%add3A_133, %dma_wait3A_203] : memref<10000x128xf32, #tpu.memory_space<vmem_shared>> -> memref<48x128xf32, #tpu.memory_space<vmem_shared>>
      tpu.wait_dma2 semaphore(%run_scoped3A : memref<!tpu.dma_semaphore, #tpu.memory_space<semaphore_mem>>) src(%dma_wait3A_204 : memref<48x128xf32, #tpu.memory_space<vmem_shared>>) dst(%arg17 : memref<48x128xf32, #tpu.memory_space<vmem>>)
      tpu.yield
    }) : () -> ()
    %mul3A_134 = arith.constant 624 : i32
    %mul3A_135 = arith.muli %arg1, %mul3A_134 : i32
    %add3A_136 = arith.constant 240 : i32
    %add3A_137 = arith.addi %mul3A_135, %add3A_136 : i32
    "tpu.region"() ({
      %run_scoped3A = tpu.sem_alloc : memref<!tpu.dma_semaphore, #tpu.memory_space<semaphore_mem>>
      %dma_start3A = arith.constant 0 : i32
      %dma_start3A_199 = tpu.memref_slice %arg8[%arg0, %add3A_137, %dma_start3A] : memref<2x10000x128xf32, #tpu.memory_space<hbm>> -> memref<1x48x128xf32, #tpu.memory_space<hbm>>
      %dma_start3A_200 = tpu.memref_squeeze %dma_start3A_199 : memref<1x48x128xf32, #tpu.memory_space<hbm>> -> memref<48x128xf32, #tpu.memory_space<hbm>>
      %dma_start3A_201 = arith.constant 0 : i32
      %dma_start3A_202 = tpu.memref_slice %arg8[%arg0, %add3A_137, %dma_start3A_201] : memref<2x10000x128xf32, #tpu.memory_space<hbm>> -> memref<1x48x128xf32, #tpu.memory_space<hbm>>
      %dma_start3A_203 = tpu.memref_squeeze %dma_start3A_202 : memref<1x48x128xf32, #tpu.memory_space<hbm>> -> memref<48x128xf32, #tpu.memory_space<hbm>>
      tpu.enqueue_dma source(%arg17 : memref<48x128xf32, #tpu.memory_space<vmem>>) target(%dma_start3A_203 : memref<48x128xf32, #tpu.memory_space<hbm>>) target_semaphore(%run_scoped3A : memref<!tpu.dma_semaphore, #tpu.memory_space<semaphore_mem>>)
      %dma_wait3A = arith.constant 0 : i32
      %dma_wait3A_204 = tpu.memref_slice %arg8[%arg0, %add3A_137, %dma_wait3A] : memref<2x10000x128xf32, #tpu.memory_space<hbm>> -> memref<1x48x128xf32, #tpu.memory_space<hbm>>
      %dma_wait3A_205 = tpu.memref_squeeze %dma_wait3A_204 : memref<1x48x128xf32, #tpu.memory_space<hbm>> -> memref<48x128xf32, #tpu.memory_space<hbm>>
      %dma_wait3A_206 = arith.constant 0 : i32
      %dma_wait3A_207 = tpu.memref_slice %arg8[%arg0, %add3A_137, %dma_wait3A_206] : memref<2x10000x128xf32, #tpu.memory_space<hbm>> -> memref<1x48x128xf32, #tpu.memory_space<hbm>>
      %dma_wait3A_208 = tpu.memref_squeeze %dma_wait3A_207 : memref<1x48x128xf32, #tpu.memory_space<hbm>> -> memref<48x128xf32, #tpu.memory_space<hbm>>
      tpu.wait_dma2 semaphore(%run_scoped3A : memref<!tpu.dma_semaphore, #tpu.memory_space<semaphore_mem>>) src(%arg17 : memref<48x128xf32, #tpu.memory_space<vmem>>) dst(%dma_wait3A_208 : memref<48x128xf32, #tpu.memory_space<hbm>>)
      tpu.yield
    }) : () -> ()
    %mul3A_138 = arith.constant 624 : i32
    %mul3A_139 = arith.muli %arg1, %mul3A_138 : i32
    %add3A_140 = arith.constant 288 : i32
    %add3A_141 = arith.addi %mul3A_139, %add3A_140 : i32
    "tpu.region"() ({
      %run_scoped3A = tpu.sem_alloc : memref<!tpu.dma_semaphore, #tpu.memory_space<semaphore_mem>>
      %dma_start3A = arith.constant 0 : i32
      %dma_start3A_199 = tpu.memref_slice %arg18[%add3A_141, %dma_start3A] : memref<10000x128xf32, #tpu.memory_space<vmem_shared>> -> memref<48x128xf32, #tpu.memory_space<vmem_shared>>
      %dma_start3A_200 = arith.constant 0 : i32
      %dma_start3A_201 = tpu.memref_slice %arg18[%add3A_141, %dma_start3A_200] : memref<10000x128xf32, #tpu.memory_space<vmem_shared>> -> memref<48x128xf32, #tpu.memory_space<vmem_shared>>
      tpu.enqueue_dma source(%dma_start3A_201 : memref<48x128xf32, #tpu.memory_space<vmem_shared>>) target(%arg17 : memref<48x128xf32, #tpu.memory_space<vmem>>) target_semaphore(%run_scoped3A : memref<!tpu.dma_semaphore, #tpu.memory_space<semaphore_mem>>)
      %dma_wait3A = arith.constant 0 : i32
      %dma_wait3A_202 = tpu.memref_slice %arg18[%add3A_141, %dma_wait3A] : memref<10000x128xf32, #tpu.memory_space<vmem_shared>> -> memref<48x128xf32, #tpu.memory_space<vmem_shared>>
      %dma_wait3A_203 = arith.constant 0 : i32
      %dma_wait3A_204 = tpu.memref_slice %arg18[%add3A_141, %dma_wait3A_203] : memref<10000x128xf32, #tpu.memory_space<vmem_shared>> -> memref<48x128xf32, #tpu.memory_space<vmem_shared>>
      tpu.wait_dma2 semaphore(%run_scoped3A : memref<!tpu.dma_semaphore, #tpu.memory_space<semaphore_mem>>) src(%dma_wait3A_204 : memref<48x128xf32, #tpu.memory_space<vmem_shared>>) dst(%arg17 : memref<48x128xf32, #tpu.memory_space<vmem>>)
      tpu.yield
    }) : () -> ()
    %mul3A_142 = arith.constant 624 : i32
    %mul3A_143 = arith.muli %arg1, %mul3A_142 : i32
    %add3A_144 = arith.constant 288 : i32
    %add3A_145 = arith.addi %mul3A_143, %add3A_144 : i32
    "tpu.region"() ({
      %run_scoped3A = tpu.sem_alloc : memref<!tpu.dma_semaphore, #tpu.memory_space<semaphore_mem>>
      %dma_start3A = arith.constant 0 : i32
      %dma_start3A_199 = tpu.memref_slice %arg8[%arg0, %add3A_145, %dma_start3A] : memref<2x10000x128xf32, #tpu.memory_space<hbm>> -> memref<1x48x128xf32, #tpu.memory_space<hbm>>
      %dma_start3A_200 = tpu.memref_squeeze %dma_start3A_199 : memref<1x48x128xf32, #tpu.memory_space<hbm>> -> memref<48x128xf32, #tpu.memory_space<hbm>>
      %dma_start3A_201 = arith.constant 0 : i32
      %dma_start3A_202 = tpu.memref_slice %arg8[%arg0, %add3A_145, %dma_start3A_201] : memref<2x10000x128xf32, #tpu.memory_space<hbm>> -> memref<1x48x128xf32, #tpu.memory_space<hbm>>
      %dma_start3A_203 = tpu.memref_squeeze %dma_start3A_202 : memref<1x48x128xf32, #tpu.memory_space<hbm>> -> memref<48x128xf32, #tpu.memory_space<hbm>>
      tpu.enqueue_dma source(%arg17 : memref<48x128xf32, #tpu.memory_space<vmem>>) target(%dma_start3A_203 : memref<48x128xf32, #tpu.memory_space<hbm>>) target_semaphore(%run_scoped3A : memref<!tpu.dma_semaphore, #tpu.memory_space<semaphore_mem>>)
      %dma_wait3A = arith.constant 0 : i32
      %dma_wait3A_204 = tpu.memref_slice %arg8[%arg0, %add3A_145, %dma_wait3A] : memref<2x10000x128xf32, #tpu.memory_space<hbm>> -> memref<1x48x128xf32, #tpu.memory_space<hbm>>
      %dma_wait3A_205 = tpu.memref_squeeze %dma_wait3A_204 : memref<1x48x128xf32, #tpu.memory_space<hbm>> -> memref<48x128xf32, #tpu.memory_space<hbm>>
      %dma_wait3A_206 = arith.constant 0 : i32
      %dma_wait3A_207 = tpu.memref_slice %arg8[%arg0, %add3A_145, %dma_wait3A_206] : memref<2x10000x128xf32, #tpu.memory_space<hbm>> -> memref<1x48x128xf32, #tpu.memory_space<hbm>>
      %dma_wait3A_208 = tpu.memref_squeeze %dma_wait3A_207 : memref<1x48x128xf32, #tpu.memory_space<hbm>> -> memref<48x128xf32, #tpu.memory_space<hbm>>
      tpu.wait_dma2 semaphore(%run_scoped3A : memref<!tpu.dma_semaphore, #tpu.memory_space<semaphore_mem>>) src(%arg17 : memref<48x128xf32, #tpu.memory_space<vmem>>) dst(%dma_wait3A_208 : memref<48x128xf32, #tpu.memory_space<hbm>>)
      tpu.yield
    }) : () -> ()
    %mul3A_146 = arith.constant 624 : i32
    %mul3A_147 = arith.muli %arg1, %mul3A_146 : i32
    %add3A_148 = arith.constant 336 : i32
    %add3A_149 = arith.addi %mul3A_147, %add3A_148 : i32
    "tpu.region"() ({
      %run_scoped3A = tpu.sem_alloc : memref<!tpu.dma_semaphore, #tpu.memory_space<semaphore_mem>>
      %dma_start3A = arith.constant 0 : i32
      %dma_start3A_199 = tpu.memref_slice %arg18[%add3A_149, %dma_start3A] : memref<10000x128xf32, #tpu.memory_space<vmem_shared>> -> memref<48x128xf32, #tpu.memory_space<vmem_shared>>
      %dma_start3A_200 = arith.constant 0 : i32
      %dma_start3A_201 = tpu.memref_slice %arg18[%add3A_149, %dma_start3A_200] : memref<10000x128xf32, #tpu.memory_space<vmem_shared>> -> memref<48x128xf32, #tpu.memory_space<vmem_shared>>
      tpu.enqueue_dma source(%dma_start3A_201 : memref<48x128xf32, #tpu.memory_space<vmem_shared>>) target(%arg17 : memref<48x128xf32, #tpu.memory_space<vmem>>) target_semaphore(%run_scoped3A : memref<!tpu.dma_semaphore, #tpu.memory_space<semaphore_mem>>)
      %dma_wait3A = arith.constant 0 : i32
      %dma_wait3A_202 = tpu.memref_slice %arg18[%add3A_149, %dma_wait3A] : memref<10000x128xf32, #tpu.memory_space<vmem_shared>> -> memref<48x128xf32, #tpu.memory_space<vmem_shared>>
      %dma_wait3A_203 = arith.constant 0 : i32
      %dma_wait3A_204 = tpu.memref_slice %arg18[%add3A_149, %dma_wait3A_203] : memref<10000x128xf32, #tpu.memory_space<vmem_shared>> -> memref<48x128xf32, #tpu.memory_space<vmem_shared>>
      tpu.wait_dma2 semaphore(%run_scoped3A : memref<!tpu.dma_semaphore, #tpu.memory_space<semaphore_mem>>) src(%dma_wait3A_204 : memref<48x128xf32, #tpu.memory_space<vmem_shared>>) dst(%arg17 : memref<48x128xf32, #tpu.memory_space<vmem>>)
      tpu.yield
    }) : () -> ()
    %mul3A_150 = arith.constant 624 : i32
    %mul3A_151 = arith.muli %arg1, %mul3A_150 : i32
    %add3A_152 = arith.constant 336 : i32
    %add3A_153 = arith.addi %mul3A_151, %add3A_152 : i32
    "tpu.region"() ({
      %run_scoped3A = tpu.sem_alloc : memref<!tpu.dma_semaphore, #tpu.memory_space<semaphore_mem>>
      %dma_start3A = arith.constant 0 : i32
      %dma_start3A_199 = tpu.memref_slice %arg8[%arg0, %add3A_153, %dma_start3A] : memref<2x10000x128xf32, #tpu.memory_space<hbm>> -> memref<1x48x128xf32, #tpu.memory_space<hbm>>
      %dma_start3A_200 = tpu.memref_squeeze %dma_start3A_199 : memref<1x48x128xf32, #tpu.memory_space<hbm>> -> memref<48x128xf32, #tpu.memory_space<hbm>>
      %dma_start3A_201 = arith.constant 0 : i32
      %dma_start3A_202 = tpu.memref_slice %arg8[%arg0, %add3A_153, %dma_start3A_201] : memref<2x10000x128xf32, #tpu.memory_space<hbm>> -> memref<1x48x128xf32, #tpu.memory_space<hbm>>
      %dma_start3A_203 = tpu.memref_squeeze %dma_start3A_202 : memref<1x48x128xf32, #tpu.memory_space<hbm>> -> memref<48x128xf32, #tpu.memory_space<hbm>>
      tpu.enqueue_dma source(%arg17 : memref<48x128xf32, #tpu.memory_space<vmem>>) target(%dma_start3A_203 : memref<48x128xf32, #tpu.memory_space<hbm>>) target_semaphore(%run_scoped3A : memref<!tpu.dma_semaphore, #tpu.memory_space<semaphore_mem>>)
      %dma_wait3A = arith.constant 0 : i32
      %dma_wait3A_204 = tpu.memref_slice %arg8[%arg0, %add3A_153, %dma_wait3A] : memref<2x10000x128xf32, #tpu.memory_space<hbm>> -> memref<1x48x128xf32, #tpu.memory_space<hbm>>
      %dma_wait3A_205 = tpu.memref_squeeze %dma_wait3A_204 : memref<1x48x128xf32, #tpu.memory_space<hbm>> -> memref<48x128xf32, #tpu.memory_space<hbm>>
      %dma_wait3A_206 = arith.constant 0 : i32
      %dma_wait3A_207 = tpu.memref_slice %arg8[%arg0, %add3A_153, %dma_wait3A_206] : memref<2x10000x128xf32, #tpu.memory_space<hbm>> -> memref<1x48x128xf32, #tpu.memory_space<hbm>>
      %dma_wait3A_208 = tpu.memref_squeeze %dma_wait3A_207 : memref<1x48x128xf32, #tpu.memory_space<hbm>> -> memref<48x128xf32, #tpu.memory_space<hbm>>
      tpu.wait_dma2 semaphore(%run_scoped3A : memref<!tpu.dma_semaphore, #tpu.memory_space<semaphore_mem>>) src(%arg17 : memref<48x128xf32, #tpu.memory_space<vmem>>) dst(%dma_wait3A_208 : memref<48x128xf32, #tpu.memory_space<hbm>>)
      tpu.yield
    }) : () -> ()
    %mul3A_154 = arith.constant 624 : i32
    %mul3A_155 = arith.muli %arg1, %mul3A_154 : i32
    %add3A_156 = arith.constant 384 : i32
    %add3A_157 = arith.addi %mul3A_155, %add3A_156 : i32
    "tpu.region"() ({
      %run_scoped3A = tpu.sem_alloc : memref<!tpu.dma_semaphore, #tpu.memory_space<semaphore_mem>>
      %dma_start3A = arith.constant 0 : i32
      %dma_start3A_199 = tpu.memref_slice %arg18[%add3A_157, %dma_start3A] : memref<10000x128xf32, #tpu.memory_space<vmem_shared>> -> memref<48x128xf32, #tpu.memory_space<vmem_shared>>
      %dma_start3A_200 = arith.constant 0 : i32
      %dma_start3A_201 = tpu.memref_slice %arg18[%add3A_157, %dma_start3A_200] : memref<10000x128xf32, #tpu.memory_space<vmem_shared>> -> memref<48x128xf32, #tpu.memory_space<vmem_shared>>
      tpu.enqueue_dma source(%dma_start3A_201 : memref<48x128xf32, #tpu.memory_space<vmem_shared>>) target(%arg17 : memref<48x128xf32, #tpu.memory_space<vmem>>) target_semaphore(%run_scoped3A : memref<!tpu.dma_semaphore, #tpu.memory_space<semaphore_mem>>)
      %dma_wait3A = arith.constant 0 : i32
      %dma_wait3A_202 = tpu.memref_slice %arg18[%add3A_157, %dma_wait3A] : memref<10000x128xf32, #tpu.memory_space<vmem_shared>> -> memref<48x128xf32, #tpu.memory_space<vmem_shared>>
      %dma_wait3A_203 = arith.constant 0 : i32
      %dma_wait3A_204 = tpu.memref_slice %arg18[%add3A_157, %dma_wait3A_203] : memref<10000x128xf32, #tpu.memory_space<vmem_shared>> -> memref<48x128xf32, #tpu.memory_space<vmem_shared>>
      tpu.wait_dma2 semaphore(%run_scoped3A : memref<!tpu.dma_semaphore, #tpu.memory_space<semaphore_mem>>) src(%dma_wait3A_204 : memref<48x128xf32, #tpu.memory_space<vmem_shared>>) dst(%arg17 : memref<48x128xf32, #tpu.memory_space<vmem>>)
      tpu.yield
    }) : () -> ()
    %mul3A_158 = arith.constant 624 : i32
    %mul3A_159 = arith.muli %arg1, %mul3A_158 : i32
    %add3A_160 = arith.constant 384 : i32
    %add3A_161 = arith.addi %mul3A_159, %add3A_160 : i32
    "tpu.region"() ({
      %run_scoped3A = tpu.sem_alloc : memref<!tpu.dma_semaphore, #tpu.memory_space<semaphore_mem>>
      %dma_start3A = arith.constant 0 : i32
      %dma_start3A_199 = tpu.memref_slice %arg8[%arg0, %add3A_161, %dma_start3A] : memref<2x10000x128xf32, #tpu.memory_space<hbm>> -> memref<1x48x128xf32, #tpu.memory_space<hbm>>
      %dma_start3A_200 = tpu.memref_squeeze %dma_start3A_199 : memref<1x48x128xf32, #tpu.memory_space<hbm>> -> memref<48x128xf32, #tpu.memory_space<hbm>>
      %dma_start3A_201 = arith.constant 0 : i32
      %dma_start3A_202 = tpu.memref_slice %arg8[%arg0, %add3A_161, %dma_start3A_201] : memref<2x10000x128xf32, #tpu.memory_space<hbm>> -> memref<1x48x128xf32, #tpu.memory_space<hbm>>
      %dma_start3A_203 = tpu.memref_squeeze %dma_start3A_202 : memref<1x48x128xf32, #tpu.memory_space<hbm>> -> memref<48x128xf32, #tpu.memory_space<hbm>>
      tpu.enqueue_dma source(%arg17 : memref<48x128xf32, #tpu.memory_space<vmem>>) target(%dma_start3A_203 : memref<48x128xf32, #tpu.memory_space<hbm>>) target_semaphore(%run_scoped3A : memref<!tpu.dma_semaphore, #tpu.memory_space<semaphore_mem>>)
      %dma_wait3A = arith.constant 0 : i32
      %dma_wait3A_204 = tpu.memref_slice %arg8[%arg0, %add3A_161, %dma_wait3A] : memref<2x10000x128xf32, #tpu.memory_space<hbm>> -> memref<1x48x128xf32, #tpu.memory_space<hbm>>
      %dma_wait3A_205 = tpu.memref_squeeze %dma_wait3A_204 : memref<1x48x128xf32, #tpu.memory_space<hbm>> -> memref<48x128xf32, #tpu.memory_space<hbm>>
      %dma_wait3A_206 = arith.constant 0 : i32
      %dma_wait3A_207 = tpu.memref_slice %arg8[%arg0, %add3A_161, %dma_wait3A_206] : memref<2x10000x128xf32, #tpu.memory_space<hbm>> -> memref<1x48x128xf32, #tpu.memory_space<hbm>>
      %dma_wait3A_208 = tpu.memref_squeeze %dma_wait3A_207 : memref<1x48x128xf32, #tpu.memory_space<hbm>> -> memref<48x128xf32, #tpu.memory_space<hbm>>
      tpu.wait_dma2 semaphore(%run_scoped3A : memref<!tpu.dma_semaphore, #tpu.memory_space<semaphore_mem>>) src(%arg17 : memref<48x128xf32, #tpu.memory_space<vmem>>) dst(%dma_wait3A_208 : memref<48x128xf32, #tpu.memory_space<hbm>>)
      tpu.yield
    }) : () -> ()
    %mul3A_162 = arith.constant 624 : i32
    %mul3A_163 = arith.muli %arg1, %mul3A_162 : i32
    %add3A_164 = arith.constant 432 : i32
    %add3A_165 = arith.addi %mul3A_163, %add3A_164 : i32
    "tpu.region"() ({
      %run_scoped3A = tpu.sem_alloc : memref<!tpu.dma_semaphore, #tpu.memory_space<semaphore_mem>>
      %dma_start3A = arith.constant 0 : i32
      %dma_start3A_199 = tpu.memref_slice %arg18[%add3A_165, %dma_start3A] : memref<10000x128xf32, #tpu.memory_space<vmem_shared>> -> memref<48x128xf32, #tpu.memory_space<vmem_shared>>
      %dma_start3A_200 = arith.constant 0 : i32
      %dma_start3A_201 = tpu.memref_slice %arg18[%add3A_165, %dma_start3A_200] : memref<10000x128xf32, #tpu.memory_space<vmem_shared>> -> memref<48x128xf32, #tpu.memory_space<vmem_shared>>
      tpu.enqueue_dma source(%dma_start3A_201 : memref<48x128xf32, #tpu.memory_space<vmem_shared>>) target(%arg17 : memref<48x128xf32, #tpu.memory_space<vmem>>) target_semaphore(%run_scoped3A : memref<!tpu.dma_semaphore, #tpu.memory_space<semaphore_mem>>)
      %dma_wait3A = arith.constant 0 : i32
      %dma_wait3A_202 = tpu.memref_slice %arg18[%add3A_165, %dma_wait3A] : memref<10000x128xf32, #tpu.memory_space<vmem_shared>> -> memref<48x128xf32, #tpu.memory_space<vmem_shared>>
      %dma_wait3A_203 = arith.constant 0 : i32
      %dma_wait3A_204 = tpu.memref_slice %arg18[%add3A_165, %dma_wait3A_203] : memref<10000x128xf32, #tpu.memory_space<vmem_shared>> -> memref<48x128xf32, #tpu.memory_space<vmem_shared>>
      tpu.wait_dma2 semaphore(%run_scoped3A : memref<!tpu.dma_semaphore, #tpu.memory_space<semaphore_mem>>) src(%dma_wait3A_204 : memref<48x128xf32, #tpu.memory_space<vmem_shared>>) dst(%arg17 : memref<48x128xf32, #tpu.memory_space<vmem>>)
      tpu.yield
    }) : () -> ()
    %mul3A_166 = arith.constant 624 : i32
    %mul3A_167 = arith.muli %arg1, %mul3A_166 : i32
    %add3A_168 = arith.constant 432 : i32
    %add3A_169 = arith.addi %mul3A_167, %add3A_168 : i32
    "tpu.region"() ({
      %run_scoped3A = tpu.sem_alloc : memref<!tpu.dma_semaphore, #tpu.memory_space<semaphore_mem>>
      %dma_start3A = arith.constant 0 : i32
      %dma_start3A_199 = tpu.memref_slice %arg8[%arg0, %add3A_169, %dma_start3A] : memref<2x10000x128xf32, #tpu.memory_space<hbm>> -> memref<1x48x128xf32, #tpu.memory_space<hbm>>
      %dma_start3A_200 = tpu.memref_squeeze %dma_start3A_199 : memref<1x48x128xf32, #tpu.memory_space<hbm>> -> memref<48x128xf32, #tpu.memory_space<hbm>>
      %dma_start3A_201 = arith.constant 0 : i32
      %dma_start3A_202 = tpu.memref_slice %arg8[%arg0, %add3A_169, %dma_start3A_201] : memref<2x10000x128xf32, #tpu.memory_space<hbm>> -> memref<1x48x128xf32, #tpu.memory_space<hbm>>
      %dma_start3A_203 = tpu.memref_squeeze %dma_start3A_202 : memref<1x48x128xf32, #tpu.memory_space<hbm>> -> memref<48x128xf32, #tpu.memory_space<hbm>>
      tpu.enqueue_dma source(%arg17 : memref<48x128xf32, #tpu.memory_space<vmem>>) target(%dma_start3A_203 : memref<48x128xf32, #tpu.memory_space<hbm>>) target_semaphore(%run_scoped3A : memref<!tpu.dma_semaphore, #tpu.memory_space<semaphore_mem>>)
      %dma_wait3A = arith.constant 0 : i32
      %dma_wait3A_204 = tpu.memref_slice %arg8[%arg0, %add3A_169, %dma_wait3A] : memref<2x10000x128xf32, #tpu.memory_space<hbm>> -> memref<1x48x128xf32, #tpu.memory_space<hbm>>
      %dma_wait3A_205 = tpu.memref_squeeze %dma_wait3A_204 : memref<1x48x128xf32, #tpu.memory_space<hbm>> -> memref<48x128xf32, #tpu.memory_space<hbm>>
      %dma_wait3A_206 = arith.constant 0 : i32
      %dma_wait3A_207 = tpu.memref_slice %arg8[%arg0, %add3A_169, %dma_wait3A_206] : memref<2x10000x128xf32, #tpu.memory_space<hbm>> -> memref<1x48x128xf32, #tpu.memory_space<hbm>>
      %dma_wait3A_208 = tpu.memref_squeeze %dma_wait3A_207 : memref<1x48x128xf32, #tpu.memory_space<hbm>> -> memref<48x128xf32, #tpu.memory_space<hbm>>
      tpu.wait_dma2 semaphore(%run_scoped3A : memref<!tpu.dma_semaphore, #tpu.memory_space<semaphore_mem>>) src(%arg17 : memref<48x128xf32, #tpu.memory_space<vmem>>) dst(%dma_wait3A_208 : memref<48x128xf32, #tpu.memory_space<hbm>>)
      tpu.yield
    }) : () -> ()
    %mul3A_170 = arith.constant 624 : i32
    %mul3A_171 = arith.muli %arg1, %mul3A_170 : i32
    %add3A_172 = arith.constant 480 : i32
    %add3A_173 = arith.addi %mul3A_171, %add3A_172 : i32
    "tpu.region"() ({
      %run_scoped3A = tpu.sem_alloc : memref<!tpu.dma_semaphore, #tpu.memory_space<semaphore_mem>>
      %dma_start3A = arith.constant 0 : i32
      %dma_start3A_199 = tpu.memref_slice %arg18[%add3A_173, %dma_start3A] : memref<10000x128xf32, #tpu.memory_space<vmem_shared>> -> memref<48x128xf32, #tpu.memory_space<vmem_shared>>
      %dma_start3A_200 = arith.constant 0 : i32
      %dma_start3A_201 = tpu.memref_slice %arg18[%add3A_173, %dma_start3A_200] : memref<10000x128xf32, #tpu.memory_space<vmem_shared>> -> memref<48x128xf32, #tpu.memory_space<vmem_shared>>
      tpu.enqueue_dma source(%dma_start3A_201 : memref<48x128xf32, #tpu.memory_space<vmem_shared>>) target(%arg17 : memref<48x128xf32, #tpu.memory_space<vmem>>) target_semaphore(%run_scoped3A : memref<!tpu.dma_semaphore, #tpu.memory_space<semaphore_mem>>)
      %dma_wait3A = arith.constant 0 : i32
      %dma_wait3A_202 = tpu.memref_slice %arg18[%add3A_173, %dma_wait3A] : memref<10000x128xf32, #tpu.memory_space<vmem_shared>> -> memref<48x128xf32, #tpu.memory_space<vmem_shared>>
      %dma_wait3A_203 = arith.constant 0 : i32
      %dma_wait3A_204 = tpu.memref_slice %arg18[%add3A_173, %dma_wait3A_203] : memref<10000x128xf32, #tpu.memory_space<vmem_shared>> -> memref<48x128xf32, #tpu.memory_space<vmem_shared>>
      tpu.wait_dma2 semaphore(%run_scoped3A : memref<!tpu.dma_semaphore, #tpu.memory_space<semaphore_mem>>) src(%dma_wait3A_204 : memref<48x128xf32, #tpu.memory_space<vmem_shared>>) dst(%arg17 : memref<48x128xf32, #tpu.memory_space<vmem>>)
      tpu.yield
    }) : () -> ()
    %mul3A_174 = arith.constant 624 : i32
    %mul3A_175 = arith.muli %arg1, %mul3A_174 : i32
    %add3A_176 = arith.constant 480 : i32
    %add3A_177 = arith.addi %mul3A_175, %add3A_176 : i32
    "tpu.region"() ({
      %run_scoped3A = tpu.sem_alloc : memref<!tpu.dma_semaphore, #tpu.memory_space<semaphore_mem>>
      %dma_start3A = arith.constant 0 : i32
      %dma_start3A_199 = tpu.memref_slice %arg8[%arg0, %add3A_177, %dma_start3A] : memref<2x10000x128xf32, #tpu.memory_space<hbm>> -> memref<1x48x128xf32, #tpu.memory_space<hbm>>
      %dma_start3A_200 = tpu.memref_squeeze %dma_start3A_199 : memref<1x48x128xf32, #tpu.memory_space<hbm>> -> memref<48x128xf32, #tpu.memory_space<hbm>>
      %dma_start3A_201 = arith.constant 0 : i32
      %dma_start3A_202 = tpu.memref_slice %arg8[%arg0, %add3A_177, %dma_start3A_201] : memref<2x10000x128xf32, #tpu.memory_space<hbm>> -> memref<1x48x128xf32, #tpu.memory_space<hbm>>
      %dma_start3A_203 = tpu.memref_squeeze %dma_start3A_202 : memref<1x48x128xf32, #tpu.memory_space<hbm>> -> memref<48x128xf32, #tpu.memory_space<hbm>>
      tpu.enqueue_dma source(%arg17 : memref<48x128xf32, #tpu.memory_space<vmem>>) target(%dma_start3A_203 : memref<48x128xf32, #tpu.memory_space<hbm>>) target_semaphore(%run_scoped3A : memref<!tpu.dma_semaphore, #tpu.memory_space<semaphore_mem>>)
      %dma_wait3A = arith.constant 0 : i32
      %dma_wait3A_204 = tpu.memref_slice %arg8[%arg0, %add3A_177, %dma_wait3A] : memref<2x10000x128xf32, #tpu.memory_space<hbm>> -> memref<1x48x128xf32, #tpu.memory_space<hbm>>
      %dma_wait3A_205 = tpu.memref_squeeze %dma_wait3A_204 : memref<1x48x128xf32, #tpu.memory_space<hbm>> -> memref<48x128xf32, #tpu.memory_space<hbm>>
      %dma_wait3A_206 = arith.constant 0 : i32
      %dma_wait3A_207 = tpu.memref_slice %arg8[%arg0, %add3A_177, %dma_wait3A_206] : memref<2x10000x128xf32, #tpu.memory_space<hbm>> -> memref<1x48x128xf32, #tpu.memory_space<hbm>>
      %dma_wait3A_208 = tpu.memref_squeeze %dma_wait3A_207 : memref<1x48x128xf32, #tpu.memory_space<hbm>> -> memref<48x128xf32, #tpu.memory_space<hbm>>
      tpu.wait_dma2 semaphore(%run_scoped3A : memref<!tpu.dma_semaphore, #tpu.memory_space<semaphore_mem>>) src(%arg17 : memref<48x128xf32, #tpu.memory_space<vmem>>) dst(%dma_wait3A_208 : memref<48x128xf32, #tpu.memory_space<hbm>>)
      tpu.yield
    }) : () -> ()
    %mul3A_178 = arith.constant 624 : i32
    %mul3A_179 = arith.muli %arg1, %mul3A_178 : i32
    %add3A_180 = arith.constant 528 : i32
    %add3A_181 = arith.addi %mul3A_179, %add3A_180 : i32
    "tpu.region"() ({
      %run_scoped3A = tpu.sem_alloc : memref<!tpu.dma_semaphore, #tpu.memory_space<semaphore_mem>>
      %dma_start3A = arith.constant 0 : i32
      %dma_start3A_199 = tpu.memref_slice %arg18[%add3A_181, %dma_start3A] : memref<10000x128xf32, #tpu.memory_space<vmem_shared>> -> memref<48x128xf32, #tpu.memory_space<vmem_shared>>
      %dma_start3A_200 = arith.constant 0 : i32
      %dma_start3A_201 = tpu.memref_slice %arg18[%add3A_181, %dma_start3A_200] : memref<10000x128xf32, #tpu.memory_space<vmem_shared>> -> memref<48x128xf32, #tpu.memory_space<vmem_shared>>
      tpu.enqueue_dma source(%dma_start3A_201 : memref<48x128xf32, #tpu.memory_space<vmem_shared>>) target(%arg17 : memref<48x128xf32, #tpu.memory_space<vmem>>) target_semaphore(%run_scoped3A : memref<!tpu.dma_semaphore, #tpu.memory_space<semaphore_mem>>)
      %dma_wait3A = arith.constant 0 : i32
      %dma_wait3A_202 = tpu.memref_slice %arg18[%add3A_181, %dma_wait3A] : memref<10000x128xf32, #tpu.memory_space<vmem_shared>> -> memref<48x128xf32, #tpu.memory_space<vmem_shared>>
      %dma_wait3A_203 = arith.constant 0 : i32
      %dma_wait3A_204 = tpu.memref_slice %arg18[%add3A_181, %dma_wait3A_203] : memref<10000x128xf32, #tpu.memory_space<vmem_shared>> -> memref<48x128xf32, #tpu.memory_space<vmem_shared>>
      tpu.wait_dma2 semaphore(%run_scoped3A : memref<!tpu.dma_semaphore, #tpu.memory_space<semaphore_mem>>) src(%dma_wait3A_204 : memref<48x128xf32, #tpu.memory_space<vmem_shared>>) dst(%arg17 : memref<48x128xf32, #tpu.memory_space<vmem>>)
      tpu.yield
    }) : () -> ()
    %mul3A_182 = arith.constant 624 : i32
    %mul3A_183 = arith.muli %arg1, %mul3A_182 : i32
    %add3A_184 = arith.constant 528 : i32
    %add3A_185 = arith.addi %mul3A_183, %add3A_184 : i32
    "tpu.region"() ({
      %run_scoped3A = tpu.sem_alloc : memref<!tpu.dma_semaphore, #tpu.memory_space<semaphore_mem>>
      %dma_start3A = arith.constant 0 : i32
      %dma_start3A_199 = tpu.memref_slice %arg8[%arg0, %add3A_185, %dma_start3A] : memref<2x10000x128xf32, #tpu.memory_space<hbm>> -> memref<1x48x128xf32, #tpu.memory_space<hbm>>
      %dma_start3A_200 = tpu.memref_squeeze %dma_start3A_199 : memref<1x48x128xf32, #tpu.memory_space<hbm>> -> memref<48x128xf32, #tpu.memory_space<hbm>>
      %dma_start3A_201 = arith.constant 0 : i32
      %dma_start3A_202 = tpu.memref_slice %arg8[%arg0, %add3A_185, %dma_start3A_201] : memref<2x10000x128xf32, #tpu.memory_space<hbm>> -> memref<1x48x128xf32, #tpu.memory_space<hbm>>
      %dma_start3A_203 = tpu.memref_squeeze %dma_start3A_202 : memref<1x48x128xf32, #tpu.memory_space<hbm>> -> memref<48x128xf32, #tpu.memory_space<hbm>>
      tpu.enqueue_dma source(%arg17 : memref<48x128xf32, #tpu.memory_space<vmem>>) target(%dma_start3A_203 : memref<48x128xf32, #tpu.memory_space<hbm>>) target_semaphore(%run_scoped3A : memref<!tpu.dma_semaphore, #tpu.memory_space<semaphore_mem>>)
      %dma_wait3A = arith.constant 0 : i32
      %dma_wait3A_204 = tpu.memref_slice %arg8[%arg0, %add3A_185, %dma_wait3A] : memref<2x10000x128xf32, #tpu.memory_space<hbm>> -> memref<1x48x128xf32, #tpu.memory_space<hbm>>
      %dma_wait3A_205 = tpu.memref_squeeze %dma_wait3A_204 : memref<1x48x128xf32, #tpu.memory_space<hbm>> -> memref<48x128xf32, #tpu.memory_space<hbm>>
      %dma_wait3A_206 = arith.constant 0 : i32
      %dma_wait3A_207 = tpu.memref_slice %arg8[%arg0, %add3A_185, %dma_wait3A_206] : memref<2x10000x128xf32, #tpu.memory_space<hbm>> -> memref<1x48x128xf32, #tpu.memory_space<hbm>>
      %dma_wait3A_208 = tpu.memref_squeeze %dma_wait3A_207 : memref<1x48x128xf32, #tpu.memory_space<hbm>> -> memref<48x128xf32, #tpu.memory_space<hbm>>
      tpu.wait_dma2 semaphore(%run_scoped3A : memref<!tpu.dma_semaphore, #tpu.memory_space<semaphore_mem>>) src(%arg17 : memref<48x128xf32, #tpu.memory_space<vmem>>) dst(%dma_wait3A_208 : memref<48x128xf32, #tpu.memory_space<hbm>>)
      tpu.yield
    }) : () -> ()
    %mul3A_186 = arith.constant 624 : i32
    %mul3A_187 = arith.muli %arg1, %mul3A_186 : i32
    %add3A_188 = arith.constant 576 : i32
    %add3A_189 = arith.addi %mul3A_187, %add3A_188 : i32
    "tpu.region"() ({
      %run_scoped3A = tpu.sem_alloc : memref<!tpu.dma_semaphore, #tpu.memory_space<semaphore_mem>>
      %dma_start3A = arith.constant 0 : i32
      %dma_start3A_199 = tpu.memref_slice %arg18[%add3A_189, %dma_start3A] : memref<10000x128xf32, #tpu.memory_space<vmem_shared>> -> memref<48x128xf32, #tpu.memory_space<vmem_shared>>
      %dma_start3A_200 = arith.constant 0 : i32
      %dma_start3A_201 = tpu.memref_slice %arg18[%add3A_189, %dma_start3A_200] : memref<10000x128xf32, #tpu.memory_space<vmem_shared>> -> memref<48x128xf32, #tpu.memory_space<vmem_shared>>
      tpu.enqueue_dma source(%dma_start3A_201 : memref<48x128xf32, #tpu.memory_space<vmem_shared>>) target(%arg17 : memref<48x128xf32, #tpu.memory_space<vmem>>) target_semaphore(%run_scoped3A : memref<!tpu.dma_semaphore, #tpu.memory_space<semaphore_mem>>)
      %dma_wait3A = arith.constant 0 : i32
      %dma_wait3A_202 = tpu.memref_slice %arg18[%add3A_189, %dma_wait3A] : memref<10000x128xf32, #tpu.memory_space<vmem_shared>> -> memref<48x128xf32, #tpu.memory_space<vmem_shared>>
      %dma_wait3A_203 = arith.constant 0 : i32
      %dma_wait3A_204 = tpu.memref_slice %arg18[%add3A_189, %dma_wait3A_203] : memref<10000x128xf32, #tpu.memory_space<vmem_shared>> -> memref<48x128xf32, #tpu.memory_space<vmem_shared>>
      tpu.wait_dma2 semaphore(%run_scoped3A : memref<!tpu.dma_semaphore, #tpu.memory_space<semaphore_mem>>) src(%dma_wait3A_204 : memref<48x128xf32, #tpu.memory_space<vmem_shared>>) dst(%arg17 : memref<48x128xf32, #tpu.memory_space<vmem>>)
      tpu.yield
    }) : () -> ()
    %mul3A_190 = arith.constant 624 : i32
    %mul3A_191 = arith.muli %arg1, %mul3A_190 : i32
    %add3A_192 = arith.constant 576 : i32
    %add3A_193 = arith.addi %mul3A_191, %add3A_192 : i32
    "tpu.region"() ({
      %run_scoped3A = tpu.sem_alloc : memref<!tpu.dma_semaphore, #tpu.memory_space<semaphore_mem>>
      %dma_start3A = arith.constant 0 : i32
      %dma_start3A_199 = tpu.memref_slice %arg8[%arg0, %add3A_193, %dma_start3A] : memref<2x10000x128xf32, #tpu.memory_space<hbm>> -> memref<1x48x128xf32, #tpu.memory_space<hbm>>
      %dma_start3A_200 = tpu.memref_squeeze %dma_start3A_199 : memref<1x48x128xf32, #tpu.memory_space<hbm>> -> memref<48x128xf32, #tpu.memory_space<hbm>>
      %dma_start3A_201 = arith.constant 0 : i32
      %dma_start3A_202 = tpu.memref_slice %arg8[%arg0, %add3A_193, %dma_start3A_201] : memref<2x10000x128xf32, #tpu.memory_space<hbm>> -> memref<1x48x128xf32, #tpu.memory_space<hbm>>
      %dma_start3A_203 = tpu.memref_squeeze %dma_start3A_202 : memref<1x48x128xf32, #tpu.memory_space<hbm>> -> memref<48x128xf32, #tpu.memory_space<hbm>>
      tpu.enqueue_dma source(%arg17 : memref<48x128xf32, #tpu.memory_space<vmem>>) target(%dma_start3A_203 : memref<48x128xf32, #tpu.memory_space<hbm>>) target_semaphore(%run_scoped3A : memref<!tpu.dma_semaphore, #tpu.memory_space<semaphore_mem>>)
      %dma_wait3A = arith.constant 0 : i32
      %dma_wait3A_204 = tpu.memref_slice %arg8[%arg0, %add3A_193, %dma_wait3A] : memref<2x10000x128xf32, #tpu.memory_space<hbm>> -> memref<1x48x128xf32, #tpu.memory_space<hbm>>
      %dma_wait3A_205 = tpu.memref_squeeze %dma_wait3A_204 : memref<1x48x128xf32, #tpu.memory_space<hbm>> -> memref<48x128xf32, #tpu.memory_space<hbm>>
      %dma_wait3A_206 = arith.constant 0 : i32
      %dma_wait3A_207 = tpu.memref_slice %arg8[%arg0, %add3A_193, %dma_wait3A_206] : memref<2x10000x128xf32, #tpu.memory_space<hbm>> -> memref<1x48x128xf32, #tpu.memory_space<hbm>>
      %dma_wait3A_208 = tpu.memref_squeeze %dma_wait3A_207 : memref<1x48x128xf32, #tpu.memory_space<hbm>> -> memref<48x128xf32, #tpu.memory_space<hbm>>
      tpu.wait_dma2 semaphore(%run_scoped3A : memref<!tpu.dma_semaphore, #tpu.memory_space<semaphore_mem>>) src(%arg17 : memref<48x128xf32, #tpu.memory_space<vmem>>) dst(%dma_wait3A_208 : memref<48x128xf32, #tpu.memory_space<hbm>>)
      tpu.yield
    }) : () -> ()
    %eq3A_194 = arith.constant 15 : i32
    %eq3A_195 = arith.cmpi eq, %arg1, %eq3A_194 : i32
    %convert_element_type3A_196 = arith.extui %eq3A_195 : i1 to i32
    %cond3A_197 = arith.constant 0 : i32
    %cond3A_198 = arith.cmpi ne, %convert_element_type3A_196, %cond3A_197 : i32
    scf.if %cond3A_198 {
      "tpu.region"() ({
        %run_scoped3A = tpu.sem_alloc : memref<!tpu.dma_semaphore, #tpu.memory_space<semaphore_mem>>
        %dma_start3A = arith.constant 0 : i32
        %dma_start3A_199 = arith.constant 0 : i32
        %dma_start3A_200 = tpu.memref_slice %arg17[%dma_start3A, %dma_start3A_199] : memref<48x128xf32, #tpu.memory_space<vmem>> -> memref<16x128xf32, #tpu.memory_space<vmem>>
        %dma_start3A_201 = arith.constant 9984 : i32
        %dma_start3A_202 = arith.constant 0 : i32
        %dma_start3A_203 = tpu.memref_slice %arg18[%dma_start3A_201, %dma_start3A_202] : memref<10000x128xf32, #tpu.memory_space<vmem_shared>> -> memref<16x128xf32, #tpu.memory_space<vmem_shared>>
        %dma_start3A_204 = arith.constant 0 : i32
        %dma_start3A_205 = arith.constant 0 : i32
        %dma_start3A_206 = tpu.memref_slice %arg17[%dma_start3A_204, %dma_start3A_205] : memref<48x128xf32, #tpu.memory_space<vmem>> -> memref<16x128xf32, #tpu.memory_space<vmem>>
        %dma_start3A_207 = arith.constant 9984 : i32
        %dma_start3A_208 = arith.constant 0 : i32
        %dma_start3A_209 = tpu.memref_slice %arg18[%dma_start3A_207, %dma_start3A_208] : memref<10000x128xf32, #tpu.memory_space<vmem_shared>> -> memref<16x128xf32, #tpu.memory_space<vmem_shared>>
        tpu.enqueue_dma source(%dma_start3A_209 : memref<16x128xf32, #tpu.memory_space<vmem_shared>>) target(%dma_start3A_206 : memref<16x128xf32, #tpu.memory_space<vmem>>) target_semaphore(%run_scoped3A : memref<!tpu.dma_semaphore, #tpu.memory_space<semaphore_mem>>)
        %dma_wait3A = arith.constant 0 : i32
        %dma_wait3A_210 = arith.constant 0 : i32
        %dma_wait3A_211 = tpu.memref_slice %arg17[%dma_wait3A, %dma_wait3A_210] : memref<48x128xf32, #tpu.memory_space<vmem>> -> memref<16x128xf32, #tpu.memory_space<vmem>>
        %dma_wait3A_212 = arith.constant 9984 : i32
        %dma_wait3A_213 = arith.constant 0 : i32
        %dma_wait3A_214 = tpu.memref_slice %arg18[%dma_wait3A_212, %dma_wait3A_213] : memref<10000x128xf32, #tpu.memory_space<vmem_shared>> -> memref<16x128xf32, #tpu.memory_space<vmem_shared>>
        %dma_wait3A_215 = arith.constant 0 : i32
        %dma_wait3A_216 = arith.constant 0 : i32
        %dma_wait3A_217 = tpu.memref_slice %arg17[%dma_wait3A_215, %dma_wait3A_216] : memref<48x128xf32, #tpu.memory_space<vmem>> -> memref<16x128xf32, #tpu.memory_space<vmem>>
        %dma_wait3A_218 = arith.constant 9984 : i32
        %dma_wait3A_219 = arith.constant 0 : i32
        %dma_wait3A_220 = tpu.memref_slice %arg18[%dma_wait3A_218, %dma_wait3A_219] : memref<10000x128xf32, #tpu.memory_space<vmem_shared>> -> memref<16x128xf32, #tpu.memory_space<vmem_shared>>
        tpu.wait_dma2 semaphore(%run_scoped3A : memref<!tpu.dma_semaphore, #tpu.memory_space<semaphore_mem>>) src(%dma_wait3A_220 : memref<16x128xf32, #tpu.memory_space<vmem_shared>>) dst(%dma_wait3A_217 : memref<16x128xf32, #tpu.memory_space<vmem>>)
        tpu.yield
      }) : () -> ()
      "tpu.region"() ({
        %run_scoped3A = tpu.sem_alloc : memref<!tpu.dma_semaphore, #tpu.memory_space<semaphore_mem>>
        %dma_start3A = arith.constant 0 : i32
        %dma_start3A_199 = arith.constant 0 : i32
        %dma_start3A_200 = tpu.memref_slice %arg17[%dma_start3A, %dma_start3A_199] : memref<48x128xf32, #tpu.memory_space<vmem>> -> memref<16x128xf32, #tpu.memory_space<vmem>>
        %dma_start3A_201 = arith.constant 9984 : i32
        %dma_start3A_202 = arith.constant 0 : i32
        %dma_start3A_203 = tpu.memref_slice %arg8[%arg0, %dma_start3A_201, %dma_start3A_202] : memref<2x10000x128xf32, #tpu.memory_space<hbm>> -> memref<1x16x128xf32, #tpu.memory_space<hbm>>
        %dma_start3A_204 = tpu.memref_squeeze %dma_start3A_203 : memref<1x16x128xf32, #tpu.memory_space<hbm>> -> memref<16x128xf32, #tpu.memory_space<hbm>>
        %dma_start3A_205 = arith.constant 9984 : i32
        %dma_start3A_206 = arith.constant 0 : i32
        %dma_start3A_207 = tpu.memref_slice %arg8[%arg0, %dma_start3A_205, %dma_start3A_206] : memref<2x10000x128xf32, #tpu.memory_space<hbm>> -> memref<1x16x128xf32, #tpu.memory_space<hbm>>
        %dma_start3A_208 = tpu.memref_squeeze %dma_start3A_207 : memref<1x16x128xf32, #tpu.memory_space<hbm>> -> memref<16x128xf32, #tpu.memory_space<hbm>>
        %dma_start3A_209 = arith.constant 0 : i32
        %dma_start3A_210 = arith.constant 0 : i32
        %dma_start3A_211 = tpu.memref_slice %arg17[%dma_start3A_209, %dma_start3A_210] : memref<48x128xf32, #tpu.memory_space<vmem>> -> memref<16x128xf32, #tpu.memory_space<vmem>>
        tpu.enqueue_dma source(%dma_start3A_211 : memref<16x128xf32, #tpu.memory_space<vmem>>) target(%dma_start3A_208 : memref<16x128xf32, #tpu.memory_space<hbm>>) target_semaphore(%run_scoped3A : memref<!tpu.dma_semaphore, #tpu.memory_space<semaphore_mem>>)
        %dma_wait3A = arith.constant 0 : i32
        %dma_wait3A_212 = arith.constant 0 : i32
        %dma_wait3A_213 = tpu.memref_slice %arg17[%dma_wait3A, %dma_wait3A_212] : memref<48x128xf32, #tpu.memory_space<vmem>> -> memref<16x128xf32, #tpu.memory_space<vmem>>
        %dma_wait3A_214 = arith.constant 9984 : i32
        %dma_wait3A_215 = arith.constant 0 : i32
        %dma_wait3A_216 = tpu.memref_slice %arg8[%arg0, %dma_wait3A_214, %dma_wait3A_215] : memref<2x10000x128xf32, #tpu.memory_space<hbm>> -> memref<1x16x128xf32, #tpu.memory_space<hbm>>
        %dma_wait3A_217 = tpu.memref_squeeze %dma_wait3A_216 : memref<1x16x128xf32, #tpu.memory_space<hbm>> -> memref<16x128xf32, #tpu.memory_space<hbm>>
        %dma_wait3A_218 = arith.constant 9984 : i32
        %dma_wait3A_219 = arith.constant 0 : i32
        %dma_wait3A_220 = tpu.memref_slice %arg8[%arg0, %dma_wait3A_218, %dma_wait3A_219] : memref<2x10000x128xf32, #tpu.memory_space<hbm>> -> memref<1x16x128xf32, #tpu.memory_space<hbm>>
        %dma_wait3A_221 = tpu.memref_squeeze %dma_wait3A_220 : memref<1x16x128xf32, #tpu.memory_space<hbm>> -> memref<16x128xf32, #tpu.memory_space<hbm>>
        %dma_wait3A_222 = arith.constant 0 : i32
        %dma_wait3A_223 = arith.constant 0 : i32
        %dma_wait3A_224 = tpu.memref_slice %arg17[%dma_wait3A_222, %dma_wait3A_223] : memref<48x128xf32, #tpu.memory_space<vmem>> -> memref<16x128xf32, #tpu.memory_space<vmem>>
        tpu.wait_dma2 semaphore(%run_scoped3A : memref<!tpu.dma_semaphore, #tpu.memory_space<semaphore_mem>>) src(%dma_wait3A_224 : memref<16x128xf32, #tpu.memory_space<vmem>>) dst(%dma_wait3A_221 : memref<16x128xf32, #tpu.memory_space<hbm>>)
        tpu.yield
      }) : () -> ()
    } else {
    }
    return
  }
}

#map = affine_map<(d0, d1) -> (0, 0)>
#map1 = affine_map<(d0, d1) -> (0)>
#map2 = affine_map<(d0, d1) -> (0, 0, 0)>
module attributes {stable_mosaic.version = 14 : i64} {
  func.func @_pa_body(%arg0: i32, %arg1: i32, %arg2: memref<10000x16xf32, #tpu.memory_space<hbm>>, %arg3: memref<16xf32, #tpu.memory_space<hbm>>, %arg4: memref<320000xi32, #tpu.memory_space<hbm>>, %arg5: memref<320000xi32, #tpu.memory_space<hbm>>, %arg6: memref<2x10000x16xf32, #tpu.memory_space<hbm>>, %arg7: memref<16xf32, #tpu.memory_space<vmem>>, %arg8: memref<80xi32, #tpu.memory_space<vmem>>, %arg9: memref<80xi32, #tpu.memory_space<vmem>>, %arg10: memref<80x16xf32, #tpu.memory_space<vmem>>, %arg11: memref<80x16xf32, #tpu.memory_space<vmem>>, %arg12: memref<80x16xf32, #tpu.memory_space<vmem>>, %arg13: memref<104x16xf32, #tpu.memory_space<vmem>>, %arg14: memref<10000x16xf32, #tpu.memory_space<vmem_shared>>, %arg15: memref<!tpu.dma_semaphore, #tpu.memory_space<semaphore_mem>>) attributes {dimension_semantics = [#tpu.dimension_semantics<core_parallel>, #tpu.dimension_semantics<subcore_parallel>], iteration_bounds = array<i64: 2, 16>, scalar_prefetch = 0 : i64, scratch_operands = 9 : i64, tpu.core_type = #tpu.core_type<sc_vector_subcore>, window_params = [{transform_indices = #map}, {transform_indices = #map1}, {transform_indices = #map1}, {transform_indices = #map1}, {transform_indices = #map2}]} {
    %mul3A = arith.constant 16 : i32
    %mul3A_0 = arith.muli %arg0, %mul3A : i32
    %add3A = arith.addi %mul3A_0, %arg1 : i32
    "tpu.region"() ({
      %run_scoped3A = tpu.sem_alloc : memref<!tpu.dma_semaphore, #tpu.memory_space<semaphore_mem>>
      tpu.enqueue_dma source(%arg3 : memref<16xf32, #tpu.memory_space<hbm>>) target(%arg7 : memref<16xf32, #tpu.memory_space<vmem>>) target_semaphore(%run_scoped3A : memref<!tpu.dma_semaphore, #tpu.memory_space<semaphore_mem>>)
      tpu.wait_dma2 semaphore(%run_scoped3A : memref<!tpu.dma_semaphore, #tpu.memory_space<semaphore_mem>>) src(%arg3 : memref<16xf32, #tpu.memory_space<hbm>>) dst(%arg7 : memref<16xf32, #tpu.memory_space<vmem>>)
      tpu.yield
    }) : () -> ()
    %broadcast_in_dim3A = arith.constant 0.000000e+00 : f32
    %broadcast_in_dim3A_1 = vector.broadcast %broadcast_in_dim3A : f32 to vector<16xf32>
    %scan3A = arith.constant 0 : i32
    %scan3A_2 = arith.constant 0 : i32
    %scan3A_3 = arith.constant 104 : i32
    %scan3A_4 = arith.addi %scan3A_2, %scan3A_3 : i32
    %scan3A_5 = arith.constant 1 : i32
    scf.for %scan3A_105 = %scan3A_2 to %scan3A_4 step %scan3A_5  : i32 {
      %swap3A = arith.index_cast %scan3A_105 : i32 to index
      %swap3A_106 = arith.constant 0 : index
      %swap3A_107 = tpu.vector_load %arg13[%swap3A, %swap3A_106] {strides = array<i32>} : memref<104x16xf32, #tpu.memory_space<vmem>>, vector<1x16xf32>,
      %swap3A_108 = vector.shape_cast %swap3A_107 : vector<1x16xf32> to vector<16xf32>
      %swap3A_109 = vector.shape_cast %broadcast_in_dim3A_1 : vector<16xf32> to vector<1x16xf32>
      tpu.vector_store %arg13[%swap3A, %swap3A_106], %swap3A_109 {strides = array<i32>} : memref<104x16xf32, #tpu.memory_space<vmem>>, vector<1x16xf32>,
    }
    %scan3A_6 = arith.constant 104 : i32
    %mul3A_7 = arith.constant 624 : i32
    %mul3A_8 = arith.muli %arg1, %mul3A_7 : i32
    %add3A_9 = arith.constant 0 : i32
    %add3A_10 = arith.addi %mul3A_8, %add3A_9 : i32
    "tpu.region"() ({
      %run_scoped3A = tpu.sem_alloc : memref<!tpu.dma_semaphore, #tpu.memory_space<semaphore_mem>>
      %dma_start3A = arith.constant 0 : i32
      %dma_start3A_105 = tpu.memref_slice %arg14[%add3A_10, %dma_start3A] : memref<10000x16xf32, #tpu.memory_space<vmem_shared>> -> memref<104x16xf32, #tpu.memory_space<vmem_shared>>
      %dma_start3A_106 = arith.constant 0 : i32
      %dma_start3A_107 = tpu.memref_slice %arg14[%add3A_10, %dma_start3A_106] : memref<10000x16xf32, #tpu.memory_space<vmem_shared>> -> memref<104x16xf32, #tpu.memory_space<vmem_shared>>
      tpu.enqueue_dma source(%arg13 : memref<104x16xf32, #tpu.memory_space<vmem>>) target(%dma_start3A_107 : memref<104x16xf32, #tpu.memory_space<vmem_shared>>) target_semaphore(%run_scoped3A : memref<!tpu.dma_semaphore, #tpu.memory_space<semaphore_mem>>)
      %dma_wait3A = arith.constant 0 : i32
      %dma_wait3A_108 = tpu.memref_slice %arg14[%add3A_10, %dma_wait3A] : memref<10000x16xf32, #tpu.memory_space<vmem_shared>> -> memref<104x16xf32, #tpu.memory_space<vmem_shared>>
      %dma_wait3A_109 = arith.constant 0 : i32
      %dma_wait3A_110 = tpu.memref_slice %arg14[%add3A_10, %dma_wait3A_109] : memref<10000x16xf32, #tpu.memory_space<vmem_shared>> -> memref<104x16xf32, #tpu.memory_space<vmem_shared>>
      tpu.wait_dma2 semaphore(%run_scoped3A : memref<!tpu.dma_semaphore, #tpu.memory_space<semaphore_mem>>) src(%arg13 : memref<104x16xf32, #tpu.memory_space<vmem>>) dst(%dma_wait3A_110 : memref<104x16xf32, #tpu.memory_space<vmem_shared>>)
      tpu.yield
    }) : () -> ()
    %mul3A_11 = arith.constant 624 : i32
    %mul3A_12 = arith.muli %arg1, %mul3A_11 : i32
    %add3A_13 = arith.constant 104 : i32
    %add3A_14 = arith.addi %mul3A_12, %add3A_13 : i32
    "tpu.region"() ({
      %run_scoped3A = tpu.sem_alloc : memref<!tpu.dma_semaphore, #tpu.memory_space<semaphore_mem>>
      %dma_start3A = arith.constant 0 : i32
      %dma_start3A_105 = tpu.memref_slice %arg14[%add3A_14, %dma_start3A] : memref<10000x16xf32, #tpu.memory_space<vmem_shared>> -> memref<104x16xf32, #tpu.memory_space<vmem_shared>>
      %dma_start3A_106 = arith.constant 0 : i32
      %dma_start3A_107 = tpu.memref_slice %arg14[%add3A_14, %dma_start3A_106] : memref<10000x16xf32, #tpu.memory_space<vmem_shared>> -> memref<104x16xf32, #tpu.memory_space<vmem_shared>>
      tpu.enqueue_dma source(%arg13 : memref<104x16xf32, #tpu.memory_space<vmem>>) target(%dma_start3A_107 : memref<104x16xf32, #tpu.memory_space<vmem_shared>>) target_semaphore(%run_scoped3A : memref<!tpu.dma_semaphore, #tpu.memory_space<semaphore_mem>>)
      %dma_wait3A = arith.constant 0 : i32
      %dma_wait3A_108 = tpu.memref_slice %arg14[%add3A_14, %dma_wait3A] : memref<10000x16xf32, #tpu.memory_space<vmem_shared>> -> memref<104x16xf32, #tpu.memory_space<vmem_shared>>
      %dma_wait3A_109 = arith.constant 0 : i32
      %dma_wait3A_110 = tpu.memref_slice %arg14[%add3A_14, %dma_wait3A_109] : memref<10000x16xf32, #tpu.memory_space<vmem_shared>> -> memref<104x16xf32, #tpu.memory_space<vmem_shared>>
      tpu.wait_dma2 semaphore(%run_scoped3A : memref<!tpu.dma_semaphore, #tpu.memory_space<semaphore_mem>>) src(%arg13 : memref<104x16xf32, #tpu.memory_space<vmem>>) dst(%dma_wait3A_110 : memref<104x16xf32, #tpu.memory_space<vmem_shared>>)
      tpu.yield
    }) : () -> ()
    %mul3A_15 = arith.constant 624 : i32
    %mul3A_16 = arith.muli %arg1, %mul3A_15 : i32
    %add3A_17 = arith.constant 208 : i32
    %add3A_18 = arith.addi %mul3A_16, %add3A_17 : i32
    "tpu.region"() ({
      %run_scoped3A = tpu.sem_alloc : memref<!tpu.dma_semaphore, #tpu.memory_space<semaphore_mem>>
      %dma_start3A = arith.constant 0 : i32
      %dma_start3A_105 = tpu.memref_slice %arg14[%add3A_18, %dma_start3A] : memref<10000x16xf32, #tpu.memory_space<vmem_shared>> -> memref<104x16xf32, #tpu.memory_space<vmem_shared>>
      %dma_start3A_106 = arith.constant 0 : i32
      %dma_start3A_107 = tpu.memref_slice %arg14[%add3A_18, %dma_start3A_106] : memref<10000x16xf32, #tpu.memory_space<vmem_shared>> -> memref<104x16xf32, #tpu.memory_space<vmem_shared>>
      tpu.enqueue_dma source(%arg13 : memref<104x16xf32, #tpu.memory_space<vmem>>) target(%dma_start3A_107 : memref<104x16xf32, #tpu.memory_space<vmem_shared>>) target_semaphore(%run_scoped3A : memref<!tpu.dma_semaphore, #tpu.memory_space<semaphore_mem>>)
      %dma_wait3A = arith.constant 0 : i32
      %dma_wait3A_108 = tpu.memref_slice %arg14[%add3A_18, %dma_wait3A] : memref<10000x16xf32, #tpu.memory_space<vmem_shared>> -> memref<104x16xf32, #tpu.memory_space<vmem_shared>>
      %dma_wait3A_109 = arith.constant 0 : i32
      %dma_wait3A_110 = tpu.memref_slice %arg14[%add3A_18, %dma_wait3A_109] : memref<10000x16xf32, #tpu.memory_space<vmem_shared>> -> memref<104x16xf32, #tpu.memory_space<vmem_shared>>
      tpu.wait_dma2 semaphore(%run_scoped3A : memref<!tpu.dma_semaphore, #tpu.memory_space<semaphore_mem>>) src(%arg13 : memref<104x16xf32, #tpu.memory_space<vmem>>) dst(%dma_wait3A_110 : memref<104x16xf32, #tpu.memory_space<vmem_shared>>)
      tpu.yield
    }) : () -> ()
    %mul3A_19 = arith.constant 624 : i32
    %mul3A_20 = arith.muli %arg1, %mul3A_19 : i32
    %add3A_21 = arith.constant 312 : i32
    %add3A_22 = arith.addi %mul3A_20, %add3A_21 : i32
    "tpu.region"() ({
      %run_scoped3A = tpu.sem_alloc : memref<!tpu.dma_semaphore, #tpu.memory_space<semaphore_mem>>
      %dma_start3A = arith.constant 0 : i32
      %dma_start3A_105 = tpu.memref_slice %arg14[%add3A_22, %dma_start3A] : memref<10000x16xf32, #tpu.memory_space<vmem_shared>> -> memref<104x16xf32, #tpu.memory_space<vmem_shared>>
      %dma_start3A_106 = arith.constant 0 : i32
      %dma_start3A_107 = tpu.memref_slice %arg14[%add3A_22, %dma_start3A_106] : memref<10000x16xf32, #tpu.memory_space<vmem_shared>> -> memref<104x16xf32, #tpu.memory_space<vmem_shared>>
      tpu.enqueue_dma source(%arg13 : memref<104x16xf32, #tpu.memory_space<vmem>>) target(%dma_start3A_107 : memref<104x16xf32, #tpu.memory_space<vmem_shared>>) target_semaphore(%run_scoped3A : memref<!tpu.dma_semaphore, #tpu.memory_space<semaphore_mem>>)
      %dma_wait3A = arith.constant 0 : i32
      %dma_wait3A_108 = tpu.memref_slice %arg14[%add3A_22, %dma_wait3A] : memref<10000x16xf32, #tpu.memory_space<vmem_shared>> -> memref<104x16xf32, #tpu.memory_space<vmem_shared>>
      %dma_wait3A_109 = arith.constant 0 : i32
      %dma_wait3A_110 = tpu.memref_slice %arg14[%add3A_22, %dma_wait3A_109] : memref<10000x16xf32, #tpu.memory_space<vmem_shared>> -> memref<104x16xf32, #tpu.memory_space<vmem_shared>>
      tpu.wait_dma2 semaphore(%run_scoped3A : memref<!tpu.dma_semaphore, #tpu.memory_space<semaphore_mem>>) src(%arg13 : memref<104x16xf32, #tpu.memory_space<vmem>>) dst(%dma_wait3A_110 : memref<104x16xf32, #tpu.memory_space<vmem_shared>>)
      tpu.yield
    }) : () -> ()
    %mul3A_23 = arith.constant 624 : i32
    %mul3A_24 = arith.muli %arg1, %mul3A_23 : i32
    %add3A_25 = arith.constant 416 : i32
    %add3A_26 = arith.addi %mul3A_24, %add3A_25 : i32
    "tpu.region"() ({
      %run_scoped3A = tpu.sem_alloc : memref<!tpu.dma_semaphore, #tpu.memory_space<semaphore_mem>>
      %dma_start3A = arith.constant 0 : i32
      %dma_start3A_105 = tpu.memref_slice %arg14[%add3A_26, %dma_start3A] : memref<10000x16xf32, #tpu.memory_space<vmem_shared>> -> memref<104x16xf32, #tpu.memory_space<vmem_shared>>
      %dma_start3A_106 = arith.constant 0 : i32
      %dma_start3A_107 = tpu.memref_slice %arg14[%add3A_26, %dma_start3A_106] : memref<10000x16xf32, #tpu.memory_space<vmem_shared>> -> memref<104x16xf32, #tpu.memory_space<vmem_shared>>
      tpu.enqueue_dma source(%arg13 : memref<104x16xf32, #tpu.memory_space<vmem>>) target(%dma_start3A_107 : memref<104x16xf32, #tpu.memory_space<vmem_shared>>) target_semaphore(%run_scoped3A : memref<!tpu.dma_semaphore, #tpu.memory_space<semaphore_mem>>)
      %dma_wait3A = arith.constant 0 : i32
      %dma_wait3A_108 = tpu.memref_slice %arg14[%add3A_26, %dma_wait3A] : memref<10000x16xf32, #tpu.memory_space<vmem_shared>> -> memref<104x16xf32, #tpu.memory_space<vmem_shared>>
      %dma_wait3A_109 = arith.constant 0 : i32
      %dma_wait3A_110 = tpu.memref_slice %arg14[%add3A_26, %dma_wait3A_109] : memref<10000x16xf32, #tpu.memory_space<vmem_shared>> -> memref<104x16xf32, #tpu.memory_space<vmem_shared>>
      tpu.wait_dma2 semaphore(%run_scoped3A : memref<!tpu.dma_semaphore, #tpu.memory_space<semaphore_mem>>) src(%arg13 : memref<104x16xf32, #tpu.memory_space<vmem>>) dst(%dma_wait3A_110 : memref<104x16xf32, #tpu.memory_space<vmem_shared>>)
      tpu.yield
    }) : () -> ()
    %mul3A_27 = arith.constant 624 : i32
    %mul3A_28 = arith.muli %arg1, %mul3A_27 : i32
    %add3A_29 = arith.constant 520 : i32
    %add3A_30 = arith.addi %mul3A_28, %add3A_29 : i32
    "tpu.region"() ({
      %run_scoped3A = tpu.sem_alloc : memref<!tpu.dma_semaphore, #tpu.memory_space<semaphore_mem>>
      %dma_start3A = arith.constant 0 : i32
      %dma_start3A_105 = tpu.memref_slice %arg14[%add3A_30, %dma_start3A] : memref<10000x16xf32, #tpu.memory_space<vmem_shared>> -> memref<104x16xf32, #tpu.memory_space<vmem_shared>>
      %dma_start3A_106 = arith.constant 0 : i32
      %dma_start3A_107 = tpu.memref_slice %arg14[%add3A_30, %dma_start3A_106] : memref<10000x16xf32, #tpu.memory_space<vmem_shared>> -> memref<104x16xf32, #tpu.memory_space<vmem_shared>>
      tpu.enqueue_dma source(%arg13 : memref<104x16xf32, #tpu.memory_space<vmem>>) target(%dma_start3A_107 : memref<104x16xf32, #tpu.memory_space<vmem_shared>>) target_semaphore(%run_scoped3A : memref<!tpu.dma_semaphore, #tpu.memory_space<semaphore_mem>>)
      %dma_wait3A = arith.constant 0 : i32
      %dma_wait3A_108 = tpu.memref_slice %arg14[%add3A_30, %dma_wait3A] : memref<10000x16xf32, #tpu.memory_space<vmem_shared>> -> memref<104x16xf32, #tpu.memory_space<vmem_shared>>
      %dma_wait3A_109 = arith.constant 0 : i32
      %dma_wait3A_110 = tpu.memref_slice %arg14[%add3A_30, %dma_wait3A_109] : memref<10000x16xf32, #tpu.memory_space<vmem_shared>> -> memref<104x16xf32, #tpu.memory_space<vmem_shared>>
      tpu.wait_dma2 semaphore(%run_scoped3A : memref<!tpu.dma_semaphore, #tpu.memory_space<semaphore_mem>>) src(%arg13 : memref<104x16xf32, #tpu.memory_space<vmem>>) dst(%dma_wait3A_110 : memref<104x16xf32, #tpu.memory_space<vmem_shared>>)
      tpu.yield
    }) : () -> ()
    %eq3A = arith.constant 15 : i32
    %eq3A_31 = arith.cmpi eq, %arg1, %eq3A : i32
    %convert_element_type3A = arith.extui %eq3A_31 : i1 to i32
    %cond3A = arith.constant 0 : i32
    %cond3A_32 = arith.cmpi ne, %convert_element_type3A, %cond3A : i32
    scf.if %cond3A_32 {
      "tpu.region"() ({
        %run_scoped3A = tpu.sem_alloc : memref<!tpu.dma_semaphore, #tpu.memory_space<semaphore_mem>>
        %dma_start3A = arith.constant 0 : i32
        %dma_start3A_105 = arith.constant 0 : i32
        %dma_start3A_106 = tpu.memref_slice %arg13[%dma_start3A, %dma_start3A_105] : memref<104x16xf32, #tpu.memory_space<vmem>> -> memref<16x16xf32, #tpu.memory_space<vmem>>
        %dma_start3A_107 = arith.constant 9984 : i32
        %dma_start3A_108 = arith.constant 0 : i32
        %dma_start3A_109 = tpu.memref_slice %arg14[%dma_start3A_107, %dma_start3A_108] : memref<10000x16xf32, #tpu.memory_space<vmem_shared>> -> memref<16x16xf32, #tpu.memory_space<vmem_shared>>
        %dma_start3A_110 = arith.constant 9984 : i32
        %dma_start3A_111 = arith.constant 0 : i32
        %dma_start3A_112 = tpu.memref_slice %arg14[%dma_start3A_110, %dma_start3A_111] : memref<10000x16xf32, #tpu.memory_space<vmem_shared>> -> memref<16x16xf32, #tpu.memory_space<vmem_shared>>
        %dma_start3A_113 = arith.constant 0 : i32
        %dma_start3A_114 = arith.constant 0 : i32
        %dma_start3A_115 = tpu.memref_slice %arg13[%dma_start3A_113, %dma_start3A_114] : memref<104x16xf32, #tpu.memory_space<vmem>> -> memref<16x16xf32, #tpu.memory_space<vmem>>
        tpu.enqueue_dma source(%dma_start3A_115 : memref<16x16xf32, #tpu.memory_space<vmem>>) target(%dma_start3A_112 : memref<16x16xf32, #tpu.memory_space<vmem_shared>>) target_semaphore(%run_scoped3A : memref<!tpu.dma_semaphore, #tpu.memory_space<semaphore_mem>>)
        %dma_wait3A = arith.constant 0 : i32
        %dma_wait3A_116 = arith.constant 0 : i32
        %dma_wait3A_117 = tpu.memref_slice %arg13[%dma_wait3A, %dma_wait3A_116] : memref<104x16xf32, #tpu.memory_space<vmem>> -> memref<16x16xf32, #tpu.memory_space<vmem>>
        %dma_wait3A_118 = arith.constant 9984 : i32
        %dma_wait3A_119 = arith.constant 0 : i32
        %dma_wait3A_120 = tpu.memref_slice %arg14[%dma_wait3A_118, %dma_wait3A_119] : memref<10000x16xf32, #tpu.memory_space<vmem_shared>> -> memref<16x16xf32, #tpu.memory_space<vmem_shared>>
        %dma_wait3A_121 = arith.constant 9984 : i32
        %dma_wait3A_122 = arith.constant 0 : i32
        %dma_wait3A_123 = tpu.memref_slice %arg14[%dma_wait3A_121, %dma_wait3A_122] : memref<10000x16xf32, #tpu.memory_space<vmem_shared>> -> memref<16x16xf32, #tpu.memory_space<vmem_shared>>
        %dma_wait3A_124 = arith.constant 0 : i32
        %dma_wait3A_125 = arith.constant 0 : i32
        %dma_wait3A_126 = tpu.memref_slice %arg13[%dma_wait3A_124, %dma_wait3A_125] : memref<104x16xf32, #tpu.memory_space<vmem>> -> memref<16x16xf32, #tpu.memory_space<vmem>>
        tpu.wait_dma2 semaphore(%run_scoped3A : memref<!tpu.dma_semaphore, #tpu.memory_space<semaphore_mem>>) src(%dma_wait3A_126 : memref<16x16xf32, #tpu.memory_space<vmem>>) dst(%dma_wait3A_123 : memref<16x16xf32, #tpu.memory_space<vmem_shared>>)
        tpu.yield
      }) : () -> ()
    } else {
    }
    %barrier3A = arith.constant 0 : index
    tpu.barrier barrier_id(%barrier3A)
    %iota3A = tpu.iota {dimensions = array<i32: 0>} : vector<16xi32>
    %add3A_33 = arith.constant 8 : i32
    %add3A_34 = vector.broadcast %add3A_33 : i32 to vector<16xi32>
    %add3A_35 = arith.addi %iota3A, %add3A_34 : vector<16xi32>
    %and3A = arith.constant 15 : i32
    %and3A_36 = vector.broadcast %and3A : i32 to vector<16xi32>
    %and3A_37 = arith.andi %add3A_35, %and3A_36 : vector<16xi32>
    %lt3A = arith.constant 5 : i32
    %lt3A_38 = vector.broadcast %lt3A : i32 to vector<16xi32>
    %lt3A_39 = arith.cmpi slt, %iota3A, %lt3A_38 : vector<16xi32>
    %jit3A = arith.constant 1.000000e+00 : f32
    %jit3A_40 = arith.constant 0.000000e+00 : f32
    %broadcast_in_dim3A_41 = vector.broadcast %jit3A : f32 to vector<16xf32>
    %broadcast_in_dim3A_42 = vector.broadcast %jit3A_40 : f32 to vector<16xf32>
    %select_n3A = arith.select %lt3A_39, %broadcast_in_dim3A_41, %broadcast_in_dim3A_42 : vector<16xi1>, vector<16xf32>
    %get3A = arith.constant 0 : index
    %get3A_43 = tpu.vector_load %arg7[%get3A] {strides = array<i32>} : memref<16xf32, #tpu.memory_space<vmem>>, vector<16xf32>,
    %get3A_44 = vector.shape_cast %get3A_43 : vector<16xf32> to vector<16xf32>
    %scan3A_45 = arith.constant 0 : i32
    %scan3A_46 = arith.constant 0 : i32
    %scan3A_47 = arith.constant 125 : i32
    %scan3A_48 = arith.addi %scan3A_46, %scan3A_47 : i32
    %scan3A_49 = arith.constant 1 : i32
    scf.for %scan3A_105 = %scan3A_46 to %scan3A_48 step %scan3A_49  : i32 {
      %mul3A_106 = arith.constant 10000 : i32
      %mul3A_107 = arith.muli %add3A, %mul3A_106 : i32
      %mul3A_108 = arith.constant 80 : i32
      %mul3A_109 = arith.muli %scan3A_105, %mul3A_108 : i32
      %add3A_110 = arith.addi %mul3A_107, %mul3A_109 : i32
      "tpu.region"() ({
        %run_scoped3A = tpu.sem_alloc : memref<!tpu.dma_semaphore, #tpu.memory_space<semaphore_mem>>
        %dma_start3A_127 = tpu.memref_slice %arg4[%add3A_110] : memref<320000xi32, #tpu.memory_space<hbm>> -> memref<80xi32, #tpu.memory_space<hbm>>
        %dma_start3A_128 = tpu.memref_slice %arg4[%add3A_110] : memref<320000xi32, #tpu.memory_space<hbm>> -> memref<80xi32, #tpu.memory_space<hbm>>
        tpu.enqueue_dma source(%dma_start3A_128 : memref<80xi32, #tpu.memory_space<hbm>>) target(%arg8 : memref<80xi32, #tpu.memory_space<vmem>>) target_semaphore(%run_scoped3A : memref<!tpu.dma_semaphore, #tpu.memory_space<semaphore_mem>>)
        %dma_wait3A_129 = tpu.memref_slice %arg4[%add3A_110] : memref<320000xi32, #tpu.memory_space<hbm>> -> memref<80xi32, #tpu.memory_space<hbm>>
        %dma_wait3A_130 = tpu.memref_slice %arg4[%add3A_110] : memref<320000xi32, #tpu.memory_space<hbm>> -> memref<80xi32, #tpu.memory_space<hbm>>
        tpu.wait_dma2 semaphore(%run_scoped3A : memref<!tpu.dma_semaphore, #tpu.memory_space<semaphore_mem>>) src(%dma_wait3A_130 : memref<80xi32, #tpu.memory_space<hbm>>) dst(%arg8 : memref<80xi32, #tpu.memory_space<vmem>>)
        tpu.yield
      }) : () -> ()
      "tpu.region"() ({
        %run_scoped3A = tpu.sem_alloc : memref<!tpu.dma_semaphore, #tpu.memory_space<semaphore_mem>>
        %dma_start3A_127 = tpu.memref_slice %arg5[%add3A_110] : memref<320000xi32, #tpu.memory_space<hbm>> -> memref<80xi32, #tpu.memory_space<hbm>>
        %dma_start3A_128 = tpu.memref_slice %arg5[%add3A_110] : memref<320000xi32, #tpu.memory_space<hbm>> -> memref<80xi32, #tpu.memory_space<hbm>>
        tpu.enqueue_dma source(%dma_start3A_128 : memref<80xi32, #tpu.memory_space<hbm>>) target(%arg9 : memref<80xi32, #tpu.memory_space<vmem>>) target_semaphore(%run_scoped3A : memref<!tpu.dma_semaphore, #tpu.memory_space<semaphore_mem>>)
        %dma_wait3A_129 = tpu.memref_slice %arg5[%add3A_110] : memref<320000xi32, #tpu.memory_space<hbm>> -> memref<80xi32, #tpu.memory_space<hbm>>
        %dma_wait3A_130 = tpu.memref_slice %arg5[%add3A_110] : memref<320000xi32, #tpu.memory_space<hbm>> -> memref<80xi32, #tpu.memory_space<hbm>>
        tpu.wait_dma2 semaphore(%run_scoped3A : memref<!tpu.dma_semaphore, #tpu.memory_space<semaphore_mem>>) src(%dma_wait3A_130 : memref<80xi32, #tpu.memory_space<hbm>>) dst(%arg9 : memref<80xi32, #tpu.memory_space<vmem>>)
        tpu.yield
      }) : () -> ()
      %dma_start3A = arith.constant 0 : i32
      %dma_start3A_111 = arith.constant 0 : i32
      %dma_start3A_112 = tpu.memref_slice %arg2[%dma_start3A, %dma_start3A_111] : memref<10000x16xf32, #tpu.memory_space<hbm>> -> memref<10000x16xf32, #tpu.memory_space<hbm>>
      tpu.enqueue_indirect_dma source(%dma_start3A_112 : memref<10000x16xf32, #tpu.memory_space<hbm>>) target(%arg10 : memref<80x16xf32, #tpu.memory_space<vmem>>) offsets(%arg8 : memref<80xi32, #tpu.memory_space<vmem>>) semaphore(%arg15 : memref<!tpu.dma_semaphore, #tpu.memory_space<semaphore_mem>>)
      %dma_wait3A = arith.constant 0 : i32
      %dma_wait3A_113 = arith.constant 0 : i32
      %dma_wait3A_114 = tpu.memref_slice %arg2[%dma_wait3A, %dma_wait3A_113] : memref<10000x16xf32, #tpu.memory_space<hbm>> -> memref<10000x16xf32, #tpu.memory_space<hbm>>
      tpu.wait_indirect_dma semaphore(%arg15 : memref<!tpu.dma_semaphore, #tpu.memory_space<semaphore_mem>>) src(%dma_wait3A_114 : memref<10000x16xf32, #tpu.memory_space<hbm>>) dst(%arg10 : memref<80x16xf32, #tpu.memory_space<vmem>>)
      %dma_start3A_115 = arith.constant 0 : i32
      %dma_start3A_116 = arith.constant 0 : i32
      %dma_start3A_117 = tpu.memref_slice %arg2[%dma_start3A_115, %dma_start3A_116] : memref<10000x16xf32, #tpu.memory_space<hbm>> -> memref<10000x16xf32, #tpu.memory_space<hbm>>
      tpu.enqueue_indirect_dma source(%dma_start3A_117 : memref<10000x16xf32, #tpu.memory_space<hbm>>) target(%arg11 : memref<80x16xf32, #tpu.memory_space<vmem>>) offsets(%arg9 : memref<80xi32, #tpu.memory_space<vmem>>) semaphore(%arg15 : memref<!tpu.dma_semaphore, #tpu.memory_space<semaphore_mem>>)
      %dma_wait3A_118 = arith.constant 0 : i32
      %dma_wait3A_119 = arith.constant 0 : i32
      %dma_wait3A_120 = tpu.memref_slice %arg2[%dma_wait3A_118, %dma_wait3A_119] : memref<10000x16xf32, #tpu.memory_space<hbm>> -> memref<10000x16xf32, #tpu.memory_space<hbm>>
      tpu.wait_indirect_dma semaphore(%arg15 : memref<!tpu.dma_semaphore, #tpu.memory_space<semaphore_mem>>) src(%dma_wait3A_120 : memref<10000x16xf32, #tpu.memory_space<hbm>>) dst(%arg11 : memref<80x16xf32, #tpu.memory_space<vmem>>)
      %scan3A_121 = arith.constant 0 : i32
      %scan3A_122 = arith.constant 0 : i32
      %scan3A_123 = arith.constant 80 : i32
      %scan3A_124 = arith.addi %scan3A_122, %scan3A_123 : i32
      %scan3A_125 = arith.constant 1 : i32
      scf.for %scan3A_127 = %scan3A_122 to %scan3A_124 step %scan3A_125  : i32 {
        %get3A_128 = arith.index_cast %scan3A_127 : i32 to index
        %get3A_129 = arith.constant 0 : index
        %get3A_130 = tpu.vector_load %arg10[%get3A_128, %get3A_129] {strides = array<i32>} : memref<80x16xf32, #tpu.memory_space<vmem>>, vector<1x16xf32>,
        %get3A_131 = vector.shape_cast %get3A_130 : vector<1x16xf32> to vector<16xf32>
        %get3A_132 = arith.index_cast %scan3A_127 : i32 to index
        %get3A_133 = arith.constant 0 : index
        %get3A_134 = tpu.vector_load %arg11[%get3A_132, %get3A_133] {strides = array<i32>} : memref<80x16xf32, #tpu.memory_space<vmem>>, vector<1x16xf32>,
        %get3A_135 = vector.shape_cast %get3A_134 : vector<1x16xf32> to vector<16xf32>
        %lt3A_136 = arith.constant 0 : i32
        %lt3A_137 = vector.broadcast %lt3A_136 : i32 to vector<16xi32>
        %lt3A_138 = arith.cmpi slt, %and3A_37, %lt3A_137 : vector<16xi32>
        %add3A_139 = arith.constant 16 : i32
        %add3A_140 = vector.broadcast %add3A_139 : i32 to vector<16xi32>
        %add3A_141 = arith.addi %and3A_37, %add3A_140 : vector<16xi32>
        %select_n3A_142 = arith.select %lt3A_138, %add3A_141, %and3A_37 : vector<16xi1>, vector<16xi32>
        %broadcast_in_dim3A_143 = vector.shape_cast %select_n3A_142 : vector<16xi32> to vector<16x1xi32>
        %gather3A = vector.shape_cast %broadcast_in_dim3A_143 : vector<16x1xi32> to vector<16xi32>
        %gather3A_144 = tpu.dynamic_gather %get3A_135[%gather3A] in [0] : vector<16xf32>, vector<16xi32> -> vector<16xf32>
        %add3A_145 = arith.addf %get3A_131, %gather3A_144 : vector<16xf32>
        %ge3A = arith.constant 0.000000e+00 : f32
        %ge3A_146 = vector.broadcast %ge3A : f32 to vector<16xf32>
        %ge3A_147 = arith.cmpf oge, %add3A_145, %ge3A_146 : vector<16xf32>
        %mul3A_148 = arith.constant 2.000000e-01 : f32
        %mul3A_149 = vector.broadcast %mul3A_148 : f32 to vector<16xf32>
        %mul3A_150 = arith.mulf %mul3A_149, %add3A_145 : vector<16xf32>
        %select_n3A_151 = arith.select %ge3A_147, %add3A_145, %mul3A_150 : vector<16xi1>, vector<16xf32>
        %sub3A = arith.subf %select_n3A_151, %get3A_44 : vector<16xf32>
        %exp3A = math.exp %sub3A : vector<16xf32>
        %mul3A_152 = arith.mulf %exp3A, %select_n3A : vector<16xf32>
        %swap3A = arith.index_cast %scan3A_127 : i32 to index
        %swap3A_153 = arith.constant 0 : index
        %swap3A_154 = tpu.vector_load %arg12[%swap3A, %swap3A_153] {strides = array<i32>} : memref<80x16xf32, #tpu.memory_space<vmem>>, vector<1x16xf32>,
        %swap3A_155 = vector.shape_cast %swap3A_154 : vector<1x16xf32> to vector<16xf32>
        %swap3A_156 = vector.shape_cast %mul3A_152 : vector<16xf32> to vector<1x16xf32>
        tpu.vector_store %arg12[%swap3A, %swap3A_153], %swap3A_156 {strides = array<i32>} : memref<80x16xf32, #tpu.memory_space<vmem>>, vector<1x16xf32>,
      }
      %scan3A_126 = arith.constant 80 : i32
      "tpu.region"() ({
        %run_scoped3A = tpu.sem_alloc : memref<!tpu.dma_semaphore, #tpu.memory_space<semaphore_mem>>
        %dma_start3A_127 = arith.constant 0 : i32
        %dma_start3A_128 = arith.constant 0 : i32
        %dma_start3A_129 = tpu.memref_slice %arg14[%dma_start3A_127, %dma_start3A_128] : memref<10000x16xf32, #tpu.memory_space<vmem_shared>> -> memref<10000x16xf32, #tpu.memory_space<vmem_shared>>
        tpu.enqueue_indirect_dma source(%arg12 : memref<80x16xf32, #tpu.memory_space<vmem>>) target(%dma_start3A_129 : memref<10000x16xf32, #tpu.memory_space<vmem_shared>>) offsets(%arg9 : memref<80xi32, #tpu.memory_space<vmem>>) semaphore(%run_scoped3A : memref<!tpu.dma_semaphore, #tpu.memory_space<semaphore_mem>>) {add = true}
        %dma_wait3A_130 = arith.constant 0 : i32
        %dma_wait3A_131 = arith.constant 0 : i32
        %dma_wait3A_132 = tpu.memref_slice %arg14[%dma_wait3A_130, %dma_wait3A_131] : memref<10000x16xf32, #tpu.memory_space<vmem_shared>> -> memref<10000x16xf32, #tpu.memory_space<vmem_shared>>
        tpu.wait_indirect_dma semaphore(%run_scoped3A : memref<!tpu.dma_semaphore, #tpu.memory_space<semaphore_mem>>) src(%arg12 : memref<80x16xf32, #tpu.memory_space<vmem>>) dst(%dma_wait3A_132 : memref<10000x16xf32, #tpu.memory_space<vmem_shared>>)
        tpu.yield
      }) : () -> ()
    }
    %scan3A_50 = arith.constant 125 : i32
    %barrier3A_51 = arith.constant 0 : index
    tpu.barrier barrier_id(%barrier3A_51)
    %mul3A_52 = arith.constant 624 : i32
    %mul3A_53 = arith.muli %arg1, %mul3A_52 : i32
    %add3A_54 = arith.constant 0 : i32
    %add3A_55 = arith.addi %mul3A_53, %add3A_54 : i32
    "tpu.region"() ({
      %run_scoped3A = tpu.sem_alloc : memref<!tpu.dma_semaphore, #tpu.memory_space<semaphore_mem>>
      %dma_start3A = arith.constant 0 : i32
      %dma_start3A_105 = tpu.memref_slice %arg14[%add3A_55, %dma_start3A] : memref<10000x16xf32, #tpu.memory_space<vmem_shared>> -> memref<104x16xf32, #tpu.memory_space<vmem_shared>>
      %dma_start3A_106 = arith.constant 0 : i32
      %dma_start3A_107 = tpu.memref_slice %arg14[%add3A_55, %dma_start3A_106] : memref<10000x16xf32, #tpu.memory_space<vmem_shared>> -> memref<104x16xf32, #tpu.memory_space<vmem_shared>>
      tpu.enqueue_dma source(%dma_start3A_107 : memref<104x16xf32, #tpu.memory_space<vmem_shared>>) target(%arg13 : memref<104x16xf32, #tpu.memory_space<vmem>>) target_semaphore(%run_scoped3A : memref<!tpu.dma_semaphore, #tpu.memory_space<semaphore_mem>>)
      %dma_wait3A = arith.constant 0 : i32
      %dma_wait3A_108 = tpu.memref_slice %arg14[%add3A_55, %dma_wait3A] : memref<10000x16xf32, #tpu.memory_space<vmem_shared>> -> memref<104x16xf32, #tpu.memory_space<vmem_shared>>
      %dma_wait3A_109 = arith.constant 0 : i32
      %dma_wait3A_110 = tpu.memref_slice %arg14[%add3A_55, %dma_wait3A_109] : memref<10000x16xf32, #tpu.memory_space<vmem_shared>> -> memref<104x16xf32, #tpu.memory_space<vmem_shared>>
      tpu.wait_dma2 semaphore(%run_scoped3A : memref<!tpu.dma_semaphore, #tpu.memory_space<semaphore_mem>>) src(%dma_wait3A_110 : memref<104x16xf32, #tpu.memory_space<vmem_shared>>) dst(%arg13 : memref<104x16xf32, #tpu.memory_space<vmem>>)
      tpu.yield
    }) : () -> ()
    %mul3A_56 = arith.constant 624 : i32
    %mul3A_57 = arith.muli %arg1, %mul3A_56 : i32
    %add3A_58 = arith.constant 0 : i32
    %add3A_59 = arith.addi %mul3A_57, %add3A_58 : i32
    "tpu.region"() ({
      %run_scoped3A = tpu.sem_alloc : memref<!tpu.dma_semaphore, #tpu.memory_space<semaphore_mem>>
      %dma_start3A = arith.constant 0 : i32
      %dma_start3A_105 = tpu.memref_slice %arg6[%arg0, %add3A_59, %dma_start3A] : memref<2x10000x16xf32, #tpu.memory_space<hbm>> -> memref<1x104x16xf32, #tpu.memory_space<hbm>>
      %dma_start3A_106 = tpu.memref_squeeze %dma_start3A_105 : memref<1x104x16xf32, #tpu.memory_space<hbm>> -> memref<104x16xf32, #tpu.memory_space<hbm>>
      %dma_start3A_107 = arith.constant 0 : i32
      %dma_start3A_108 = tpu.memref_slice %arg6[%arg0, %add3A_59, %dma_start3A_107] : memref<2x10000x16xf32, #tpu.memory_space<hbm>> -> memref<1x104x16xf32, #tpu.memory_space<hbm>>
      %dma_start3A_109 = tpu.memref_squeeze %dma_start3A_108 : memref<1x104x16xf32, #tpu.memory_space<hbm>> -> memref<104x16xf32, #tpu.memory_space<hbm>>
      tpu.enqueue_dma source(%arg13 : memref<104x16xf32, #tpu.memory_space<vmem>>) target(%dma_start3A_109 : memref<104x16xf32, #tpu.memory_space<hbm>>) target_semaphore(%run_scoped3A : memref<!tpu.dma_semaphore, #tpu.memory_space<semaphore_mem>>)
      %dma_wait3A = arith.constant 0 : i32
      %dma_wait3A_110 = tpu.memref_slice %arg6[%arg0, %add3A_59, %dma_wait3A] : memref<2x10000x16xf32, #tpu.memory_space<hbm>> -> memref<1x104x16xf32, #tpu.memory_space<hbm>>
      %dma_wait3A_111 = tpu.memref_squeeze %dma_wait3A_110 : memref<1x104x16xf32, #tpu.memory_space<hbm>> -> memref<104x16xf32, #tpu.memory_space<hbm>>
      %dma_wait3A_112 = arith.constant 0 : i32
      %dma_wait3A_113 = tpu.memref_slice %arg6[%arg0, %add3A_59, %dma_wait3A_112] : memref<2x10000x16xf32, #tpu.memory_space<hbm>> -> memref<1x104x16xf32, #tpu.memory_space<hbm>>
      %dma_wait3A_114 = tpu.memref_squeeze %dma_wait3A_113 : memref<1x104x16xf32, #tpu.memory_space<hbm>> -> memref<104x16xf32, #tpu.memory_space<hbm>>
      tpu.wait_dma2 semaphore(%run_scoped3A : memref<!tpu.dma_semaphore, #tpu.memory_space<semaphore_mem>>) src(%arg13 : memref<104x16xf32, #tpu.memory_space<vmem>>) dst(%dma_wait3A_114 : memref<104x16xf32, #tpu.memory_space<hbm>>)
      tpu.yield
    }) : () -> ()
    %mul3A_60 = arith.constant 624 : i32
    %mul3A_61 = arith.muli %arg1, %mul3A_60 : i32
    %add3A_62 = arith.constant 104 : i32
    %add3A_63 = arith.addi %mul3A_61, %add3A_62 : i32
    "tpu.region"() ({
      %run_scoped3A = tpu.sem_alloc : memref<!tpu.dma_semaphore, #tpu.memory_space<semaphore_mem>>
      %dma_start3A = arith.constant 0 : i32
      %dma_start3A_105 = tpu.memref_slice %arg14[%add3A_63, %dma_start3A] : memref<10000x16xf32, #tpu.memory_space<vmem_shared>> -> memref<104x16xf32, #tpu.memory_space<vmem_shared>>
      %dma_start3A_106 = arith.constant 0 : i32
      %dma_start3A_107 = tpu.memref_slice %arg14[%add3A_63, %dma_start3A_106] : memref<10000x16xf32, #tpu.memory_space<vmem_shared>> -> memref<104x16xf32, #tpu.memory_space<vmem_shared>>
      tpu.enqueue_dma source(%dma_start3A_107 : memref<104x16xf32, #tpu.memory_space<vmem_shared>>) target(%arg13 : memref<104x16xf32, #tpu.memory_space<vmem>>) target_semaphore(%run_scoped3A : memref<!tpu.dma_semaphore, #tpu.memory_space<semaphore_mem>>)
      %dma_wait3A = arith.constant 0 : i32
      %dma_wait3A_108 = tpu.memref_slice %arg14[%add3A_63, %dma_wait3A] : memref<10000x16xf32, #tpu.memory_space<vmem_shared>> -> memref<104x16xf32, #tpu.memory_space<vmem_shared>>
      %dma_wait3A_109 = arith.constant 0 : i32
      %dma_wait3A_110 = tpu.memref_slice %arg14[%add3A_63, %dma_wait3A_109] : memref<10000x16xf32, #tpu.memory_space<vmem_shared>> -> memref<104x16xf32, #tpu.memory_space<vmem_shared>>
      tpu.wait_dma2 semaphore(%run_scoped3A : memref<!tpu.dma_semaphore, #tpu.memory_space<semaphore_mem>>) src(%dma_wait3A_110 : memref<104x16xf32, #tpu.memory_space<vmem_shared>>) dst(%arg13 : memref<104x16xf32, #tpu.memory_space<vmem>>)
      tpu.yield
    }) : () -> ()
    %mul3A_64 = arith.constant 624 : i32
    %mul3A_65 = arith.muli %arg1, %mul3A_64 : i32
    %add3A_66 = arith.constant 104 : i32
    %add3A_67 = arith.addi %mul3A_65, %add3A_66 : i32
    "tpu.region"() ({
      %run_scoped3A = tpu.sem_alloc : memref<!tpu.dma_semaphore, #tpu.memory_space<semaphore_mem>>
      %dma_start3A = arith.constant 0 : i32
      %dma_start3A_105 = tpu.memref_slice %arg6[%arg0, %add3A_67, %dma_start3A] : memref<2x10000x16xf32, #tpu.memory_space<hbm>> -> memref<1x104x16xf32, #tpu.memory_space<hbm>>
      %dma_start3A_106 = tpu.memref_squeeze %dma_start3A_105 : memref<1x104x16xf32, #tpu.memory_space<hbm>> -> memref<104x16xf32, #tpu.memory_space<hbm>>
      %dma_start3A_107 = arith.constant 0 : i32
      %dma_start3A_108 = tpu.memref_slice %arg6[%arg0, %add3A_67, %dma_start3A_107] : memref<2x10000x16xf32, #tpu.memory_space<hbm>> -> memref<1x104x16xf32, #tpu.memory_space<hbm>>
      %dma_start3A_109 = tpu.memref_squeeze %dma_start3A_108 : memref<1x104x16xf32, #tpu.memory_space<hbm>> -> memref<104x16xf32, #tpu.memory_space<hbm>>
      tpu.enqueue_dma source(%arg13 : memref<104x16xf32, #tpu.memory_space<vmem>>) target(%dma_start3A_109 : memref<104x16xf32, #tpu.memory_space<hbm>>) target_semaphore(%run_scoped3A : memref<!tpu.dma_semaphore, #tpu.memory_space<semaphore_mem>>)
      %dma_wait3A = arith.constant 0 : i32
      %dma_wait3A_110 = tpu.memref_slice %arg6[%arg0, %add3A_67, %dma_wait3A] : memref<2x10000x16xf32, #tpu.memory_space<hbm>> -> memref<1x104x16xf32, #tpu.memory_space<hbm>>
      %dma_wait3A_111 = tpu.memref_squeeze %dma_wait3A_110 : memref<1x104x16xf32, #tpu.memory_space<hbm>> -> memref<104x16xf32, #tpu.memory_space<hbm>>
      %dma_wait3A_112 = arith.constant 0 : i32
      %dma_wait3A_113 = tpu.memref_slice %arg6[%arg0, %add3A_67, %dma_wait3A_112] : memref<2x10000x16xf32, #tpu.memory_space<hbm>> -> memref<1x104x16xf32, #tpu.memory_space<hbm>>
      %dma_wait3A_114 = tpu.memref_squeeze %dma_wait3A_113 : memref<1x104x16xf32, #tpu.memory_space<hbm>> -> memref<104x16xf32, #tpu.memory_space<hbm>>
      tpu.wait_dma2 semaphore(%run_scoped3A : memref<!tpu.dma_semaphore, #tpu.memory_space<semaphore_mem>>) src(%arg13 : memref<104x16xf32, #tpu.memory_space<vmem>>) dst(%dma_wait3A_114 : memref<104x16xf32, #tpu.memory_space<hbm>>)
      tpu.yield
    }) : () -> ()
    %mul3A_68 = arith.constant 624 : i32
    %mul3A_69 = arith.muli %arg1, %mul3A_68 : i32
    %add3A_70 = arith.constant 208 : i32
    %add3A_71 = arith.addi %mul3A_69, %add3A_70 : i32
    "tpu.region"() ({
      %run_scoped3A = tpu.sem_alloc : memref<!tpu.dma_semaphore, #tpu.memory_space<semaphore_mem>>
      %dma_start3A = arith.constant 0 : i32
      %dma_start3A_105 = tpu.memref_slice %arg14[%add3A_71, %dma_start3A] : memref<10000x16xf32, #tpu.memory_space<vmem_shared>> -> memref<104x16xf32, #tpu.memory_space<vmem_shared>>
      %dma_start3A_106 = arith.constant 0 : i32
      %dma_start3A_107 = tpu.memref_slice %arg14[%add3A_71, %dma_start3A_106] : memref<10000x16xf32, #tpu.memory_space<vmem_shared>> -> memref<104x16xf32, #tpu.memory_space<vmem_shared>>
      tpu.enqueue_dma source(%dma_start3A_107 : memref<104x16xf32, #tpu.memory_space<vmem_shared>>) target(%arg13 : memref<104x16xf32, #tpu.memory_space<vmem>>) target_semaphore(%run_scoped3A : memref<!tpu.dma_semaphore, #tpu.memory_space<semaphore_mem>>)
      %dma_wait3A = arith.constant 0 : i32
      %dma_wait3A_108 = tpu.memref_slice %arg14[%add3A_71, %dma_wait3A] : memref<10000x16xf32, #tpu.memory_space<vmem_shared>> -> memref<104x16xf32, #tpu.memory_space<vmem_shared>>
      %dma_wait3A_109 = arith.constant 0 : i32
      %dma_wait3A_110 = tpu.memref_slice %arg14[%add3A_71, %dma_wait3A_109] : memref<10000x16xf32, #tpu.memory_space<vmem_shared>> -> memref<104x16xf32, #tpu.memory_space<vmem_shared>>
      tpu.wait_dma2 semaphore(%run_scoped3A : memref<!tpu.dma_semaphore, #tpu.memory_space<semaphore_mem>>) src(%dma_wait3A_110 : memref<104x16xf32, #tpu.memory_space<vmem_shared>>) dst(%arg13 : memref<104x16xf32, #tpu.memory_space<vmem>>)
      tpu.yield
    }) : () -> ()
    %mul3A_72 = arith.constant 624 : i32
    %mul3A_73 = arith.muli %arg1, %mul3A_72 : i32
    %add3A_74 = arith.constant 208 : i32
    %add3A_75 = arith.addi %mul3A_73, %add3A_74 : i32
    "tpu.region"() ({
      %run_scoped3A = tpu.sem_alloc : memref<!tpu.dma_semaphore, #tpu.memory_space<semaphore_mem>>
      %dma_start3A = arith.constant 0 : i32
      %dma_start3A_105 = tpu.memref_slice %arg6[%arg0, %add3A_75, %dma_start3A] : memref<2x10000x16xf32, #tpu.memory_space<hbm>> -> memref<1x104x16xf32, #tpu.memory_space<hbm>>
      %dma_start3A_106 = tpu.memref_squeeze %dma_start3A_105 : memref<1x104x16xf32, #tpu.memory_space<hbm>> -> memref<104x16xf32, #tpu.memory_space<hbm>>
      %dma_start3A_107 = arith.constant 0 : i32
      %dma_start3A_108 = tpu.memref_slice %arg6[%arg0, %add3A_75, %dma_start3A_107] : memref<2x10000x16xf32, #tpu.memory_space<hbm>> -> memref<1x104x16xf32, #tpu.memory_space<hbm>>
      %dma_start3A_109 = tpu.memref_squeeze %dma_start3A_108 : memref<1x104x16xf32, #tpu.memory_space<hbm>> -> memref<104x16xf32, #tpu.memory_space<hbm>>
      tpu.enqueue_dma source(%arg13 : memref<104x16xf32, #tpu.memory_space<vmem>>) target(%dma_start3A_109 : memref<104x16xf32, #tpu.memory_space<hbm>>) target_semaphore(%run_scoped3A : memref<!tpu.dma_semaphore, #tpu.memory_space<semaphore_mem>>)
      %dma_wait3A = arith.constant 0 : i32
      %dma_wait3A_110 = tpu.memref_slice %arg6[%arg0, %add3A_75, %dma_wait3A] : memref<2x10000x16xf32, #tpu.memory_space<hbm>> -> memref<1x104x16xf32, #tpu.memory_space<hbm>>
      %dma_wait3A_111 = tpu.memref_squeeze %dma_wait3A_110 : memref<1x104x16xf32, #tpu.memory_space<hbm>> -> memref<104x16xf32, #tpu.memory_space<hbm>>
      %dma_wait3A_112 = arith.constant 0 : i32
      %dma_wait3A_113 = tpu.memref_slice %arg6[%arg0, %add3A_75, %dma_wait3A_112] : memref<2x10000x16xf32, #tpu.memory_space<hbm>> -> memref<1x104x16xf32, #tpu.memory_space<hbm>>
      %dma_wait3A_114 = tpu.memref_squeeze %dma_wait3A_113 : memref<1x104x16xf32, #tpu.memory_space<hbm>> -> memref<104x16xf32, #tpu.memory_space<hbm>>
      tpu.wait_dma2 semaphore(%run_scoped3A : memref<!tpu.dma_semaphore, #tpu.memory_space<semaphore_mem>>) src(%arg13 : memref<104x16xf32, #tpu.memory_space<vmem>>) dst(%dma_wait3A_114 : memref<104x16xf32, #tpu.memory_space<hbm>>)
      tpu.yield
    }) : () -> ()
    %mul3A_76 = arith.constant 624 : i32
    %mul3A_77 = arith.muli %arg1, %mul3A_76 : i32
    %add3A_78 = arith.constant 312 : i32
    %add3A_79 = arith.addi %mul3A_77, %add3A_78 : i32
    "tpu.region"() ({
      %run_scoped3A = tpu.sem_alloc : memref<!tpu.dma_semaphore, #tpu.memory_space<semaphore_mem>>
      %dma_start3A = arith.constant 0 : i32
      %dma_start3A_105 = tpu.memref_slice %arg14[%add3A_79, %dma_start3A] : memref<10000x16xf32, #tpu.memory_space<vmem_shared>> -> memref<104x16xf32, #tpu.memory_space<vmem_shared>>
      %dma_start3A_106 = arith.constant 0 : i32
      %dma_start3A_107 = tpu.memref_slice %arg14[%add3A_79, %dma_start3A_106] : memref<10000x16xf32, #tpu.memory_space<vmem_shared>> -> memref<104x16xf32, #tpu.memory_space<vmem_shared>>
      tpu.enqueue_dma source(%dma_start3A_107 : memref<104x16xf32, #tpu.memory_space<vmem_shared>>) target(%arg13 : memref<104x16xf32, #tpu.memory_space<vmem>>) target_semaphore(%run_scoped3A : memref<!tpu.dma_semaphore, #tpu.memory_space<semaphore_mem>>)
      %dma_wait3A = arith.constant 0 : i32
      %dma_wait3A_108 = tpu.memref_slice %arg14[%add3A_79, %dma_wait3A] : memref<10000x16xf32, #tpu.memory_space<vmem_shared>> -> memref<104x16xf32, #tpu.memory_space<vmem_shared>>
      %dma_wait3A_109 = arith.constant 0 : i32
      %dma_wait3A_110 = tpu.memref_slice %arg14[%add3A_79, %dma_wait3A_109] : memref<10000x16xf32, #tpu.memory_space<vmem_shared>> -> memref<104x16xf32, #tpu.memory_space<vmem_shared>>
      tpu.wait_dma2 semaphore(%run_scoped3A : memref<!tpu.dma_semaphore, #tpu.memory_space<semaphore_mem>>) src(%dma_wait3A_110 : memref<104x16xf32, #tpu.memory_space<vmem_shared>>) dst(%arg13 : memref<104x16xf32, #tpu.memory_space<vmem>>)
      tpu.yield
    }) : () -> ()
    %mul3A_80 = arith.constant 624 : i32
    %mul3A_81 = arith.muli %arg1, %mul3A_80 : i32
    %add3A_82 = arith.constant 312 : i32
    %add3A_83 = arith.addi %mul3A_81, %add3A_82 : i32
    "tpu.region"() ({
      %run_scoped3A = tpu.sem_alloc : memref<!tpu.dma_semaphore, #tpu.memory_space<semaphore_mem>>
      %dma_start3A = arith.constant 0 : i32
      %dma_start3A_105 = tpu.memref_slice %arg6[%arg0, %add3A_83, %dma_start3A] : memref<2x10000x16xf32, #tpu.memory_space<hbm>> -> memref<1x104x16xf32, #tpu.memory_space<hbm>>
      %dma_start3A_106 = tpu.memref_squeeze %dma_start3A_105 : memref<1x104x16xf32, #tpu.memory_space<hbm>> -> memref<104x16xf32, #tpu.memory_space<hbm>>
      %dma_start3A_107 = arith.constant 0 : i32
      %dma_start3A_108 = tpu.memref_slice %arg6[%arg0, %add3A_83, %dma_start3A_107] : memref<2x10000x16xf32, #tpu.memory_space<hbm>> -> memref<1x104x16xf32, #tpu.memory_space<hbm>>
      %dma_start3A_109 = tpu.memref_squeeze %dma_start3A_108 : memref<1x104x16xf32, #tpu.memory_space<hbm>> -> memref<104x16xf32, #tpu.memory_space<hbm>>
      tpu.enqueue_dma source(%arg13 : memref<104x16xf32, #tpu.memory_space<vmem>>) target(%dma_start3A_109 : memref<104x16xf32, #tpu.memory_space<hbm>>) target_semaphore(%run_scoped3A : memref<!tpu.dma_semaphore, #tpu.memory_space<semaphore_mem>>)
      %dma_wait3A = arith.constant 0 : i32
      %dma_wait3A_110 = tpu.memref_slice %arg6[%arg0, %add3A_83, %dma_wait3A] : memref<2x10000x16xf32, #tpu.memory_space<hbm>> -> memref<1x104x16xf32, #tpu.memory_space<hbm>>
      %dma_wait3A_111 = tpu.memref_squeeze %dma_wait3A_110 : memref<1x104x16xf32, #tpu.memory_space<hbm>> -> memref<104x16xf32, #tpu.memory_space<hbm>>
      %dma_wait3A_112 = arith.constant 0 : i32
      %dma_wait3A_113 = tpu.memref_slice %arg6[%arg0, %add3A_83, %dma_wait3A_112] : memref<2x10000x16xf32, #tpu.memory_space<hbm>> -> memref<1x104x16xf32, #tpu.memory_space<hbm>>
      %dma_wait3A_114 = tpu.memref_squeeze %dma_wait3A_113 : memref<1x104x16xf32, #tpu.memory_space<hbm>> -> memref<104x16xf32, #tpu.memory_space<hbm>>
      tpu.wait_dma2 semaphore(%run_scoped3A : memref<!tpu.dma_semaphore, #tpu.memory_space<semaphore_mem>>) src(%arg13 : memref<104x16xf32, #tpu.memory_space<vmem>>) dst(%dma_wait3A_114 : memref<104x16xf32, #tpu.memory_space<hbm>>)
      tpu.yield
    }) : () -> ()
    %mul3A_84 = arith.constant 624 : i32
    %mul3A_85 = arith.muli %arg1, %mul3A_84 : i32
    %add3A_86 = arith.constant 416 : i32
    %add3A_87 = arith.addi %mul3A_85, %add3A_86 : i32
    "tpu.region"() ({
      %run_scoped3A = tpu.sem_alloc : memref<!tpu.dma_semaphore, #tpu.memory_space<semaphore_mem>>
      %dma_start3A = arith.constant 0 : i32
      %dma_start3A_105 = tpu.memref_slice %arg14[%add3A_87, %dma_start3A] : memref<10000x16xf32, #tpu.memory_space<vmem_shared>> -> memref<104x16xf32, #tpu.memory_space<vmem_shared>>
      %dma_start3A_106 = arith.constant 0 : i32
      %dma_start3A_107 = tpu.memref_slice %arg14[%add3A_87, %dma_start3A_106] : memref<10000x16xf32, #tpu.memory_space<vmem_shared>> -> memref<104x16xf32, #tpu.memory_space<vmem_shared>>
      tpu.enqueue_dma source(%dma_start3A_107 : memref<104x16xf32, #tpu.memory_space<vmem_shared>>) target(%arg13 : memref<104x16xf32, #tpu.memory_space<vmem>>) target_semaphore(%run_scoped3A : memref<!tpu.dma_semaphore, #tpu.memory_space<semaphore_mem>>)
      %dma_wait3A = arith.constant 0 : i32
      %dma_wait3A_108 = tpu.memref_slice %arg14[%add3A_87, %dma_wait3A] : memref<10000x16xf32, #tpu.memory_space<vmem_shared>> -> memref<104x16xf32, #tpu.memory_space<vmem_shared>>
      %dma_wait3A_109 = arith.constant 0 : i32
      %dma_wait3A_110 = tpu.memref_slice %arg14[%add3A_87, %dma_wait3A_109] : memref<10000x16xf32, #tpu.memory_space<vmem_shared>> -> memref<104x16xf32, #tpu.memory_space<vmem_shared>>
      tpu.wait_dma2 semaphore(%run_scoped3A : memref<!tpu.dma_semaphore, #tpu.memory_space<semaphore_mem>>) src(%dma_wait3A_110 : memref<104x16xf32, #tpu.memory_space<vmem_shared>>) dst(%arg13 : memref<104x16xf32, #tpu.memory_space<vmem>>)
      tpu.yield
    }) : () -> ()
    %mul3A_88 = arith.constant 624 : i32
    %mul3A_89 = arith.muli %arg1, %mul3A_88 : i32
    %add3A_90 = arith.constant 416 : i32
    %add3A_91 = arith.addi %mul3A_89, %add3A_90 : i32
    "tpu.region"() ({
      %run_scoped3A = tpu.sem_alloc : memref<!tpu.dma_semaphore, #tpu.memory_space<semaphore_mem>>
      %dma_start3A = arith.constant 0 : i32
      %dma_start3A_105 = tpu.memref_slice %arg6[%arg0, %add3A_91, %dma_start3A] : memref<2x10000x16xf32, #tpu.memory_space<hbm>> -> memref<1x104x16xf32, #tpu.memory_space<hbm>>
      %dma_start3A_106 = tpu.memref_squeeze %dma_start3A_105 : memref<1x104x16xf32, #tpu.memory_space<hbm>> -> memref<104x16xf32, #tpu.memory_space<hbm>>
      %dma_start3A_107 = arith.constant 0 : i32
      %dma_start3A_108 = tpu.memref_slice %arg6[%arg0, %add3A_91, %dma_start3A_107] : memref<2x10000x16xf32, #tpu.memory_space<hbm>> -> memref<1x104x16xf32, #tpu.memory_space<hbm>>
      %dma_start3A_109 = tpu.memref_squeeze %dma_start3A_108 : memref<1x104x16xf32, #tpu.memory_space<hbm>> -> memref<104x16xf32, #tpu.memory_space<hbm>>
      tpu.enqueue_dma source(%arg13 : memref<104x16xf32, #tpu.memory_space<vmem>>) target(%dma_start3A_109 : memref<104x16xf32, #tpu.memory_space<hbm>>) target_semaphore(%run_scoped3A : memref<!tpu.dma_semaphore, #tpu.memory_space<semaphore_mem>>)
      %dma_wait3A = arith.constant 0 : i32
      %dma_wait3A_110 = tpu.memref_slice %arg6[%arg0, %add3A_91, %dma_wait3A] : memref<2x10000x16xf32, #tpu.memory_space<hbm>> -> memref<1x104x16xf32, #tpu.memory_space<hbm>>
      %dma_wait3A_111 = tpu.memref_squeeze %dma_wait3A_110 : memref<1x104x16xf32, #tpu.memory_space<hbm>> -> memref<104x16xf32, #tpu.memory_space<hbm>>
      %dma_wait3A_112 = arith.constant 0 : i32
      %dma_wait3A_113 = tpu.memref_slice %arg6[%arg0, %add3A_91, %dma_wait3A_112] : memref<2x10000x16xf32, #tpu.memory_space<hbm>> -> memref<1x104x16xf32, #tpu.memory_space<hbm>>
      %dma_wait3A_114 = tpu.memref_squeeze %dma_wait3A_113 : memref<1x104x16xf32, #tpu.memory_space<hbm>> -> memref<104x16xf32, #tpu.memory_space<hbm>>
      tpu.wait_dma2 semaphore(%run_scoped3A : memref<!tpu.dma_semaphore, #tpu.memory_space<semaphore_mem>>) src(%arg13 : memref<104x16xf32, #tpu.memory_space<vmem>>) dst(%dma_wait3A_114 : memref<104x16xf32, #tpu.memory_space<hbm>>)
      tpu.yield
    }) : () -> ()
    %mul3A_92 = arith.constant 624 : i32
    %mul3A_93 = arith.muli %arg1, %mul3A_92 : i32
    %add3A_94 = arith.constant 520 : i32
    %add3A_95 = arith.addi %mul3A_93, %add3A_94 : i32
    "tpu.region"() ({
      %run_scoped3A = tpu.sem_alloc : memref<!tpu.dma_semaphore, #tpu.memory_space<semaphore_mem>>
      %dma_start3A = arith.constant 0 : i32
      %dma_start3A_105 = tpu.memref_slice %arg14[%add3A_95, %dma_start3A] : memref<10000x16xf32, #tpu.memory_space<vmem_shared>> -> memref<104x16xf32, #tpu.memory_space<vmem_shared>>
      %dma_start3A_106 = arith.constant 0 : i32
      %dma_start3A_107 = tpu.memref_slice %arg14[%add3A_95, %dma_start3A_106] : memref<10000x16xf32, #tpu.memory_space<vmem_shared>> -> memref<104x16xf32, #tpu.memory_space<vmem_shared>>
      tpu.enqueue_dma source(%dma_start3A_107 : memref<104x16xf32, #tpu.memory_space<vmem_shared>>) target(%arg13 : memref<104x16xf32, #tpu.memory_space<vmem>>) target_semaphore(%run_scoped3A : memref<!tpu.dma_semaphore, #tpu.memory_space<semaphore_mem>>)
      %dma_wait3A = arith.constant 0 : i32
      %dma_wait3A_108 = tpu.memref_slice %arg14[%add3A_95, %dma_wait3A] : memref<10000x16xf32, #tpu.memory_space<vmem_shared>> -> memref<104x16xf32, #tpu.memory_space<vmem_shared>>
      %dma_wait3A_109 = arith.constant 0 : i32
      %dma_wait3A_110 = tpu.memref_slice %arg14[%add3A_95, %dma_wait3A_109] : memref<10000x16xf32, #tpu.memory_space<vmem_shared>> -> memref<104x16xf32, #tpu.memory_space<vmem_shared>>
      tpu.wait_dma2 semaphore(%run_scoped3A : memref<!tpu.dma_semaphore, #tpu.memory_space<semaphore_mem>>) src(%dma_wait3A_110 : memref<104x16xf32, #tpu.memory_space<vmem_shared>>) dst(%arg13 : memref<104x16xf32, #tpu.memory_space<vmem>>)
      tpu.yield
    }) : () -> ()
    %mul3A_96 = arith.constant 624 : i32
    %mul3A_97 = arith.muli %arg1, %mul3A_96 : i32
    %add3A_98 = arith.constant 520 : i32
    %add3A_99 = arith.addi %mul3A_97, %add3A_98 : i32
    "tpu.region"() ({
      %run_scoped3A = tpu.sem_alloc : memref<!tpu.dma_semaphore, #tpu.memory_space<semaphore_mem>>
      %dma_start3A = arith.constant 0 : i32
      %dma_start3A_105 = tpu.memref_slice %arg6[%arg0, %add3A_99, %dma_start3A] : memref<2x10000x16xf32, #tpu.memory_space<hbm>> -> memref<1x104x16xf32, #tpu.memory_space<hbm>>
      %dma_start3A_106 = tpu.memref_squeeze %dma_start3A_105 : memref<1x104x16xf32, #tpu.memory_space<hbm>> -> memref<104x16xf32, #tpu.memory_space<hbm>>
      %dma_start3A_107 = arith.constant 0 : i32
      %dma_start3A_108 = tpu.memref_slice %arg6[%arg0, %add3A_99, %dma_start3A_107] : memref<2x10000x16xf32, #tpu.memory_space<hbm>> -> memref<1x104x16xf32, #tpu.memory_space<hbm>>
      %dma_start3A_109 = tpu.memref_squeeze %dma_start3A_108 : memref<1x104x16xf32, #tpu.memory_space<hbm>> -> memref<104x16xf32, #tpu.memory_space<hbm>>
      tpu.enqueue_dma source(%arg13 : memref<104x16xf32, #tpu.memory_space<vmem>>) target(%dma_start3A_109 : memref<104x16xf32, #tpu.memory_space<hbm>>) target_semaphore(%run_scoped3A : memref<!tpu.dma_semaphore, #tpu.memory_space<semaphore_mem>>)
      %dma_wait3A = arith.constant 0 : i32
      %dma_wait3A_110 = tpu.memref_slice %arg6[%arg0, %add3A_99, %dma_wait3A] : memref<2x10000x16xf32, #tpu.memory_space<hbm>> -> memref<1x104x16xf32, #tpu.memory_space<hbm>>
      %dma_wait3A_111 = tpu.memref_squeeze %dma_wait3A_110 : memref<1x104x16xf32, #tpu.memory_space<hbm>> -> memref<104x16xf32, #tpu.memory_space<hbm>>
      %dma_wait3A_112 = arith.constant 0 : i32
      %dma_wait3A_113 = tpu.memref_slice %arg6[%arg0, %add3A_99, %dma_wait3A_112] : memref<2x10000x16xf32, #tpu.memory_space<hbm>> -> memref<1x104x16xf32, #tpu.memory_space<hbm>>
      %dma_wait3A_114 = tpu.memref_squeeze %dma_wait3A_113 : memref<1x104x16xf32, #tpu.memory_space<hbm>> -> memref<104x16xf32, #tpu.memory_space<hbm>>
      tpu.wait_dma2 semaphore(%run_scoped3A : memref<!tpu.dma_semaphore, #tpu.memory_space<semaphore_mem>>) src(%arg13 : memref<104x16xf32, #tpu.memory_space<vmem>>) dst(%dma_wait3A_114 : memref<104x16xf32, #tpu.memory_space<hbm>>)
      tpu.yield
    }) : () -> ()
    %eq3A_100 = arith.constant 15 : i32
    %eq3A_101 = arith.cmpi eq, %arg1, %eq3A_100 : i32
    %convert_element_type3A_102 = arith.extui %eq3A_101 : i1 to i32
    %cond3A_103 = arith.constant 0 : i32
    %cond3A_104 = arith.cmpi ne, %convert_element_type3A_102, %cond3A_103 : i32
    scf.if %cond3A_104 {
      "tpu.region"() ({
        %run_scoped3A = tpu.sem_alloc : memref<!tpu.dma_semaphore, #tpu.memory_space<semaphore_mem>>
        %dma_start3A = arith.constant 0 : i32
        %dma_start3A_105 = arith.constant 0 : i32
        %dma_start3A_106 = tpu.memref_slice %arg13[%dma_start3A, %dma_start3A_105] : memref<104x16xf32, #tpu.memory_space<vmem>> -> memref<16x16xf32, #tpu.memory_space<vmem>>
        %dma_start3A_107 = arith.constant 9984 : i32
        %dma_start3A_108 = arith.constant 0 : i32
        %dma_start3A_109 = tpu.memref_slice %arg14[%dma_start3A_107, %dma_start3A_108] : memref<10000x16xf32, #tpu.memory_space<vmem_shared>> -> memref<16x16xf32, #tpu.memory_space<vmem_shared>>
        %dma_start3A_110 = arith.constant 0 : i32
        %dma_start3A_111 = arith.constant 0 : i32
        %dma_start3A_112 = tpu.memref_slice %arg13[%dma_start3A_110, %dma_start3A_111] : memref<104x16xf32, #tpu.memory_space<vmem>> -> memref<16x16xf32, #tpu.memory_space<vmem>>
        %dma_start3A_113 = arith.constant 9984 : i32
        %dma_start3A_114 = arith.constant 0 : i32
        %dma_start3A_115 = tpu.memref_slice %arg14[%dma_start3A_113, %dma_start3A_114] : memref<10000x16xf32, #tpu.memory_space<vmem_shared>> -> memref<16x16xf32, #tpu.memory_space<vmem_shared>>
        tpu.enqueue_dma source(%dma_start3A_115 : memref<16x16xf32, #tpu.memory_space<vmem_shared>>) target(%dma_start3A_112 : memref<16x16xf32, #tpu.memory_space<vmem>>) target_semaphore(%run_scoped3A : memref<!tpu.dma_semaphore, #tpu.memory_space<semaphore_mem>>)
        %dma_wait3A = arith.constant 0 : i32
        %dma_wait3A_116 = arith.constant 0 : i32
        %dma_wait3A_117 = tpu.memref_slice %arg13[%dma_wait3A, %dma_wait3A_116] : memref<104x16xf32, #tpu.memory_space<vmem>> -> memref<16x16xf32, #tpu.memory_space<vmem>>
        %dma_wait3A_118 = arith.constant 9984 : i32
        %dma_wait3A_119 = arith.constant 0 : i32
        %dma_wait3A_120 = tpu.memref_slice %arg14[%dma_wait3A_118, %dma_wait3A_119] : memref<10000x16xf32, #tpu.memory_space<vmem_shared>> -> memref<16x16xf32, #tpu.memory_space<vmem_shared>>
        %dma_wait3A_121 = arith.constant 0 : i32
        %dma_wait3A_122 = arith.constant 0 : i32
        %dma_wait3A_123 = tpu.memref_slice %arg13[%dma_wait3A_121, %dma_wait3A_122] : memref<104x16xf32, #tpu.memory_space<vmem>> -> memref<16x16xf32, #tpu.memory_space<vmem>>
        %dma_wait3A_124 = arith.constant 9984 : i32
        %dma_wait3A_125 = arith.constant 0 : i32
        %dma_wait3A_126 = tpu.memref_slice %arg14[%dma_wait3A_124, %dma_wait3A_125] : memref<10000x16xf32, #tpu.memory_space<vmem_shared>> -> memref<16x16xf32, #tpu.memory_space<vmem_shared>>
        tpu.wait_dma2 semaphore(%run_scoped3A : memref<!tpu.dma_semaphore, #tpu.memory_space<semaphore_mem>>) src(%dma_wait3A_126 : memref<16x16xf32, #tpu.memory_space<vmem_shared>>) dst(%dma_wait3A_123 : memref<16x16xf32, #tpu.memory_space<vmem>>)
        tpu.yield
      }) : () -> ()
      "tpu.region"() ({
        %run_scoped3A = tpu.sem_alloc : memref<!tpu.dma_semaphore, #tpu.memory_space<semaphore_mem>>
        %dma_start3A = arith.constant 0 : i32
        %dma_start3A_105 = arith.constant 0 : i32
        %dma_start3A_106 = tpu.memref_slice %arg13[%dma_start3A, %dma_start3A_105] : memref<104x16xf32, #tpu.memory_space<vmem>> -> memref<16x16xf32, #tpu.memory_space<vmem>>
        %dma_start3A_107 = arith.constant 9984 : i32
        %dma_start3A_108 = arith.constant 0 : i32
        %dma_start3A_109 = tpu.memref_slice %arg6[%arg0, %dma_start3A_107, %dma_start3A_108] : memref<2x10000x16xf32, #tpu.memory_space<hbm>> -> memref<1x16x16xf32, #tpu.memory_space<hbm>>
        %dma_start3A_110 = tpu.memref_squeeze %dma_start3A_109 : memref<1x16x16xf32, #tpu.memory_space<hbm>> -> memref<16x16xf32, #tpu.memory_space<hbm>>
        %dma_start3A_111 = arith.constant 9984 : i32
        %dma_start3A_112 = arith.constant 0 : i32
        %dma_start3A_113 = tpu.memref_slice %arg6[%arg0, %dma_start3A_111, %dma_start3A_112] : memref<2x10000x16xf32, #tpu.memory_space<hbm>> -> memref<1x16x16xf32, #tpu.memory_space<hbm>>
        %dma_start3A_114 = tpu.memref_squeeze %dma_start3A_113 : memref<1x16x16xf32, #tpu.memory_space<hbm>> -> memref<16x16xf32, #tpu.memory_space<hbm>>
        %dma_start3A_115 = arith.constant 0 : i32
        %dma_start3A_116 = arith.constant 0 : i32
        %dma_start3A_117 = tpu.memref_slice %arg13[%dma_start3A_115, %dma_start3A_116] : memref<104x16xf32, #tpu.memory_space<vmem>> -> memref<16x16xf32, #tpu.memory_space<vmem>>
        tpu.enqueue_dma source(%dma_start3A_117 : memref<16x16xf32, #tpu.memory_space<vmem>>) target(%dma_start3A_114 : memref<16x16xf32, #tpu.memory_space<hbm>>) target_semaphore(%run_scoped3A : memref<!tpu.dma_semaphore, #tpu.memory_space<semaphore_mem>>)
        %dma_wait3A = arith.constant 0 : i32
        %dma_wait3A_118 = arith.constant 0 : i32
        %dma_wait3A_119 = tpu.memref_slice %arg13[%dma_wait3A, %dma_wait3A_118] : memref<104x16xf32, #tpu.memory_space<vmem>> -> memref<16x16xf32, #tpu.memory_space<vmem>>
        %dma_wait3A_120 = arith.constant 9984 : i32
        %dma_wait3A_121 = arith.constant 0 : i32
        %dma_wait3A_122 = tpu.memref_slice %arg6[%arg0, %dma_wait3A_120, %dma_wait3A_121] : memref<2x10000x16xf32, #tpu.memory_space<hbm>> -> memref<1x16x16xf32, #tpu.memory_space<hbm>>
        %dma_wait3A_123 = tpu.memref_squeeze %dma_wait3A_122 : memref<1x16x16xf32, #tpu.memory_space<hbm>> -> memref<16x16xf32, #tpu.memory_space<hbm>>
        %dma_wait3A_124 = arith.constant 9984 : i32
        %dma_wait3A_125 = arith.constant 0 : i32
        %dma_wait3A_126 = tpu.memref_slice %arg6[%arg0, %dma_wait3A_124, %dma_wait3A_125] : memref<2x10000x16xf32, #tpu.memory_space<hbm>> -> memref<1x16x16xf32, #tpu.memory_space<hbm>>
        %dma_wait3A_127 = tpu.memref_squeeze %dma_wait3A_126 : memref<1x16x16xf32, #tpu.memory_space<hbm>> -> memref<16x16xf32, #tpu.memory_space<hbm>>
        %dma_wait3A_128 = arith.constant 0 : i32
        %dma_wait3A_129 = arith.constant 0 : i32
        %dma_wait3A_130 = tpu.memref_slice %arg13[%dma_wait3A_128, %dma_wait3A_129] : memref<104x16xf32, #tpu.memory_space<vmem>> -> memref<16x16xf32, #tpu.memory_space<vmem>>
        tpu.wait_dma2 semaphore(%run_scoped3A : memref<!tpu.dma_semaphore, #tpu.memory_space<semaphore_mem>>) src(%dma_wait3A_130 : memref<16x16xf32, #tpu.memory_space<vmem>>) dst(%dma_wait3A_127 : memref<16x16xf32, #tpu.memory_space<hbm>>)
        tpu.yield
      }) : () -> ()
    } else {
    }
    return
  }
}

module attributes {stable_mosaic.version = 14 : i64} {
  func.func @_s1_body(%arg0: memref<10000x128xf32, #tpu.memory_space<vmem>>, %arg1: memref<128x640xf32, #tpu.memory_space<vmem>>, %arg2: memref<640x16xf32, #tpu.memory_space<vmem>>, %arg3: memref<16x16xf32, #tpu.memory_space<vmem>>, %arg4: memref<1x16xf32, #tpu.memory_space<vmem>>, %arg5: memref<10000x16xf32, #tpu.memory_space<vmem>>, %arg6: memref<10000x16xf32, #tpu.memory_space<vmem>>, %arg7: memref<1x16xf32, #tpu.memory_space<vmem>>) attributes {dimension_semantics = [], scalar_prefetch = 0 : i64, scratch_operands = 0 : i64, tpu.core_type = #tpu.core_type<tc>} {
    %get3A = arith.constant 0 : index
    %get3A_0 = arith.constant 0 : index
    %get3A_1 = vector.load %arg1[%get3A, %get3A_0] : memref<128x640xf32, #tpu.memory_space<vmem>>, vector<128x640xf32>
    %get3A_2 = arith.constant 0 : index
    %get3A_3 = arith.constant 0 : index
    %get3A_4 = vector.load %arg2[%get3A_2, %get3A_3] : memref<640x16xf32, #tpu.memory_space<vmem>>, vector<640x16xf32>
    %dot_general3A = arith.constant dense<0.000000e+00> : vector<128x16xf32>
    %dot_general3A_5 = tpu.matmul %get3A_1, %get3A_4, %dot_general3A {dimension_numbers = #tpu.dot_dimension_numbers<[1], [0], [0], [1], [0, 0, 1, 1], [], []>, transpose_lhs_hint = false} : vector<128x640xf32>, vector<640x16xf32>, vector<128x16xf32> -> vector<128x16xf32>
    %get3A_6 = arith.constant 0 : index
    %get3A_7 = arith.constant 0 : index
    %get3A_8 = vector.load %arg0[%get3A_6, %get3A_7] : memref<10000x128xf32, #tpu.memory_space<vmem>>, vector<10000x128xf32>
    %dot_general3A_9 = arith.constant dense<0.000000e+00> : vector<10000x16xf32>
    %dot_general3A_10 = tpu.matmul %get3A_8, %dot_general3A_5, %dot_general3A_9 {dimension_numbers = #tpu.dot_dimension_numbers<[1], [0], [0], [1], [0, 0, 1, 1], [], []>, transpose_lhs_hint = false} : vector<10000x128xf32>, vector<128x16xf32>, vector<10000x16xf32> -> vector<10000x16xf32>
    %swap3A = arith.constant 0 : index
    %swap3A_11 = arith.constant 0 : index
    %swap3A_12 = vector.load %arg5[%swap3A, %swap3A_11] : memref<10000x16xf32, #tpu.memory_space<vmem>>, vector<10000x16xf32>
    tpu.vector_store %arg5[%swap3A, %swap3A_11], %dot_general3A_10 {strides = array<i32>} : memref<10000x16xf32, #tpu.memory_space<vmem>>, vector<10000x16xf32>,
    %get3A_13 = arith.constant 0 : index
    %get3A_14 = arith.constant 0 : index
    %get3A_15 = vector.load %arg3[%get3A_13, %get3A_14] : memref<16x16xf32, #tpu.memory_space<vmem>>, vector<16x16xf32>
    %dot_general3A_16 = arith.constant dense<0.000000e+00> : vector<10000x16xf32>
    %dot_general3A_17 = tpu.matmul %dot_general3A_10, %get3A_15, %dot_general3A_16 {dimension_numbers = #tpu.dot_dimension_numbers<[1], [0], [0], [1], [0, 0, 1, 1], [], []>, transpose_lhs_hint = false} : vector<10000x16xf32>, vector<16x16xf32>, vector<10000x16xf32> -> vector<10000x16xf32>
    %reduce_max3A = arith.constant dense<0xFF800000> : vector<16xf32>
    %reduce_max3A_18 = vector.multi_reduction <maximumf>, %dot_general3A_10, %reduce_max3A [0] : vector<10000x16xf32> to vector<16xf32>
    %broadcast_in_dim3A = vector.shape_cast %reduce_max3A_18 : vector<16xf32> to vector<1x16xf32>
    %get3A_19 = arith.constant 0 : index
    %get3A_20 = arith.constant 0 : index
    %get3A_21 = vector.load %arg3[%get3A_19, %get3A_20] : memref<16x16xf32, #tpu.memory_space<vmem>>, vector<16x16xf32>
    %dot_general3A_22 = arith.constant dense<0.000000e+00> : vector<1x16xf32>
    %dot_general3A_23 = tpu.matmul %broadcast_in_dim3A, %get3A_21, %dot_general3A_22 {dimension_numbers = #tpu.dot_dimension_numbers<[1], [0], [0], [1], [0, 0, 1, 1], [], []>, transpose_lhs_hint = false} : vector<1x16xf32>, vector<16x16xf32>, vector<1x16xf32> -> vector<1x16xf32>
    %ge3A = arith.constant 0.000000e+00 : f32
    %ge3A_24 = vector.broadcast %ge3A : f32 to vector<1x16xf32>
    %ge3A_25 = arith.cmpf oge, %dot_general3A_23, %ge3A_24 : vector<1x16xf32>
    %mul3A = arith.constant 2.000000e-01 : f32
    %mul3A_26 = vector.broadcast %mul3A : f32 to vector<1x16xf32>
    %mul3A_27 = arith.mulf %mul3A_26, %dot_general3A_23 : vector<1x16xf32>
    %select_n3A = arith.select %ge3A_25, %dot_general3A_23, %mul3A_27 : vector<1x16xi1>, vector<1x16xf32>
    %ge3A_28 = arith.constant 0.000000e+00 : f32
    %ge3A_29 = vector.broadcast %ge3A_28 : f32 to vector<10000x16xf32>
    %ge3A_30 = arith.cmpf oge, %dot_general3A_17, %ge3A_29 : vector<10000x16xf32>
    %mul3A_31 = arith.constant 2.000000e-01 : f32
    %mul3A_32 = vector.broadcast %mul3A_31 : f32 to vector<10000x16xf32>
    %mul3A_33 = arith.mulf %mul3A_32, %dot_general3A_17 : vector<10000x16xf32>
    %select_n3A_34 = arith.select %ge3A_30, %dot_general3A_17, %mul3A_33 : vector<10000x16xi1>, vector<10000x16xf32>
    %sub3A = vector.broadcast %select_n3A : vector<1x16xf32> to vector<10000x16xf32>
    %sub3A_35 = arith.subf %select_n3A_34, %sub3A : vector<10000x16xf32>
    %exp3A = math.exp %sub3A_35 : vector<10000x16xf32>
    %get3A_36 = arith.constant 0 : index
    %get3A_37 = arith.constant 0 : index
    %get3A_38 = vector.load %arg4[%get3A_36, %get3A_37] : memref<1x16xf32, #tpu.memory_space<vmem>>, vector<1x16xf32>
    %mul3A_39 = vector.broadcast %get3A_38 : vector<1x16xf32> to vector<10000x16xf32>
    %mul3A_40 = arith.mulf %exp3A, %mul3A_39 : vector<10000x16xf32>
    %swap3A_41 = arith.constant 0 : index
    %swap3A_42 = arith.constant 0 : index
    %swap3A_43 = vector.load %arg6[%swap3A_41, %swap3A_42] : memref<10000x16xf32, #tpu.memory_space<vmem>>, vector<10000x16xf32>
    tpu.vector_store %arg6[%swap3A_41, %swap3A_42], %mul3A_40 {strides = array<i32>} : memref<10000x16xf32, #tpu.memory_space<vmem>>, vector<10000x16xf32>,
    %swap3A_44 = arith.constant 0 : index
    %swap3A_45 = arith.constant 0 : index
    %swap3A_46 = vector.load %arg7[%swap3A_44, %swap3A_45] : memref<1x16xf32, #tpu.memory_space<vmem>>, vector<1x16xf32>
    tpu.vector_store %arg7[%swap3A_44, %swap3A_45], %select_n3A {strides = array<i32>} : memref<1x16xf32, #tpu.memory_space<vmem>>, vector<1x16xf32>,
    return
  }
}

module attributes {stable_mosaic.version = 14 : i64} {
  func.func @_s2_body(%arg0: i32, %arg1: memref<1000x128xf32, #tpu.memory_space<vmem>>, %arg2: memref<128x640xf32, #tpu.memory_space<vmem>>, %arg3: memref<1000x640xf32, #tpu.memory_space<vmem>>) attributes {dimension_semantics = [#tpu.dimension_semantics<arbitrary>], iteration_bounds = array<i64: 10>, scalar_prefetch = 0 : i64, scratch_operands = 0 : i64, tpu.core_type = #tpu.core_type<tc>, window_params = [{transform_indices = @transform_0, window_bounds = array<i64: 1000, 128>}, {pipeline_mode = #tpu.pipeline_mode<synchronous>, transform_indices = @transform_1, window_bounds = array<i64: 128, 640>}, {transform_indices = @transform_2, window_bounds = array<i64: 1000, 640>}]} {
    %get3A = arith.constant 0 : index
    %get3A_0 = arith.constant 0 : index
    %get3A_1 = vector.load %arg1[%get3A, %get3A_0] : memref<1000x128xf32, #tpu.memory_space<vmem>>, vector<1000x128xf32>
    %get3A_2 = arith.constant 0 : index
    %get3A_3 = arith.constant 0 : index
    %get3A_4 = vector.load %arg2[%get3A_2, %get3A_3] : memref<128x640xf32, #tpu.memory_space<vmem>>, vector<128x640xf32>
    %dot_general3A = arith.constant dense<0.000000e+00> : vector<1000x640xf32>
    %dot_general3A_5 = tpu.matmul %get3A_1, %get3A_4, %dot_general3A {dimension_numbers = #tpu.dot_dimension_numbers<[1], [0], [0], [1], [0, 0, 1, 1], [], []>, transpose_lhs_hint = false} : vector<1000x128xf32>, vector<128x640xf32>, vector<1000x640xf32> -> vector<1000x640xf32>
    %swap3A = arith.constant 0 : index
    %swap3A_6 = arith.constant 0 : index
    %swap3A_7 = vector.load %arg3[%swap3A, %swap3A_6] : memref<1000x640xf32, #tpu.memory_space<vmem>>, vector<1000x640xf32>
    tpu.vector_store %arg3[%swap3A, %swap3A_6], %dot_general3A_5 {strides = array<i32>} : memref<1000x640xf32, #tpu.memory_space<vmem>>, vector<1000x640xf32>,
    return
  }
  func.func @transform_0(%arg0: i32) -> (i32, i32) {
    %c0_i32 = arith.constant 0 : i32
    %c0_i32_0 = arith.constant 0 : i32
    return %arg0, %c0_i32 : i32, i32
  }
  func.func @transform_1(%arg0: i32) -> (i32, i32) {
    %c0_i32 = arith.constant 0 : i32
    %c0_i32_0 = arith.constant 0 : i32
    %c0_i32_1 = arith.constant 0 : i32
    return %c0_i32, %c0_i32_0 : i32, i32
  }
  func.func @transform_2(%arg0: i32) -> (i32, i32) {
    %c0_i32 = arith.constant 0 : i32
    %c0_i32_0 = arith.constant 0 : i32
    return %arg0, %c0_i32 : i32, i32
  }
}

module attributes {stable_mosaic.version = 14 : i64} {
  func.func @_s3_body(%arg0: memref<2x10000x16xf32, #tpu.memory_space<vmem>>, %arg1: memref<10000x16xf32, #tpu.memory_space<vmem>>, %arg2: memref<10000x16xf32, #tpu.memory_space<vmem>>, %arg3: memref<10000x16xf32, #tpu.memory_space<vmem>>) attributes {dimension_semantics = [], scalar_prefetch = 0 : i64, scratch_operands = 0 : i64, tpu.core_type = #tpu.core_type<tc>} {
    %get3A = arith.constant 0 : index
    %get3A_0 = arith.constant 0 : index
    %get3A_1 = arith.constant 0 : index
    %get3A_2 = vector.load %arg0[%get3A, %get3A_0, %get3A_1] : memref<2x10000x16xf32, #tpu.memory_space<vmem>>, vector<1x10000x16xf32>
    %get3A_3 = vector.shape_cast %get3A_2 : vector<1x10000x16xf32> to vector<10000x16xf32>
    %get3A_4 = arith.constant 1 : index
    %get3A_5 = arith.constant 0 : index
    %get3A_6 = arith.constant 0 : index
    %get3A_7 = vector.load %arg0[%get3A_4, %get3A_5, %get3A_6] : memref<2x10000x16xf32, #tpu.memory_space<vmem>>, vector<1x10000x16xf32>
    %get3A_8 = vector.shape_cast %get3A_7 : vector<1x10000x16xf32> to vector<10000x16xf32>
    %add3A = arith.addf %get3A_3, %get3A_8 : vector<10000x16xf32>
    %get3A_9 = arith.constant 0 : index
    %get3A_10 = arith.constant 0 : index
    %get3A_11 = vector.load %arg1[%get3A_9, %get3A_10] : memref<10000x16xf32, #tpu.memory_space<vmem>>, vector<10000x16xf32>
    %add3A_12 = arith.addf %add3A, %get3A_11 : vector<10000x16xf32>
    %swap3A = arith.constant 0 : index
    %swap3A_13 = arith.constant 0 : index
    %swap3A_14 = vector.load %arg2[%swap3A, %swap3A_13] : memref<10000x16xf32, #tpu.memory_space<vmem>>, vector<10000x16xf32>
    tpu.vector_store %arg2[%swap3A, %swap3A_13], %add3A_12 {strides = array<i32>} : memref<10000x16xf32, #tpu.memory_space<vmem>>, vector<10000x16xf32>,
    %get3A_15 = arith.constant 0 : index
    %get3A_16 = arith.constant 0 : index
    %get3A_17 = vector.load %arg1[%get3A_15, %get3A_16] : memref<10000x16xf32, #tpu.memory_space<vmem>>, vector<10000x16xf32>
    %add3A_18 = arith.constant 1.000000e-16 : f32
    %add3A_19 = vector.broadcast %add3A_18 : f32 to vector<10000x16xf32>
    %add3A_20 = arith.addf %add3A_12, %add3A_19 : vector<10000x16xf32>
    %div3A = arith.divf %get3A_17, %add3A_20 : vector<10000x16xf32>
    %mul3A = arith.constant 2.000000e-01 : f32
    %mul3A_21 = vector.broadcast %mul3A : f32 to vector<10000x16xf32>
    %mul3A_22 = arith.mulf %div3A, %mul3A_21 : vector<10000x16xf32>
    %swap3A_23 = arith.constant 0 : index
    %swap3A_24 = arith.constant 0 : index
    %swap3A_25 = vector.load %arg3[%swap3A_23, %swap3A_24] : memref<10000x16xf32, #tpu.memory_space<vmem>>, vector<10000x16xf32>
    tpu.vector_store %arg3[%swap3A_23, %swap3A_24], %mul3A_22 {strides = array<i32>} : memref<10000x16xf32, #tpu.memory_space<vmem>>, vector<10000x16xf32>,
    return
  }
}

module attributes {stable_mosaic.version = 14 : i64} {
  func.func @_s4_body(%arg0: i32, %arg1: memref<1000x128xf32, #tpu.memory_space<vmem>>, %arg2: memref<1000x128xf32, #tpu.memory_space<vmem>>, %arg3: memref<1000x128xf32, #tpu.memory_space<vmem>>, %arg4: memref<1000x640xf32, #tpu.memory_space<vmem>>, %arg5: memref<1000x16xf32, #tpu.memory_space<vmem>>, %arg6: memref<16x640xf32, #tpu.memory_space<vmem>>, %arg7: memref<1x128xf32, #tpu.memory_space<vmem>>, %arg8: memref<1000x128xf32, #tpu.memory_space<vmem>>) attributes {dimension_semantics = [#tpu.dimension_semantics<arbitrary>], iteration_bounds = array<i64: 10>, scalar_prefetch = 0 : i64, scratch_operands = 0 : i64, tpu.core_type = #tpu.core_type<tc>, window_params = [{transform_indices = @transform_0, window_bounds = array<i64: 1000, 128>}, {transform_indices = @transform_1, window_bounds = array<i64: 1000, 128>}, {transform_indices = @transform_2, window_bounds = array<i64: 1000, 128>}, {transform_indices = @transform_3, window_bounds = array<i64: 1000, 640>}, {transform_indices = @transform_4, window_bounds = array<i64: 1000, 16>}, {pipeline_mode = #tpu.pipeline_mode<synchronous>, transform_indices = @transform_5, window_bounds = array<i64: 16, 640>}, {pipeline_mode = #tpu.pipeline_mode<synchronous>, transform_indices = @transform_6, window_bounds = array<i64: 1, 128>}, {transform_indices = @transform_7, window_bounds = array<i64: 1000, 128>}]} {
    %get3A = arith.constant 0 : index
    %get3A_0 = arith.constant 0 : index
    %get3A_1 = vector.load %arg5[%get3A, %get3A_0] : memref<1000x16xf32, #tpu.memory_space<vmem>>, vector<1000x16xf32>
    %get3A_2 = arith.constant 0 : index
    %get3A_3 = arith.constant 0 : index
    %get3A_4 = vector.load %arg6[%get3A_2, %get3A_3] : memref<16x640xf32, #tpu.memory_space<vmem>>, vector<16x640xf32>
    %dot_general3A = arith.constant dense<0.000000e+00> : vector<1000x640xf32>
    %dot_general3A_5 = tpu.matmul %get3A_1, %get3A_4, %dot_general3A {dimension_numbers = #tpu.dot_dimension_numbers<[1], [0], [0], [1], [0, 0, 1, 1], [], []>, transpose_lhs_hint = false} : vector<1000x16xf32>, vector<16x640xf32>, vector<1000x640xf32> -> vector<1000x640xf32>
    %get3A_6 = arith.constant 0 : index
    %get3A_7 = arith.constant 0 : index
    %get3A_8 = vector.load %arg4[%get3A_6, %get3A_7] : memref<1000x640xf32, #tpu.memory_space<vmem>>, vector<1000x640xf32>
    %mul3A = arith.mulf %dot_general3A_5, %get3A_8 : vector<1000x640xf32>
    %slice3A = vector.extract_strided_slice %mul3A {offsets = [0, 0], sizes = [1000, 128], strides = [1, 1]} : vector<1000x640xf32> to vector<1000x128xf32>
    %slice3A_9 = vector.extract_strided_slice %mul3A {offsets = [0, 128], sizes = [1000, 128], strides = [1, 1]} : vector<1000x640xf32> to vector<1000x128xf32>
    %add3A = arith.addf %slice3A, %slice3A_9 : vector<1000x128xf32>
    %slice3A_10 = vector.extract_strided_slice %mul3A {offsets = [0, 256], sizes = [1000, 128], strides = [1, 1]} : vector<1000x640xf32> to vector<1000x128xf32>
    %add3A_11 = arith.addf %add3A, %slice3A_10 : vector<1000x128xf32>
    %slice3A_12 = vector.extract_strided_slice %mul3A {offsets = [0, 384], sizes = [1000, 128], strides = [1, 1]} : vector<1000x640xf32> to vector<1000x128xf32>
    %add3A_13 = arith.addf %add3A_11, %slice3A_12 : vector<1000x128xf32>
    %slice3A_14 = vector.extract_strided_slice %mul3A {offsets = [0, 512], sizes = [1000, 128], strides = [1, 1]} : vector<1000x640xf32> to vector<1000x128xf32>
    %add3A_15 = arith.addf %add3A_13, %slice3A_14 : vector<1000x128xf32>
    %get3A_16 = arith.constant 0 : index
    %get3A_17 = arith.constant 0 : index
    %get3A_18 = vector.load %arg1[%get3A_16, %get3A_17] : memref<1000x128xf32, #tpu.memory_space<vmem>>, vector<1000x128xf32>
    %get3A_19 = arith.constant 0 : index
    %get3A_20 = arith.constant 0 : index
    %get3A_21 = vector.load %arg2[%get3A_19, %get3A_20] : memref<1000x128xf32, #tpu.memory_space<vmem>>, vector<1000x128xf32>
    %add3A_22 = arith.addf %get3A_18, %get3A_21 : vector<1000x128xf32>
    %get3A_23 = arith.constant 0 : index
    %get3A_24 = arith.constant 0 : index
    %get3A_25 = vector.load %arg3[%get3A_23, %get3A_24] : memref<1000x128xf32, #tpu.memory_space<vmem>>, vector<1000x128xf32>
    %add3A_26 = arith.addf %add3A_22, %get3A_25 : vector<1000x128xf32>
    %add3A_27 = arith.addf %add3A_26, %add3A_15 : vector<1000x128xf32>
    %get3A_28 = arith.constant 0 : index
    %get3A_29 = arith.constant 0 : index
    %get3A_30 = vector.load %arg7[%get3A_28, %get3A_29] : memref<1x128xf32, #tpu.memory_space<vmem>>, vector<1x128xf32>
    %add3A_31 = vector.broadcast %get3A_30 : vector<1x128xf32> to vector<1000x128xf32>
    %add3A_32 = arith.addf %add3A_27, %add3A_31 : vector<1000x128xf32>
    %swap3A = arith.constant 0 : index
    %swap3A_33 = arith.constant 0 : index
    %swap3A_34 = vector.load %arg8[%swap3A, %swap3A_33] : memref<1000x128xf32, #tpu.memory_space<vmem>>, vector<1000x128xf32>
    tpu.vector_store %arg8[%swap3A, %swap3A_33], %add3A_32 {strides = array<i32>} : memref<1000x128xf32, #tpu.memory_space<vmem>>, vector<1000x128xf32>,
    return
  }
  func.func @transform_0(%arg0: i32) -> (i32, i32) {
    %c0_i32 = arith.constant 0 : i32
    %c0_i32_0 = arith.constant 0 : i32
    return %arg0, %c0_i32 : i32, i32
  }
  func.func @transform_1(%arg0: i32) -> (i32, i32) {
    %c0_i32 = arith.constant 0 : i32
    %c0_i32_0 = arith.constant 0 : i32
    return %arg0, %c0_i32 : i32, i32
  }
  func.func @transform_2(%arg0: i32) -> (i32, i32) {
    %c0_i32 = arith.constant 0 : i32
    %c0_i32_0 = arith.constant 0 : i32
    return %arg0, %c0_i32 : i32, i32
  }
  func.func @transform_3(%arg0: i32) -> (i32, i32) {
    %c0_i32 = arith.constant 0 : i32
    %c0_i32_0 = arith.constant 0 : i32
    return %arg0, %c0_i32 : i32, i32
  }
  func.func @transform_4(%arg0: i32) -> (i32, i32) {
    %c0_i32 = arith.constant 0 : i32
    %c0_i32_0 = arith.constant 0 : i32
    return %arg0, %c0_i32 : i32, i32
  }
  func.func @transform_5(%arg0: i32) -> (i32, i32) {
    %c0_i32 = arith.constant 0 : i32
    %c0_i32_0 = arith.constant 0 : i32
    %c0_i32_1 = arith.constant 0 : i32
    return %c0_i32, %c0_i32_0 : i32, i32
  }
  func.func @transform_6(%arg0: i32) -> (i32, i32) {
    %c0_i32 = arith.constant 0 : i32
    %c0_i32_0 = arith.constant 0 : i32
    %c0_i32_1 = arith.constant 0 : i32
    return %c0_i32, %c0_i32_0 : i32, i32
  }
  func.func @transform_7(%arg0: i32) -> (i32, i32) {
    %c0_i32 = arith.constant 0 : i32
    %c0_i32_0 = arith.constant 0 : i32
    return %arg0, %c0_i32 : i32, i32
  }
}

</mosaic_0001>

<sc_bundles>
// kernel: kernel.11.cloned.1.call-start
scs
__scs_entry_jumppad:
0x0: {  	(pc) =	sbr.rel $0x88, $3  }
0x1: {  	(tag) =	ssettag $0x0;
	lr =	simm.s32 $0x1  }
0x2: {  	[smem:$0x3F9B] =	sst lr;
	_ =	strace $0xD0000000  }
0x3: {  	_ = 	snop  }
0x4: {  	_ = 	snop  }
0x5: {  	_ = 	snop  }
0x6: {  	_ = 	snop  }
0x7: {  	_ = 	snop  }
__scs_overlays_trampoline_lowered:
0x8: {  	[smem:$0x3FAA] =	sst s0  }
0x9: {  	[smem:$0x3FAB] =	sst s1  }
0xa: {  	[smem:$0x3FAC] =	sst s2  }
0xb: {  	[smem:$0x3FAD] =	sst s3  }
0xc: {  	[smem:$0x3FAE] =	sst s4  }
0xd: {  	[smem:$0x3FAF] =	sst s5  }
0xe: {  	[smem:$0x3FB0] =	sst s6  }
0xf: {  	[smem:$0x3FB1] =	sst s7  }
0x10: {  	[smem:$0x3FB2] =	sst s8  }
0x11: {  	[smem:$0x3FB3] =	sst s9;
	s0 =	simm.s32 @!p0 $0x0  }
0x12: {  	s1 =	sld [smem:$0x3F99];
	s0 =	simm.s32 @p0 $0x1  }
0x13: {  	[smem:$0x3FB4] =	sst s0;
	s0 =	simm.s32 @!p1 $0x0  }
0x14: {  	s2 =	sld [smem:$0x3F98];
	s0 =	simm.s32 @p1 $0x1  }
0x15: {  	[smem:$0x3FB5] =	sst s0;
	s0 =	simm.s32 @!p2 $0x0  }
0x16: {  	s3 =	sld [smem:$0x3FDB];
	s0 =	simm.s32 @p2 $0x1  }
0x17: {  	s4 =	simm.s32 $0x1BF5;
	[smem:$0x3FB7] =	sst s0  }
0x18: {  	s0 =	sld [smem:$0x3F9A];
	_ =	swait.ge [sflag:s4], $0x0  }
0x19: {  	s7 =	sld [smem:$0x3F9B]  }
0x1a: {  	s8 =	sadd.s32 $0xFFFFE003, lr  }
0x1b: {  	s9 =	sadd.s32 $0xFFFFFEF7, lr;
	s5 =	simm.s32 $0xFFFFFFFF;
	p2 =	slt.u32 s8, $0xFFFFF086  }
0x1c: {  	p1 =	slt.u32 s9, $0xF7A;
	s5 =	simm.s32 @!p2 $0x0  }
0x1d: {  	s5 =	simm.s32 @p1 $0x1;
	p0 =	seq.s32 s7, s2  }
0x1e: {  	s7 =	smul.u32 @!p0 $0xF7A, s2;
	p2 =	seq.s32 @!p0 s5, $0x0  }
0x1f: {  	s9 =	smul.u32 $0xF7A, s1;
	s8 =	simm.s32 @!p0 $0x1BF5;
	p2 =	por !p2, p0  }
0x20: {  	[sflag:s8] =	ssyncset.s32 @!p0 $0xFFFFF086;
	s6 =	sadd.s32 @!p0 s3, s7;
	s7 =	simm.s32 @!p0 $0x108  }
0x21: {  	s3 =	sadd.s32 s3, s9;
	s6 =	sadd.s32 @!p0 $0x88, s6;
	s7 =	simm.s32 @p2 $0x1082  }
0x22: {  	[simem:s7], [sflag:s8] =	dma.local @!p0 [hbm:s6], $0xF7A  }
0x23: {  	s9 =	sor.u32 $0xD0000000, s2;
	s6 =	simm.s32 $0x108;
	_ =	swait.ge @!p0 [sflag:s8], $0x0  }
0x24: {  	s3 =	sadd.s32 $0x88, s3;
	s6 =	simm.s32 @!p1 $0x1082;
	[sflag:s4] =	ssyncset.s32 $0xFFFFF086  }
0x25: {  	[simem:s6], [sflag:s4] =	dma.local [hbm:s3], $0xF7A  }
0x26: {  	[smem:$0x3F9B] =	sst s1;
	(tag) =	ssettag s2;
	_ =	strace s9  }
0x27: {  	s1 =	sld [smem:$0x3FAB]  }
0x28: {  	s2 =	sld [smem:$0x3FAC]  }
0x29: {  	s4 =	sld [smem:$0x3FAE]  }
0x2a: {  	p0 =	seq.s32 s5, $0x0;
	s5 =	sld [smem:$0x3FAF]  }
0x2b: {  	s6 =	sld [smem:$0x3FB0]  }
0x2c: {  	s7 =	sld [smem:$0x3FB1]  }
0x2d: {  	s3 =	simm.s32 $0x108;
	s8 =	sld [smem:$0x3FB2]  }
0x2e: {  	s3 =	simm.s32 @!p0 $0x1082;
	s9 =	sld [smem:$0x3FB3]  }
0x2f: {  	lr =	sadd.s32 s0, s3;
	s0 =	sld [smem:$0x3FAA]  }
0x30: {  	s3 =	sld [smem:$0x3FAD]  }
0x31: {  	[smem:$0x3FB6] =	sst s10  }
0x32: {  	s10 =	sld [smem:$0x3FB4];
	_ =	sdelay $0x3  }
0x33: {  	p0 =	seq.s32 s10, $0x1;
	s10 =	sld [smem:$0x3FB6];
	_ =	sdelay $0x3  }
0x34: {  	[smem:$0x3FB6] =	sst s10  }
0x35: {  	s10 =	sld [smem:$0x3FB5];
	_ =	sdelay $0x3  }
0x36: {  	p1 =	seq.s32 s10, $0x1;
	s10 =	sld [smem:$0x3FB6];
	_ =	sdelay $0x3  }
0x37: {  	[smem:$0x3FB6] =	sst s10  }
0x38: {  	s10 =	sld [smem:$0x3FB7]  }
0x39: {  	_ = 	snop;
	(pc) =	sbr.ind lr, $3  }
0x3a: {  	_ = 	snop  }
0x3b: {  	_ = 	snop  }
0x3c: {  	p2 =	seq.s32 s10, $0x1;
	s10 =	sld [smem:$0x3FB6]  }
0x3d: {  	_ =	shalt  }
0x3e: {  	_ =	shalt  }
0x3f: {  	_ =	shalt  }
0x40: {  	_ =	shalt  }
0x41: {  	_ =	shalt  }
0x42: {  	_ =	shalt  }
0x43: {  	_ =	shalt  }
0x44: {  	_ =	shalt  }
0x45: {  	_ =	shalt  }
0x46: {  	_ =	shalt  }
0x47: {  	_ =	shalt  }
0x48: {  	_ =	shalt  }
0x49: {  	_ =	shalt  }
0x4a: {  	_ =	shalt  }
0x4b: {  	_ =	shalt  }
0x4c: {  	_ =	shalt  }
0x4d: {  	_ =	shalt  }
0x4e: {  	_ =	shalt  }
0x4f: {  	_ =	shalt  }
0x50: {  	_ =	shalt  }
0x51: {  	_ =	shalt  }
0x52: {  	_ =	shalt  }
0x53: {  	_ =	shalt  }
0x54: {  	_ =	shalt  }
0x55: {  	_ =	shalt  }
0x56: {  	_ =	shalt  }
0x57: {  	_ =	shalt  }
0x58: {  	_ =	shalt  }
0x59: {  	_ =	shalt  }
0x5a: {  	_ =	shalt  }
0x5b: {  	_ =	shalt  }
0x5c: {  	_ =	shalt  }
0x5d: {  	_ =	shalt  }
0x5e: {  	_ =	shalt  }
0x5f: {  	_ =	shalt  }
0x60: {  	_ =	shalt  }
0x61: {  	_ =	shalt  }
0x62: {  	_ =	shalt  }
0x63: {  	_ =	shalt  }
0x64: {  	_ =	shalt  }
0x65: {  	_ =	shalt  }
0x66: {  	_ =	shalt  }
0x67: {  	_ =	shalt  }
0x68: {  	_ =	shalt  }
0x69: {  	_ =	shalt  }
0x6a: {  	_ =	shalt  }
0x6b: {  	_ =	shalt  }
0x6c: {  	_ =	shalt  }
0x6d: {  	_ =	shalt  }
0x6e: {  	_ =	shalt  }
0x6f: {  	_ =	shalt  }
0x70: {  	_ =	shalt  }
0x71: {  	_ =	shalt  }
0x72: {  	_ =	shalt  }
0x73: {  	_ =	shalt  }
0x74: {  	_ =	shalt  }
0x75: {  	_ =	shalt  }
0x76: {  	_ =	shalt  }
0x77: {  	_ =	shalt  }
0x78: {  	_ =	shalt  }
0x79: {  	_ =	shalt  }
0x7a: {  	_ =	shalt  }
0x7b: {  	_ =	shalt  }
0x7c: {  	_ =	shalt  }
0x7d: {  	_ =	shalt  }
0x7e: {  	_ =	shalt  }
0x7f: {  	_ =	shalt  }
0x80: {  	_ =	shalt  }
0x81: {  	_ =	shalt  }
0x82: {  	_ =	shalt  }
0x83: {  	_ =	shalt  }
0x84: {  	_ =	shalt  }
0x85: {  	_ =	shalt  }
0x86: {  	_ =	shalt  }
0x87: {  	_ =	shalt  }
.Lfunc_end0:
.L_simem_size_0:
called_computation.1_lowered:
.L_overlay_start_0:
0x88: {  	s2 =	sld [smem:$0x3FD9]  }
0x89: {  	s3 =	sld [smem:$0x3FFE];
	_ =	sdelay $0x1  }
0x8a: {  	s1 =	srdreg.scid  }
0x8b: {  	s0 =	sand.u32 $0x1, s1  }
0x8c: {  	s17 =	sshll.u32 s0, $0xA;
	s2 =	sadd.s32 s3, s2  }
0x8d: {  	s2 =	sadd.s32 s2, s17  }
0x8e: {  	[smem:$0x3FC2] =	sst s2  }
0x8f: {  	_ = 	snop  }
0x90: {  	s2 =	sld [smem:$0x3FD0];
	(tm) =	ssettm $0x1  }
0x91: {  	s18 =	sld [smem:$0x3FFB];
	_ =	sdelay $0x3  }
0x92: {  	_ =	strace s18  }
0x93: {  	s3 =	sld [smem:$0x3FFC];
	_ =	sdelay $0x3  }
0x94: {  	_ =	strace s3  }
0x95: {  	s3 =	sld [smem:$0x3FFD];
	_ =	sdelay $0x3  }
0x96: {  	_ =	strace s3  }
0x97: {  	_ =	strace $0x8FFFFFFF  }
0x98: {  	s19 =	sld [smem:$0x3FDB];
	_ =	sdelay $0x1  }
0x99: {  	s4 =	simm.s32 $_scs_section_size  }
0x9a: {  	s5 =	simm.s32 $_size__tile_overlayer_lowered;
	s6 =	simm.s32 $_tile_overlayer_lowered  }
0x9b: {  	s22 =	simm.s32 $0x1BFF;
	s21 =	sshll.u32 s6, $0x1;
	s3 =	sadd.s32 s4, s19  }
0x9c: {  	s7 =	simm.s32 $0x0;
	s20 =	sshll.u32 s5, $0x1;
	s5 =	sadd.s32 s21, s3  }
0x9d: {  	[timem:s7], [sflag:s22] =	dma.local [hbm:s5], s20  }
0x9e: {  	_ =	swait.ge [sflag:s22], s20  }
0x9f: {  	s4 =	ssub.s32 $0x0, s20;
	[sflag:s22] =	ssyncset.done $0x0  }
0xa0: {  	[sflag:s22] =	ssyncadd.s32 s4;
	_ =	sdelay $0x1  }
0xa1: {  	s23 =	simm.s32 $0x1B8B  }
0xa2: {  	_ =	swait.ge [sflag:s23], $0x1  }
0xa3: {  	[sflag:s23] =	ssyncset.done $0x0  }
0xa4: {  	s25 =	simm.s32 $0x1B8E;
	s24 =	sld [smem:$0x3FFE];
	[sflag:s23] =	ssyncadd.s32 $0xFFFFFFFF  }
0xa5: {  	s26 =	simm.s32 $execute0_lowered;
	[smem:$0x3FD2] =	sst s25  }
0xa6: {  	s5 =	sshll.u32 s26, $0x1;
	_ =	strace $0x80000049;
	[dreg:$0x1] =	wrdreg $0xFFFFFFFF  }
0xa7: {  	s28 =	simm.s32 $_size_execute0_lowered;
	s3 =	sadd.s32 s3, s5;
	[dreg:$0x0] =	wrdreg $0x0  }
0xa8: {  	s5 =	sshll.u32 s28, $0x1;
	[dreg:$0x2] =	wrdreg s3  }
0xa9: {  	[dreg:$0x3] =	wrdreg s5  }
0xaa: {  	[dreg:$0x4] =	wrdreg $0xC0  }
0xab: {  	_ =	task [dreg:s7], $0x5FFFF  }
0xac: {  	[dreg:$0x1] =	wrdreg $0xFFFFFFFF  }
0xad: {  	[dreg:$0x0] =	wrdreg $0x60  }
0xae: {  	[dreg:$0x2] =	wrdreg s24  }
0xaf: {  	[dreg:$0x3] =	wrdreg s2  }
0xb0: {  	[dreg:$0x4] =	wrdreg $0x97E00  }
0xb1: {  	[dreg:$0x5] =	wrdreg $0x9  }
0xb2: {  	_ =	task.clear_ibuf [dreg:s7], $0x6FFFF;
	_ =	strace $0x90000049  }
0xb3: {  	s29 =	simm.s32 $0x9;
	_ =	strace $0x8000004B  }
0xb4: {  	_ =	swait.ge [sflag:s29], $0x1  }
0xb5: {  	[sflag:s29] =	ssyncadd.s32 $0xFFFFFFFF  }
0xb6: {  	_ =	strace $0x9000004B  }
0xb7: {  	_ =	sfence  }
0xb8: {  	s30 =	sld [smem:$0x0];
	_ =	sdelay $0x2  }
0xb9: {  	s31 =	sshll.u32 s1, $0xD;
	s1 =	sshrl.u32 s1, $0x2  }
0xba: {  	s3 =	sand.u32 $0x4000, s31;
	s1 =	sadd.s32 s1, s30  }
0xbb: {  	s0 =	sor.u32 s3, s0;
	s1 =	sshll.u32 s1, $0x11  }
0xbc: {  	s0 =	sor.u32 s1, s0  }
0xbd: {  	s0 =	sadd.s32 $0x8F2B, s0  }
0xbe: {  	[sflag:s0] =	ssyncadd.remote.s32 $0x1  }
0xbf: {  	_ =	sfence.sel $0xFFFF  }
0xc0: {  	[dreg:$0x0] =	wrdreg $0xFFFFFFFF;
	(pc) =	sbr.abs _section_cstart, $3  }
0xc1: {  	[dreg:$0x1] =	wrdreg $0xFFFFFFFF  }
0xc2: {  	_ =	task.clear_ibuf [dreg:s7], $0x2FFFF;
	_ =	strace $0x9FFFFFFF  }
0xc3: {  	(tm) =	ssettm $0x7FFFFFFF  }
tec
execute0_lowered:
.L_overlay_start_1:
0x0: {  	(tag) =	ssettag $0x1  }
0x1: {  	s1 =	srdreg.scid;
	s0 =	rddreg [dreg:$0x0]  }
0x2: {  	s25 =	stileid.u32;
	s3 =	sand.u32 $0x1, s1;
	s1 =	simm.s32 $0x0  }
0x3: {  	s2 =	smul.u32 $0x13800, s25;
	s15 =	sadd.s32 $0x1A0E00, s0;
	p0 =	sne.s32 s25, $0xF  }
0x4: {  	s4 =	ssub.s32 $0x2, s3;
	[smem:$0x7FF] =	sst s1;
	s17 =	smul.u32 $0x138800, s3  }
0x5: {  	s3 =	sshll.u32 s3, $0x4;
	s5 =	sshrl.u32 s4, $0x1;
	s7 =	sadd.s32 $0x4800, s2  }
0x6: {  	s8 =	sadd.s32 $0x6000, s2;
	s14 =	sadd.s32 $0x7800, s2;
	s9 =	sadd.s32 $0x9000, s2  }
0x7: {  	s10 =	sadd.s32 $0xA800, s2;
	s11 =	sadd.s32 $0xC000, s2;
	s12 =	sadd.s32 $0xD800, s2  }
0x8: {  	s3 =	sor.u32 s25, s3;
	s25 =	simm.s32 $0x0;
	s6 =	ssub.s32 s4, s5  }
0x9: {  	s4 =	sadd.s32 $0x1800, s2;
	s5 =	sadd.s32 $0x3000, s2;
	s13 =	sadd.s32 s2, s17  }
0xa: {  	s29 =	sadd.s32 s17, s7;
	s18 =	sadd.s32 s17, s8;
	s20 =	sadd.s32 s17, s14  }
0xb: {  	s21 =	sadd.s32 s17, s9;
	s22 =	sadd.s32 s17, s10;
	s16 =	sadd.s32 s17, s4  }
0xc: {  	s13 =	sshrl.u32 s13, $0x3;
	s28 =	sadd.s32 s17, s5;
	s18 =	sshrl.u32 s18, $0x3  }
0xd: {  	s23 =	sshrl.u32 s21, $0x3;
	s24 =	sshrl.u32 s22, $0x3;
	s13 =	sadd.s32 s15, s13  }
0xe: {  	s16 =	sshrl.u32 s16, $0x3;
	s19 =	sadd.s32 s15, s18;
	[dreg:$0x4] =	wrdreg s13  }
0xf: {  	s26 =	sadd.s32 s15, s16;
	s13 =	sshrl.u32 s28, $0x3;
	s16 =	sshrl.u32 s29, $0x3  }
0x10: {  	[dreg:$0x8] =	wrdreg s19;
	s28 =	sadd.s32 s17, s11;
	s13 =	sadd.s32 s15, s13  }
0x11: {  	s19 =	sadd.s32 $0xF000, s2;
	[dreg:$0x6] =	wrdreg s13;
	s13 =	sadd.s32 s15, s16  }
0x12: {  	s29 =	sadd.s32 s17, s12;
	[dreg:$0x7] =	wrdreg s13;
	s13 =	sshrl.u32 s20, $0x3  }
0x13: {  	[dreg:$0x5] =	wrdreg s26;
	s26 =	sadd.s32 s15, s24;
	s13 =	sadd.s32 s15, s13  }
0x14: {  	s18 =	sshrl.u32 s29, $0x3;
	[dreg:$0x9] =	wrdreg s13;
	s13 =	sadd.s32 s15, s23  }
0x15: {  	s23 =	sadd.s32 $0x10800, s2;
	[dreg:$0xa] =	wrdreg s13;
	s13 =	sshrl.u32 s28, $0x3  }
0x16: {  	[dreg:$0xb] =	wrdreg s26;
	s22 =	sadd.s32 s17, s23;
	s13 =	sadd.s32 s15, s13  }
0x17: {  	s26 =	sshrl.u32 s22, $0x3;
	[dreg:$0xc] =	wrdreg s13;
	s13 =	sadd.s32 s15, s18  }
0x18: {  	s20 =	sadd.s32 s17, s19;
	s16 =	sadd.s32 s15, s26;
	[dreg:$0xd] =	wrdreg s13  }
0x19: {  	s24 =	sadd.s32 $0x12000, s2;
	s21 =	sshrl.u32 s20, $0x3;
	[dreg:$0xf] =	wrdreg s16  }
0x1a: {  	s28 =	sadd.s32 s17, s24;
	s13 =	sadd.s32 s15, s21;
	s16 =	rddreg [dreg:$0x2]  }
0x1b: {  	s29 =	sadd.s32 $0x1400, s0;
	s18 =	sshrl.u32 s28, $0x3;
	[dreg:$0xe] =	wrdreg s13  }
0x1c: {  	s20 =	sadd.s32 $0x10400, s0;
	s18 =	sadd.s32 s15, s18;
	s13 =	rddreg [dreg:$0x1]  }
0x1d: {  	s17 =	sshrl.u32 s17, $0x3;
	[dreg:$0x10] =	wrdreg s18;
	s31 =	sadd.s32 s4, s16  }
0x1e: {  	s4 =	sadd.s32 s5, s16;
	_ =	strace $0x8000004A;
	[dreg:$0x11] =	wrdreg s29  }
0x1f: {  	s22 =	sadd.s32 $0x6600, s0;
	s5 =	sadd.s32 s7, s16;
	[dreg:$0x12] =	wrdreg s4  }
0x20: {  	s15 =	sadd.s32 s15, s17;
	s7 =	sadd.s32 s8, s16;
	[dreg:$0x13] =	wrdreg s5  }
0x21: {  	s21 =	sadd.s32 $0xDD800, s0;
	s8 =	sadd.s32 s14, s16;
	[dreg:$0x14] =	wrdreg s7  }
0x22: {  	s17 =	simm.s32 $0x60;
	s9 =	sadd.s32 s9, s16;
	[dreg:$0x15] =	wrdreg s8  }
0x23: {  	s18 =	sadd.s32 $0x1600, s0;
	s10 =	sadd.s32 s10, s16;
	[dreg:$0x16] =	wrdreg s9  }
0x24: {  	s30 =	sadd.s32 s2, s16;
	s11 =	sadd.s32 s11, s16;
	[dreg:$0x17] =	wrdreg s10  }
0x25: {  	s14 =	sadd.s32 s12, s16;
	s19 =	sadd.s32 s19, s16;
	[dreg:$0x18] =	wrdreg s11  }
0x26: {  	v0 =	vimm.s32 $0xFEDCBA98;
	s26 =	sadd.s32 s23, s16;
	s28 =	sadd.s32 $0x27000, s15;
	[dreg:$0x19] =	wrdreg s14  }
0x27: {  	v1 =	vimm.s32 $0x76543210;
	v0 =	vunpack.c.l.s4.s8 v0;
	s12 =	simm.s32 $0x38;
	s15 =	simm.s32 $0x28;
	[dreg:$0x1a] =	wrdreg s19  }
0x28: {  	v1 =	vunpack.c.l.s4.s8 v1;
	s23 =	simm.s32 $0x7E0;
	[dreg:$0x1b] =	wrdreg s26;
	s4 =	sadd.s32 s24, s16  }
0x29: {  	vm0 =	vcmask $0x1300;
	v3 =	vimm.s32 $0x0;
	v0 =	vunpack.c.0.s8.s32 v0;
	s5 =	smul.u32 $0x2710, s3;
	[dreg:$0x1c] =	wrdreg s28;
	s29 =	smax.u32 s6, $0x1  }
0x2a: {  	v4 =	vimm.s32 $0x1;
	v5 =	vimm.s32 $0x2;
	v1 =	vunpack.c.0.s8.s32 v1;
	s8 =	sadd.s32 $0x138000, s16;
	s9 =	simm.s32 $0x2;
	s10 =	simm.s32 $0x7FE0  }
0x2b: {  	v6 =	vimm.s32 $0x3;
	v2 =	vand.u32 $0xF, v0;
	v0 =	vimm.f32 $0.0e+00;
	s11 =	simm.s32 $0x10;
	s19 =	simm.s32 $0x1;
	s6 =	simm.s32 $0x2E0  }
0x2c: {  	v7 =	vimm.s32 $0x4;
	v1 =	vcombine.low v2, v1;
	v2 =	vsel vm0, $0x3F800000, v0;
	s7 =	simm.s32 $0x560;
	s24 =	simm.s32 $0x6BE0;
	[dreg:$0x1d] =	wrdreg s29  }
.LBB2_1:
0x2d: {  	s0 =	rddreg [dreg:$0x11]  }
0x2e: {  	[tilespmem:s1], [sflag:$0x2] =	stream.linear.gather [hbm4b:s0+s1], $0x10, $0x38;
	[tilespmem:$0x1D060] =	vst v63  }
0x2f: {  	s14 =	sand.u32 $0x7E00, s1;
	s26 =	sand.u32 $0x70, s1;
	_ =	swait.ge [sflag:s9], $0x10  }
0x30: {  	s28 =	sshrl.u32 s14, $0x2;
	s14 =	simm.s32 $0x40;
	[sflag:s9] =	ssyncset.done $0x0  }
0x31: {  	s28 =	sor.u32 s26, s28;
	s26 =	simm.s32 $0x0;
	[sflag:s9] =	ssyncadd.s32 $0xFFFFFFF0  }
.LBB2_2:
0x32: {  	p1 =	sne.s32 s14, $0x5FC0  }
0x33: {  	[tilespmem:s28+$0x7FE0] =	vst v0;
	s26 =	sadd.s32 $0x10, s26;
	s28 =	smov.u32 s14;
	s14 =	sadd.s32 $0x40, s14  }
.Ltmp0:
0x34: {  	(pc) =	sbr.rel @p1 .LBB2_2-.Ltmp0, $4  }
0x35: {  	_ = 	snop  }
0x36: {  	s28 =	sand.u32 $0x7E00, s28  }
0x37: {  	s29 =	sand.u32 $0x70, s26;
	s28 =	sshrl.u32 s28, $0x2  }
0x38: {  	s28 =	sor.u32 s29, s28  }
0x39: {  	[tilespmem:s28+$0x7FE0] =	vst v0  }
0x3a: {  	[spmem:s30] =	stream.linear.scatter [tilespmem:s10], [sflag:$0x2], $0x1800, $0x38;
	[tilespmem:$0x1D060] =	vst v63  }
0x3b: {  	_ =	swait.ge [sflag:s9], $0x1800  }
0x3c: {  	[sflag:s9] =	ssyncset.done $0x0  }
0x3d: {  	[sflag:s9] =	ssyncadd.s32 $0xFFFFE800  }
0x3e: {  	[spmem:s31] =	stream.linear.scatter [tilespmem:s10], [sflag:$0x2], $0x1800, $0x38;
	[tilespmem:$0x1D060] =	vst v63  }
0x3f: {  	_ =	swait.ge [sflag:s9], $0x1800  }
0x40: {  	[sflag:s9] =	ssyncset.done $0x0  }
0x41: {  	s0 =	rddreg [dreg:$0x12];
	[sflag:s9] =	ssyncadd.s32 $0xFFFFE800  }
0x42: {  	[spmem:s0] =	stream.linear.scatter [tilespmem:s10], [sflag:$0x2], $0x1800, $0x38;
	[tilespmem:$0x1D060] =	vst v63  }
0x43: {  	_ =	swait.ge [sflag:s9], $0x1800  }
0x44: {  	[sflag:s9] =	ssyncset.done $0x0  }
0x45: {  	s26 =	rddreg [dreg:$0x13];
	[sflag:s9] =	ssyncadd.s32 $0xFFFFE800  }
0x46: {  	[spmem:s26] =	stream.linear.scatter [tilespmem:s10], [sflag:$0x2], $0x1800, $0x38;
	[tilespmem:$0x1D060] =	vst v63  }
0x47: {  	_ =	swait.ge [sflag:s9], $0x1800  }
0x48: {  	[sflag:s9] =	ssyncset.done $0x0  }
0x49: {  	s29 =	rddreg [dreg:$0x14];
	[sflag:s9] =	ssyncadd.s32 $0xFFFFE800  }
0x4a: {  	[spmem:s29] =	stream.linear.scatter [tilespmem:s10], [sflag:$0x2], $0x1800, $0x38;
	[tilespmem:$0x1D060] =	vst v63  }
0x4b: {  	_ =	swait.ge [sflag:s9], $0x1800  }
0x4c: {  	[sflag:s9] =	ssyncset.done $0x0  }
0x4d: {  	s2 =	smov.u32 s30;
	s30 =	rddreg [dreg:$0x15];
	[sflag:s9] =	ssyncadd.s32 $0xFFFFE800  }
0x4e: {  	[spmem:s30] =	stream.linear.scatter [tilespmem:s10], [sflag:$0x2], $0x1800, $0x38;
	[tilespmem:$0x1D060] =	vst v63  }
0x4f: {  	_ =	swait.ge [sflag:s9], $0x1800  }
0x50: {  	[sflag:s9] =	ssyncset.done $0x0  }
0x51: {  	s3 =	smov.u32 s31;
	s31 =	rddreg [dreg:$0x16];
	[sflag:s9] =	ssyncadd.s32 $0xFFFFE800  }
0x52: {  	[spmem:s31] =	stream.linear.scatter [tilespmem:s10], [sflag:$0x2], $0x1800, $0x38;
	[tilespmem:$0x1D060] =	vst v63  }
0x53: {  	_ =	swait.ge [sflag:s9], $0x1800  }
0x54: {  	[sflag:s9] =	ssyncset.done $0x0  }
0x55: {  	s14 =	rddreg [dreg:$0x17];
	[sflag:s9] =	ssyncadd.s32 $0xFFFFE800  }
0x56: {  	[spmem:s14] =	stream.linear.scatter [tilespmem:s10], [sflag:$0x2], $0x1800, $0x38;
	[tilespmem:$0x1D060] =	vst v63  }
0x57: {  	_ =	swait.ge [sflag:s9], $0x1800  }
0x58: {  	[sflag:s9] =	ssyncset.done $0x0  }
0x59: {  	s26 =	rddreg [dreg:$0x18];
	[sflag:s9] =	ssyncadd.s32 $0xFFFFE800  }
0x5a: {  	[spmem:s26] =	stream.linear.scatter [tilespmem:s10], [sflag:$0x2], $0x1800, $0x38;
	[tilespmem:$0x1D060] =	vst v63  }
0x5b: {  	_ =	swait.ge [sflag:s9], $0x1800  }
0x5c: {  	[sflag:s9] =	ssyncset.done $0x0  }
0x5d: {  	s29 =	rddreg [dreg:$0x19];
	[sflag:s9] =	ssyncadd.s32 $0xFFFFE800  }
0x5e: {  	[spmem:s29] =	stream.linear.scatter [tilespmem:s10], [sflag:$0x2], $0x1800, $0x38;
	[tilespmem:$0x1D060] =	vst v63  }
0x5f: {  	_ =	swait.ge [sflag:s9], $0x1800  }
0x60: {  	[sflag:s9] =	ssyncset.done $0x0  }
0x61: {  	s30 =	rddreg [dreg:$0x1a];
	[sflag:s9] =	ssyncadd.s32 $0xFFFFE800  }
0x62: {  	[spmem:s30] =	stream.linear.scatter [tilespmem:s10], [sflag:$0x2], $0x1800, $0x38;
	[tilespmem:$0x1D060] =	vst v63  }
0x63: {  	_ =	swait.ge [sflag:s9], $0x1800  }
0x64: {  	[sflag:s9] =	ssyncset.done $0x0  }
0x65: {  	s31 =	rddreg [dreg:$0x1b];
	[sflag:s9] =	ssyncadd.s32 $0xFFFFE800  }
0x66: {  	[spmem:s31] =	stream.linear.scatter [tilespmem:s10], [sflag:$0x2], $0x1800, $0x38;
	[tilespmem:$0x1D060] =	vst v63  }
0x67: {  	_ =	swait.ge [sflag:s9], $0x1800  }
0x68: {  	[sflag:s9] =	ssyncset.done $0x0  }
0x69: {  	[sflag:s9] =	ssyncadd.s32 $0xFFFFE800  }
0x6a: {  	[spmem:s4] =	stream.linear.scatter [tilespmem:s10], [sflag:$0x2], $0x1800, $0x38;
	[tilespmem:$0x1D060] =	vst v63  }
0x6b: {  	_ =	swait.ge [sflag:s9], $0x1800  }
0x6c: {  	[sflag:s9] =	ssyncset.done $0x0  }
0x6d: {  	s14 =	simm.s32 @!p0 $0x7FE0;
	[sflag:s9] =	ssyncadd.s32 $0xFFFFE800  }
0x6e: {  	[spmem:s8] =	stream.linear.scatter @!p0 [tilespmem:s14], [sflag:$0x2], $0x800, $0x38;
	[tilespmem:$0x1D060] =	vst v63  }
0x6f: {  	s14 =	simm.s32 @!p0 $0x2  }
0x70: {  	_ =	swait.ge @!p0 [sflag:s14], $0x800  }
0x71: {  	[sflag:s14] =	ssyncset.done @!p0 $0x0  }
0x72: {  	[sflag:s14] =	ssyncadd.s32 @!p0 $0xFFFFF800  }
0x73: {  	[bflag:$0x0] =	sbarrier.arrive $0xFFFF  }
0x74: {  	s28 =	simm.s32 $0x0;
	s26 =	simm.s32 $0x0;
	v8 =	vld [tilespmem:$0x0]  }
.LBB2_4:
0x75: {  	s14 =	smul.u32 $0x28, s28;
	_ =	sdelay $0x1  }
0x76: {  	s14 =	sadd.s32 s5, s14  }
0x77: {  	s14 =	sshrl.u32 s14, $0x3  }
0x78: {  	s29 =	sadd.s32 s22, s14  }
0x79: {  	[tilespmem:s11], [sflag:$0x2] =	stream.linear.gather [hbm4b:s29+s26], $0x28, $0x38;
	[tilespmem:$0x1D060] =	vst v63  }
0x7a: {  	_ =	swait.ge [sflag:s9], $0x28  }
0x7b: {  	[sflag:s9] =	ssyncset.done $0x0  }
0x7c: {  	s14 =	sadd.s32 s13, s14;
	[sflag:s9] =	ssyncadd.s32 $0xFFFFFFD8  }
0x7d: {  	[tilespmem:s12], [sflag:$0x2] =	stream.linear.gather [hbm4b:s14+s26], $0x28, $0x38;
	[tilespmem:$0x1D060] =	vst v63  }
0x7e: {  	_ =	swait.ge [sflag:s9], $0x28  }
0x7f: {  	[sflag:s9] =	ssyncset.done $0x0  }
0x80: {  	[sflag:s9] =	ssyncadd.s32 $0xFFFFFFD8  }
0x81: {  	[tilespmem:s17], [sflag:$0x1] =	stream.indirect.gather [hbm4b:s18+s15], $0x10, s11, s15, $0xb8;
	[tilespmem:$0x1D060] =	vst v63  }
0x82: {  	_ =	swait.ge [sflag:s19], $0x280  }
0x83: {  	[sflag:s19] =	ssyncset.done $0x0  }
0x84: {  	[sflag:s19] =	ssyncadd.s32 $0xFFFFFD80  }
0x85: {  	[tilespmem:s6], [sflag:$0x1] =	stream.indirect.gather [hbm4b:s18+s15], $0x10, s12, s15, $0xb8;
	[tilespmem:$0x1D060] =	vst v63  }
0x86: {  	_ =	swait.ge [sflag:s19], $0x280  }
0x87: {  	[sflag:s19] =	ssyncset.done $0x0  }
0x88: {  	[sflag:s19] =	ssyncadd.s32 $0xFFFFFD80  }
0x89: {  	[tilespmem:s7], [sflag:$0x1] =	stream.indirect.gather [hbm4b:s20+s15], $0x10, s12, s15, $0xb8;
	[tilespmem:$0x1D060] =	vst v63  }
0x8a: {  	_ =	swait.ge [sflag:s19], $0x280  }
0x8b: {  	[sflag:s19] =	ssyncset.done $0x0  }
0x8c: {  	[sflag:s19] =	ssyncadd.s32 $0xFFFFFD80  }
0x8d: {  	[tilespmem:s23], [sflag:$0x1] =	stream.indirect.gather [hbm4b:s21+s15], $0x280, s11, s15, $0xb8;
	[tilespmem:$0x1D060] =	vst v63  }
0x8e: {  	_ =	swait.ge [sflag:s19], $0x6400  }
0x8f: {  	[sflag:s19] =	ssyncset.done $0x0  }
0x90: {  	s0 =	simm.s32 $0x0;
	[sflag:s19] =	ssyncadd.s32 $0xFFFF9C00  }
0x91: {  	v9 =	vld [tilespmem:s0+$0x2E0];
	_ =	sdelay $0x1  }
0x92: {  	v10 =	vld [tilespmem:s0+$0x60];
	_ =	sdelay $0x2  }
0x93: {  	v9 =	vperm.xlane v9, v1;
	_ =	sdelay $0x1  }
0x94: {  	v9 =	vadd.f32 v9, v10;
	_ =	sdelay $0x1  }
0x95: {  	v10 =	vmul.f32 $2.000000030e-01, v9  }
0x96: {  	vm0 =	vge.f32 v9, $0.0e+00  }
0x97: {  	v9 =	vsel vm0, v9, v10;
	v10 =	vld [tilespmem:s0+$0x560]  }
0x98: {  	v9 =	vsub.f32 v9, v8;
	_ =	sdelay $0x1  }
0x99: {  	v9 =	vmul.f32 $1.442695020e+00, v9;
	_ =	sdelay $0x1  }
0x9a: {  	v10 =	vadd.f32 $1.000000020e-16, v10;
	(erf) = vpow2.f32 v9;
	_ =	sdelay $0x1  }
0x9b: {  	(erf) = vrcp.f32 v10;
	_ =	sdelay $0x6  }
0x9c: {  	v9 =	vpop (erf)  }
0x9d: {  	v9 =	vmul.f32 v2, v9  }
0x9e: {  	s29 =	simm.s32 $0x920;
	v10 =	vpop (erf)  }
0x9f: {  	v12 =	vld [tilespmem:s29+$0xFFFFFF40];
	v9 =	vmul.f32 v9, v10  }
0xa0: {  	v13 =	vld [tilespmem:s29+$0xFFFFFEC0]  }
0xa1: {  	v9 =	vmul.f32 $2.000000030e-01, v9  }
0xa2: {  	v14 =	vld [tilespmem:s29+$0xFFFFFFC0]  }
0xa3: {  	v18 =	vperm.xlane v9, v3;
	v10 =	vperm.xlane v9, v4  }
0xa4: {  	v15 =	vld [tilespmem:s29+$0x40];
	v11 =	vperm.xlane v9, v5  }
0xa5: {  	v13 =	vmul.f32 v13, v18;
	v16 =	vmul.f32 v12, v10  }
0xa6: {  	v17 =	vld [tilespmem:s29+$0xC0]  }
0xa7: {  	v12 =	vperm.xlane v9, v6;
	v14 =	vmul.f32 v14, v11;
	v13 =	vadd.f32 v16, v13;
	_ =	sdelay $0x1  }
0xa8: {  	v9 =	vperm.xlane v9, v7;
	v15 =	vmul.f32 v15, v12;
	v13 =	vadd.f32 v14, v13;
	_ =	sdelay $0x1  }
0xa9: {  	v14 =	vmul.f32 v17, v9;
	v13 =	vadd.f32 v15, v13;
	_ =	sdelay $0x1  }
0xaa: {  	v13 =	vadd.f32 v14, v13  }
0xab: {  	s30 =	simm.s32 $0x6C20  }
0xac: {  	[tilespmem:s30+$0xFFFFFFC0] =	vst v13  }
0xad: {  	v13 =	vld [tilespmem:s29+$0xFFFFFED0]  }
0xae: {  	v14 =	vld [tilespmem:s29+$0xFFFFFF50];
	_ =	sdelay $0x1  }
0xaf: {  	v15 =	vld [tilespmem:s29+$0xFFFFFFD0];
	_ =	sdelay $0x1  }
0xb0: {  	v16 =	vld [tilespmem:s29+$0x50]  }
0xb1: {  	v13 =	vmul.f32 v13, v18;
	v14 =	vmul.f32 v14, v10  }
0xb2: {  	v17 =	vld [tilespmem:s29+$0xD0]  }
0xb3: {  	v13 =	vadd.f32 v14, v13;
	v14 =	vmul.f32 v15, v11;
	_ =	sdelay $0x1  }
0xb4: {  	v13 =	vadd.f32 v14, v13;
	v14 =	vmul.f32 v16, v12;
	_ =	sdelay $0x1  }
0xb5: {  	v13 =	vadd.f32 v14, v13;
	v14 =	vmul.f32 v17, v9;
	_ =	sdelay $0x1  }
0xb6: {  	v13 =	vadd.f32 v14, v13;
	_ =	sdelay $0x1  }
0xb7: {  	[tilespmem:s30+$0xFFFFFFD0] =	vst v13  }
0xb8: {  	v13 =	vld [tilespmem:s29+$0xFFFFFEE0]  }
0xb9: {  	v14 =	vld [tilespmem:s29+$0xFFFFFF60];
	_ =	sdelay $0x1  }
0xba: {  	v15 =	vld [tilespmem:s29+$0xFFFFFFE0];
	_ =	sdelay $0x1  }
0xbb: {  	v16 =	vld [tilespmem:s29+$0x60]  }
0xbc: {  	v13 =	vmul.f32 v13, v18;
	v14 =	vmul.f32 v14, v10  }
0xbd: {  	v17 =	vld [tilespmem:s29+$0xE0]  }
0xbe: {  	v15 =	vmul.f32 v15, v11;
	v13 =	vadd.f32 v14, v13;
	_ =	sdelay $0x1  }
0xbf: {  	v14 =	vmul.f32 v16, v12;
	v13 =	vadd.f32 v15, v13;
	_ =	sdelay $0x1  }
0xc0: {  	v13 =	vadd.f32 v14, v13;
	v14 =	vmul.f32 v17, v9;
	_ =	sdelay $0x1  }
0xc1: {  	v13 =	vadd.f32 v14, v13;
	_ =	sdelay $0x1  }
0xc2: {  	[tilespmem:s30+$0xFFFFFFE0] =	vst v13  }
0xc3: {  	v13 =	vld [tilespmem:s29+$0xFFFFFEF0]  }
0xc4: {  	v14 =	vld [tilespmem:s29+$0xFFFFFF70];
	_ =	sdelay $0x1  }
0xc5: {  	v15 =	vld [tilespmem:s29+$0xFFFFFFF0];
	_ =	sdelay $0x1  }
0xc6: {  	v16 =	vld [tilespmem:s29+$0x70]  }
0xc7: {  	v13 =	vmul.f32 v13, v18;
	v14 =	vmul.f32 v14, v10  }
0xc8: {  	v17 =	vld [tilespmem:s29+$0xF0]  }
0xc9: {  	v13 =	vadd.f32 v14, v13;
	v14 =	vmul.f32 v15, v11;
	_ =	sdelay $0x1  }
0xca: {  	v13 =	vadd.f32 v14, v13;
	v14 =	vmul.f32 v16, v12;
	_ =	sdelay $0x1  }
0xcb: {  	v13 =	vadd.f32 v14, v13;
	v14 =	vmul.f32 v17, v9;
	_ =	sdelay $0x1  }
0xcc: {  	v13 =	vadd.f32 v14, v13;
	_ =	sdelay $0x1  }
0xcd: {  	[tilespmem:s30+$0xFFFFFFF0] =	vst v13  }
0xce: {  	v13 =	vld [tilespmem:s29+$0xFFFFFF00]  }
0xcf: {  	v14 =	vld [tilespmem:s29+$0xFFFFFF80];
	_ =	sdelay $0x1  }
0xd0: {  	v15 =	vld [tilespmem:s29+$0x0];
	_ =	sdelay $0x1  }
0xd1: {  	v16 =	vld [tilespmem:s29+$0x80]  }
0xd2: {  	v13 =	vmul.f32 v13, v18;
	v14 =	vmul.f32 v14, v10  }
0xd3: {  	v17 =	vld [tilespmem:s29+$0x100]  }
0xd4: {  	v13 =	vadd.f32 v14, v13;
	v14 =	vmul.f32 v15, v11;
	_ =	sdelay $0x1  }
0xd5: {  	v13 =	vadd.f32 v14, v13;
	v14 =	vmul.f32 v16, v12;
	_ =	sdelay $0x1  }
0xd6: {  	v13 =	vadd.f32 v14, v13;
	v14 =	vmul.f32 v17, v9;
	_ =	sdelay $0x1  }
0xd7: {  	v13 =	vadd.f32 v14, v13;
	_ =	sdelay $0x1  }
0xd8: {  	[tilespmem:s30+$0x0] =	vst v13  }
0xd9: {  	v13 =	vld [tilespmem:s29+$0xFFFFFF10]  }
0xda: {  	v14 =	vld [tilespmem:s29+$0xFFFFFF90];
	_ =	sdelay $0x1  }
0xdb: {  	v15 =	vld [tilespmem:s29+$0x10];
	_ =	sdelay $0x1  }
0xdc: {  	v16 =	vld [tilespmem:s29+$0x90]  }
0xdd: {  	v13 =	vmul.f32 v13, v18;
	v14 =	vmul.f32 v14, v10  }
0xde: {  	v17 =	vld [tilespmem:s29+$0x110]  }
0xdf: {  	v15 =	vmul.f32 v15, v11;
	v13 =	vadd.f32 v14, v13;
	_ =	sdelay $0x1  }
0xe0: {  	v14 =	vmul.f32 v16, v12;
	v13 =	vadd.f32 v15, v13;
	_ =	sdelay $0x1  }
0xe1: {  	v15 =	vmul.f32 v17, v9;
	v13 =	vadd.f32 v14, v13;
	_ =	sdelay $0x1  }
0xe2: {  	v13 =	vadd.f32 v15, v13;
	_ =	sdelay $0x1  }
0xe3: {  	[tilespmem:s30+$0x10] =	vst v13  }
0xe4: {  	v13 =	vld [tilespmem:s29+$0xFFFFFF20]  }
0xe5: {  	v14 =	vld [tilespmem:s29+$0xFFFFFFA0];
	_ =	sdelay $0x1  }
0xe6: {  	v15 =	vld [tilespmem:s29+$0x20];
	_ =	sdelay $0x1  }
0xe7: {  	v16 =	vld [tilespmem:s29+$0xA0]  }
0xe8: {  	v13 =	vmul.f32 v13, v18;
	v14 =	vmul.f32 v14, v10  }
0xe9: {  	v17 =	vld [tilespmem:s29+$0x120]  }
0xea: {  	v15 =	vmul.f32 v15, v11;
	v13 =	vadd.f32 v14, v13;
	_ =	sdelay $0x1  }
0xeb: {  	v14 =	vmul.f32 v16, v12;
	v13 =	vadd.f32 v15, v13;
	_ =	sdelay $0x1  }
0xec: {  	v15 =	vmul.f32 v17, v9;
	v13 =	vadd.f32 v14, v13;
	_ =	sdelay $0x1  }
0xed: {  	v13 =	vadd.f32 v15, v13;
	_ =	sdelay $0x1  }
0xee: {  	[tilespmem:s30+$0x20] =	vst v13  }
0xef: {  	v13 =	vld [tilespmem:s29+$0xFFFFFF30]  }
0xf0: {  	v17 =	vld [tilespmem:s29+$0xFFFFFFB0]  }
0xf1: {  	v16 =	vld [tilespmem:s29+$0x30]  }
0xf2: {  	v14 =	vld [tilespmem:s29+$0xB0]  }
0xf3: {  	v15 =	vld [tilespmem:s29+$0x130]  }
0xf4: {  	s31 =	simm.s32 $0x6C20;
	s14 =	simm.s32 $0x40;
	v13 =	vmul.f32 v13, v18  }
.LBB2_5:
0xf5: {  	p1 =	sne.s32 s14, $0x9C0;
	v10 =	vmul.f32 v17, v10;
	s30 =	sadd.s32 $0x80, s30;
	s29 =	sadd.s32 $0x280, s29  }
0xf6: {  	s0 =	smov.u32 s14;
	s14 =	sadd.s32 $0x40, s14;
	v11 =	vmul.f32 v16, v11  }
0xf7: {  	v10 =	vadd.f32 v10, v13;
	v12 =	vmul.f32 v14, v12  }
0xf8: {  	v9 =	vmul.f32 v15, v9  }
0xf9: {  	v10 =	vadd.f32 v11, v10;
	_ =	sdelay $0x1  }
0xfa: {  	v10 =	vadd.f32 v12, v10  }
0xfb: {  	s0 =	sshra.s32 s0, $0x2  }
0xfc: {  	v9 =	vadd.f32 v9, v10;
	_ =	sdelay $0x1  }
0xfd: {  	[tilespmem:s31+$0x30] =	vst v9;
	s31 =	smov.u32 s30  }
0xfe: {  	v9 =	vld [tilespmem:s0+$0x2E0]  }
0xff: {  	v10 =	vld [tilespmem:s0+$0x60];
	_ =	sdelay $0x3  }
0x100: {  	v9 =	vperm.xlane v9, v1;
	_ =	sdelay $0x1  }
0x101: {  	v9 =	vadd.f32 v9, v10;
	_ =	sdelay $0x1  }
0x102: {  	vm0 =	vge.f32 v9, $0.0e+00;
	v10 =	vmul.f32 $2.000000030e-01, v9;
	_ =	sdelay $0x1  }
0x103: {  	v9 =	vsel vm0, v9, v10;
	v10 =	vld [tilespmem:s0+$0x560]  }
0x104: {  	v9 =	vsub.f32 v9, v8;
	_ =	sdelay $0x1  }
0x105: {  	v9 =	vmul.f32 $1.442695020e+00, v9;
	_ =	sdelay $0x1  }
0x106: {  	v10 =	vadd.f32 $1.000000020e-16, v10;
	(erf) = vpow2.f32 v9;
	_ =	sdelay $0x1  }
0x107: {  	(erf) = vrcp.f32 v10;
	_ =	sdelay $0x6  }
0x108: {  	v9 =	vpop (erf)  }
0x109: {  	v9 =	vmul.f32 v2, v9  }
0x10a: {  	v10 =	vpop (erf)  }
0x10b: {  	v9 =	vmul.f32 v9, v10;
	v12 =	vld [tilespmem:s29+$0xFFFFFF40]  }
0x10c: {  	v14 =	vld [tilespmem:s29+$0xFFFFFEC0]  }
0x10d: {  	v15 =	vmul.f32 $2.000000030e-01, v9  }
0x10e: {  	v16 =	vld [tilespmem:s29+$0xFFFFFFC0]  }
0x10f: {  	v13 =	vperm.xlane v15, v3;
	v10 =	vperm.xlane v15, v4;
	v17 =	vld [tilespmem:s29+$0x40]  }
0x110: {  	v11 =	vperm.xlane v15, v5;
	v9 =	vperm.xlane v15, v7  }
0x111: {  	v14 =	vmul.f32 v14, v13;
	v18 =	vmul.f32 v12, v10  }
0x112: {  	v12 =	vperm.xlane v15, v6;
	v15 =	vld [tilespmem:s29+$0xC0]  }
0x113: {  	v14 =	vadd.f32 v18, v14;
	v16 =	vmul.f32 v16, v11  }
0x114: {  	v17 =	vmul.f32 v17, v12  }
0x115: {  	v14 =	vadd.f32 v16, v14;
	_ =	sdelay $0x1  }
0x116: {  	v14 =	vadd.f32 v17, v14;
	v15 =	vmul.f32 v15, v9;
	_ =	sdelay $0x1  }
0x117: {  	v14 =	vadd.f32 v15, v14;
	_ =	sdelay $0x1  }
0x118: {  	[tilespmem:s30+$0xFFFFFFC0] =	vst v14  }
0x119: {  	v14 =	vld [tilespmem:s29+$0xFFFFFED0]  }
0x11a: {  	v15 =	vld [tilespmem:s29+$0xFFFFFF50];
	_ =	sdelay $0x1  }
0x11b: {  	v16 =	vld [tilespmem:s29+$0xFFFFFFD0];
	_ =	sdelay $0x1  }
0x11c: {  	v14 =	vmul.f32 v14, v13;
	v17 =	vld [tilespmem:s29+$0x50]  }
0x11d: {  	v15 =	vmul.f32 v15, v10  }
0x11e: {  	v18 =	vld [tilespmem:s29+$0xD0]  }
0x11f: {  	v14 =	vadd.f32 v15, v14;
	v15 =	vmul.f32 v16, v11;
	_ =	sdelay $0x1  }
0x120: {  	v14 =	vadd.f32 v15, v14;
	v15 =	vmul.f32 v17, v12;
	_ =	sdelay $0x1  }
0x121: {  	v14 =	vadd.f32 v15, v14;
	v15 =	vmul.f32 v18, v9;
	_ =	sdelay $0x1  }
0x122: {  	v14 =	vadd.f32 v15, v14;
	_ =	sdelay $0x1  }
0x123: {  	[tilespmem:s30+$0xFFFFFFD0] =	vst v14  }
0x124: {  	v14 =	vld [tilespmem:s29+$0xFFFFFEE0]  }
0x125: {  	v15 =	vld [tilespmem:s29+$0xFFFFFF60]  }
0x126: {  	v16 =	vld [tilespmem:s29+$0xFFFFFFE0];
	_ =	sdelay $0x2  }
0x127: {  	v14 =	vmul.f32 v14, v13;
	v17 =	vld [tilespmem:s29+$0x60]  }
0x128: {  	v15 =	vmul.f32 v15, v10  }
0x129: {  	v16 =	vmul.f32 v16, v11;
	v18 =	vld [tilespmem:s29+$0xE0]  }
0x12a: {  	v14 =	vadd.f32 v15, v14;
	_ =	sdelay $0x1  }
0x12b: {  	v14 =	vadd.f32 v16, v14;
	v15 =	vmul.f32 v17, v12;
	_ =	sdelay $0x1  }
0x12c: {  	v14 =	vadd.f32 v15, v14;
	v15 =	vmul.f32 v18, v9;
	_ =	sdelay $0x1  }
0x12d: {  	v14 =	vadd.f32 v15, v14;
	_ =	sdelay $0x1  }
0x12e: {  	[tilespmem:s30+$0xFFFFFFE0] =	vst v14  }
0x12f: {  	v14 =	vld [tilespmem:s29+$0xFFFFFEF0]  }
0x130: {  	v15 =	vld [tilespmem:s29+$0xFFFFFF70];
	_ =	sdelay $0x1  }
0x131: {  	v16 =	vld [tilespmem:s29+$0xFFFFFFF0];
	_ =	sdelay $0x1  }
0x132: {  	v14 =	vmul.f32 v14, v13;
	v17 =	vld [tilespmem:s29+$0x70]  }
0x133: {  	v15 =	vmul.f32 v15, v10  }
0x134: {  	v18 =	vld [tilespmem:s29+$0xF0]  }
0x135: {  	v14 =	vadd.f32 v15, v14;
	v15 =	vmul.f32 v16, v11;
	_ =	sdelay $0x1  }
0x136: {  	v14 =	vadd.f32 v15, v14;
	v15 =	vmul.f32 v17, v12;
	_ =	sdelay $0x1  }
0x137: {  	v14 =	vadd.f32 v15, v14;
	v15 =	vmul.f32 v18, v9;
	_ =	sdelay $0x1  }
0x138: {  	v14 =	vadd.f32 v15, v14;
	_ =	sdelay $0x1  }
0x139: {  	[tilespmem:s30+$0xFFFFFFF0] =	vst v14  }
0x13a: {  	v14 =	vld [tilespmem:s29+$0xFFFFFF00]  }
0x13b: {  	v15 =	vld [tilespmem:s29+$0xFFFFFF80];
	_ =	sdelay $0x1  }
0x13c: {  	v16 =	vld [tilespmem:s29+$0x0];
	_ =	sdelay $0x1  }
0x13d: {  	v14 =	vmul.f32 v14, v13;
	v17 =	vld [tilespmem:s29+$0x80]  }
0x13e: {  	v15 =	vmul.f32 v15, v10  }
0x13f: {  	v18 =	vld [tilespmem:s29+$0x100]  }
0x140: {  	v14 =	vadd.f32 v15, v14;
	v15 =	vmul.f32 v16, v11;
	_ =	sdelay $0x1  }
0x141: {  	v14 =	vadd.f32 v15, v14;
	v15 =	vmul.f32 v17, v12;
	_ =	sdelay $0x1  }
0x142: {  	v14 =	vadd.f32 v15, v14;
	v15 =	vmul.f32 v18, v9;
	_ =	sdelay $0x1  }
0x143: {  	v14 =	vadd.f32 v15, v14;
	_ =	sdelay $0x1  }
0x144: {  	[tilespmem:s30+$0x0] =	vst v14  }
0x145: {  	v14 =	vld [tilespmem:s29+$0xFFFFFF10]  }
0x146: {  	v15 =	vld [tilespmem:s29+$0xFFFFFF90]  }
0x147: {  	v16 =	vld [tilespmem:s29+$0x10]  }
0x148: {  	v17 =	vld [tilespmem:s29+$0x90]  }
0x149: {  	v18 =	vld [tilespmem:s29+$0x110]  }
0x14a: {  	v14 =	vmul.f32 v14, v13  }
0x14b: {  	v15 =	vmul.f32 v15, v10  }
0x14c: {  	v16 =	vmul.f32 v16, v11  }
0x14d: {  	v14 =	vadd.f32 v15, v14;
	v15 =	vmul.f32 v17, v12  }
0x14e: {  	v17 =	vmul.f32 v18, v9  }
0x14f: {  	v14 =	vadd.f32 v16, v14;
	_ =	sdelay $0x1  }
0x150: {  	v14 =	vadd.f32 v15, v14;
	_ =	sdelay $0x1  }
0x151: {  	v14 =	vadd.f32 v17, v14;
	_ =	sdelay $0x1  }
0x152: {  	[tilespmem:s30+$0x10] =	vst v14  }
0x153: {  	v14 =	vld [tilespmem:s29+$0xFFFFFF20]  }
0x154: {  	v15 =	vld [tilespmem:s29+$0xFFFFFFA0]  }
0x155: {  	v16 =	vld [tilespmem:s29+$0x20]  }
0x156: {  	v17 =	vld [tilespmem:s29+$0xA0]  }
0x157: {  	v18 =	vld [tilespmem:s29+$0x120]  }
0x158: {  	v14 =	vmul.f32 v14, v13  }
0x159: {  	v15 =	vmul.f32 v15, v10  }
0x15a: {  	v16 =	vmul.f32 v16, v11  }
0x15b: {  	v14 =	vadd.f32 v15, v14;
	v15 =	vmul.f32 v17, v12  }
0x15c: {  	v17 =	vmul.f32 v18, v9  }
0x15d: {  	v14 =	vadd.f32 v16, v14;
	_ =	sdelay $0x1  }
0x15e: {  	v14 =	vadd.f32 v15, v14;
	_ =	sdelay $0x1  }
0x15f: {  	v14 =	vadd.f32 v17, v14;
	_ =	sdelay $0x1  }
0x160: {  	[tilespmem:s30+$0x20] =	vst v14  }
0x161: {  	v18 =	vld [tilespmem:s29+$0xFFFFFF30]  }
.Ltmp1:
0x162: {  	v17 =	vld [tilespmem:s29+$0xFFFFFFB0];
	(pc) =	sbr.rel @p1 .LBB2_5-.Ltmp1, $4  }
0x163: {  	v16 =	vld [tilespmem:s29+$0x30]  }
0x164: {  	v14 =	vld [tilespmem:s29+$0xB0]  }
0x165: {  	v15 =	vld [tilespmem:s29+$0x130]  }
0x166: {  	v13 =	vmul.f32 v18, v13  }
0x167: {  	v10 =	vmul.f32 v17, v10;
	_ =	sdelay $0x1  }
0x168: {  	v11 =	vmul.f32 v16, v11;
	v10 =	vadd.f32 v10, v13;
	_ =	sdelay $0x1  }
0x169: {  	v12 =	vmul.f32 v14, v12;
	v10 =	vadd.f32 v11, v10;
	_ =	sdelay $0x1  }
0x16a: {  	v9 =	vmul.f32 v15, v9;
	v10 =	vadd.f32 v12, v10;
	_ =	sdelay $0x1  }
0x16b: {  	s28 =	sadd.s32 $0x1, s28;
	v9 =	vadd.f32 v9, v10  }
0x16c: {  	p1 =	sne.s32 s28, $0xFA  }
.Ltmp2:
0x16d: {  	[tilespmem:s31+$0x30] =	vst v9;
	(pc) =	sbr.rel @p1 .LBB2_4-.Ltmp2, $4  }
0x16e: {  	[spmem:s16] =	stream.indirect.scatter.add.f32 [tilespmem:s24], [sflag:$0x2], $0x80, s12, s15, $0xb8;
	[tilespmem:$0x1D060] =	vst v63  }
0x16f: {  	_ =	swait.ge [sflag:s9], $0x1400  }
0x170: {  	[sflag:s9] =	ssyncset.done $0x0  }
0x171: {  	[sflag:s9] =	ssyncadd.s32 $0xFFFFEC00  }
0x172: {  	[bflag:$0x0] =	sbarrier.arrive $0xFFFF  }
0x173: {  	[tilespmem:s10], [sflag:$0x2] =	stream.linear.gather [spmem:s2], $0x1800, $0x38;
	[tilespmem:$0x1D060] =	vst v63  }
0x174: {  	_ =	swait.ge [sflag:s9], $0x1800  }
0x175: {  	[sflag:s9] =	ssyncset.done $0x0  }
0x176: {  	s0 =	rddreg [dreg:$0x4];
	[sflag:s9] =	ssyncadd.s32 $0xFFFFE800  }
0x177: {  	[hbm4b:s0+s1] =	stream.linear.scatter [tilespmem:s10], [sflag:$0x2], $0x1800, $0x38;
	[tilespmem:$0x1D060] =	vst v63  }
0x178: {  	_ =	swait.ge [sflag:s9], $0x1800  }
0x179: {  	[sflag:s9] =	ssyncset.done $0x0  }
0x17a: {  	[sflag:s9] =	ssyncadd.s32 $0xFFFFE800  }
0x17b: {  	[tilespmem:s10], [sflag:$0x2] =	stream.linear.gather [spmem:s3], $0x1800, $0x38;
	[tilespmem:$0x1D060] =	vst v63  }
0x17c: {  	_ =	swait.ge [sflag:s9], $0x1800  }
0x17d: {  	[sflag:s9] =	ssyncset.done $0x0  }
0x17e: {  	s31 =	smov.u32 s3;
	s3 =	rddreg [dreg:$0x5];
	[sflag:s9] =	ssyncadd.s32 $0xFFFFE800  }
0x17f: {  	[hbm4b:s3+s1] =	stream.linear.scatter [tilespmem:s10], [sflag:$0x2], $0x1800, $0x38;
	[tilespmem:$0x1D060] =	vst v63  }
0x180: {  	_ =	swait.ge [sflag:s9], $0x1800  }
0x181: {  	[sflag:s9] =	ssyncset.done $0x0  }
0x182: {  	s14 =	rddreg [dreg:$0x12];
	[sflag:s9] =	ssyncadd.s32 $0xFFFFE800  }
0x183: {  	[tilespmem:s10], [sflag:$0x2] =	stream.linear.gather [spmem:s14], $0x1800, $0x38;
	[tilespmem:$0x1D060] =	vst v63  }
0x184: {  	_ =	swait.ge [sflag:s9], $0x1800  }
0x185: {  	[sflag:s9] =	ssyncset.done $0x0  }
0x186: {  	s26 =	rddreg [dreg:$0x6];
	[sflag:s9] =	ssyncadd.s32 $0xFFFFE800  }
0x187: {  	[hbm4b:s26+s1] =	stream.linear.scatter [tilespmem:s10], [sflag:$0x2], $0x1800, $0x38;
	[tilespmem:$0x1D060] =	vst v63  }
0x188: {  	_ =	swait.ge [sflag:s9], $0x1800  }
0x189: {  	[sflag:s9] =	ssyncset.done $0x0  }
0x18a: {  	s28 =	rddreg [dreg:$0x13];
	[sflag:s9] =	ssyncadd.s32 $0xFFFFE800  }
0x18b: {  	[tilespmem:s10], [sflag:$0x2] =	stream.linear.gather [spmem:s28], $0x1800, $0x38;
	[tilespmem:$0x1D060] =	vst v63  }
0x18c: {  	_ =	swait.ge [sflag:s9], $0x1800  }
0x18d: {  	[sflag:s9] =	ssyncset.done $0x0  }
0x18e: {  	s29 =	rddreg [dreg:$0x7];
	[sflag:s9] =	ssyncadd.s32 $0xFFFFE800  }
0x18f: {  	[hbm4b:s29+s1] =	stream.linear.scatter [tilespmem:s10], [sflag:$0x2], $0x1800, $0x38;
	[tilespmem:$0x1D060] =	vst v63  }
0x190: {  	_ =	swait.ge [sflag:s9], $0x1800  }
0x191: {  	[sflag:s9] =	ssyncset.done $0x0  }
0x192: {  	s30 =	smov.u32 s2;
	s2 =	rddreg [dreg:$0x14];
	[sflag:s9] =	ssyncadd.s32 $0xFFFFE800  }
0x193: {  	[tilespmem:s10], [sflag:$0x2] =	stream.linear.gather [spmem:s2], $0x1800, $0x38;
	[tilespmem:$0x1D060] =	vst v63  }
0x194: {  	_ =	swait.ge [sflag:s9], $0x1800  }
0x195: {  	[sflag:s9] =	ssyncset.done $0x0  }
0x196: {  	s3 =	rddreg [dreg:$0x8];
	[sflag:s9] =	ssyncadd.s32 $0xFFFFE800  }
0x197: {  	[hbm4b:s3+s1] =	stream.linear.scatter [tilespmem:s10], [sflag:$0x2], $0x1800, $0x38;
	[tilespmem:$0x1D060] =	vst v63  }
0x198: {  	_ =	swait.ge [sflag:s9], $0x1800  }
0x199: {  	[sflag:s9] =	ssyncset.done $0x0  }
0x19a: {  	s14 =	rddreg [dreg:$0x15];
	[sflag:s9] =	ssyncadd.s32 $0xFFFFE800  }
0x19b: {  	[tilespmem:s10], [sflag:$0x2] =	stream.linear.gather [spmem:s14], $0x1800, $0x38;
	[tilespmem:$0x1D060] =	vst v63  }
0x19c: {  	_ =	swait.ge [sflag:s9], $0x1800  }
0x19d: {  	[sflag:s9] =	ssyncset.done $0x0  }
0x19e: {  	s26 =	rddreg [dreg:$0x9];
	[sflag:s9] =	ssyncadd.s32 $0xFFFFE800  }
0x19f: {  	[hbm4b:s26+s1] =	stream.linear.scatter [tilespmem:s10], [sflag:$0x2], $0x1800, $0x38;
	[tilespmem:$0x1D060] =	vst v63  }
0x1a0: {  	_ =	swait.ge [sflag:s9], $0x1800  }
0x1a1: {  	[sflag:s9] =	ssyncset.done $0x0  }
0x1a2: {  	s28 =	rddreg [dreg:$0x16];
	[sflag:s9] =	ssyncadd.s32 $0xFFFFE800  }
0x1a3: {  	[tilespmem:s10], [sflag:$0x2] =	stream.linear.gather [spmem:s28], $0x1800, $0x38;
	[tilespmem:$0x1D060] =	vst v63  }
0x1a4: {  	_ =	swait.ge [sflag:s9], $0x1800  }
0x1a5: {  	[sflag:s9] =	ssyncset.done $0x0  }
0x1a6: {  	s29 =	rddreg [dreg:$0xa];
	[sflag:s9] =	ssyncadd.s32 $0xFFFFE800  }
0x1a7: {  	[hbm4b:s29+s1] =	stream.linear.scatter [tilespmem:s10], [sflag:$0x2], $0x1800, $0x38;
	[tilespmem:$0x1D060] =	vst v63  }
0x1a8: {  	_ =	swait.ge [sflag:s9], $0x1800  }
0x1a9: {  	[sflag:s9] =	ssyncset.done $0x0  }
0x1aa: {  	s2 =	rddreg [dreg:$0x17];
	[sflag:s9] =	ssyncadd.s32 $0xFFFFE800  }
0x1ab: {  	[tilespmem:s10], [sflag:$0x2] =	stream.linear.gather [spmem:s2], $0x1800, $0x38;
	[tilespmem:$0x1D060] =	vst v63  }
0x1ac: {  	_ =	swait.ge [sflag:s9], $0x1800  }
0x1ad: {  	[sflag:s9] =	ssyncset.done $0x0  }
0x1ae: {  	s3 =	rddreg [dreg:$0xb];
	[sflag:s9] =	ssyncadd.s32 $0xFFFFE800  }
0x1af: {  	[hbm4b:s3+s1] =	stream.linear.scatter [tilespmem:s10], [sflag:$0x2], $0x1800, $0x38;
	[tilespmem:$0x1D060] =	vst v63  }
0x1b0: {  	_ =	swait.ge [sflag:s9], $0x1800  }
0x1b1: {  	[sflag:s9] =	ssyncset.done $0x0  }
0x1b2: {  	s14 =	rddreg [dreg:$0x18];
	[sflag:s9] =	ssyncadd.s32 $0xFFFFE800  }
0x1b3: {  	[tilespmem:s10], [sflag:$0x2] =	stream.linear.gather [spmem:s14], $0x1800, $0x38;
	[tilespmem:$0x1D060] =	vst v63  }
0x1b4: {  	_ =	swait.ge [sflag:s9], $0x1800  }
0x1b5: {  	[sflag:s9] =	ssyncset.done $0x0  }
0x1b6: {  	s26 =	rddreg [dreg:$0xc];
	[sflag:s9] =	ssyncadd.s32 $0xFFFFE800  }
0x1b7: {  	[hbm4b:s26+s1] =	stream.linear.scatter [tilespmem:s10], [sflag:$0x2], $0x1800, $0x38;
	[tilespmem:$0x1D060] =	vst v63  }
0x1b8: {  	_ =	swait.ge [sflag:s9], $0x1800  }
0x1b9: {  	[sflag:s9] =	ssyncset.done $0x0  }
0x1ba: {  	s28 =	rddreg [dreg:$0x19];
	[sflag:s9] =	ssyncadd.s32 $0xFFFFE800  }
0x1bb: {  	[tilespmem:s10], [sflag:$0x2] =	stream.linear.gather [spmem:s28], $0x1800, $0x38;
	[tilespmem:$0x1D060] =	vst v63  }
0x1bc: {  	_ =	swait.ge [sflag:s9], $0x1800  }
0x1bd: {  	[sflag:s9] =	ssyncset.done $0x0  }
0x1be: {  	s29 =	rddreg [dreg:$0xd];
	[sflag:s9] =	ssyncadd.s32 $0xFFFFE800  }
0x1bf: {  	[hbm4b:s29+s1] =	stream.linear.scatter [tilespmem:s10], [sflag:$0x2], $0x1800, $0x38;
	[tilespmem:$0x1D060] =	vst v63  }
0x1c0: {  	_ =	swait.ge [sflag:s9], $0x1800  }
0x1c1: {  	[sflag:s9] =	ssyncset.done $0x0  }
0x1c2: {  	s2 =	rddreg [dreg:$0x1a];
	[sflag:s9] =	ssyncadd.s32 $0xFFFFE800  }
0x1c3: {  	[tilespmem:s10], [sflag:$0x2] =	stream.linear.gather [spmem:s2], $0x1800, $0x38;
	[tilespmem:$0x1D060] =	vst v63  }
0x1c4: {  	_ =	swait.ge [sflag:s9], $0x1800  }
0x1c5: {  	[sflag:s9] =	ssyncset.done $0x0  }
0x1c6: {  	s3 =	rddreg [dreg:$0xe];
	[sflag:s9] =	ssyncadd.s32 $0xFFFFE800  }
0x1c7: {  	[hbm4b:s3+s1] =	stream.linear.scatter [tilespmem:s10], [sflag:$0x2], $0x1800, $0x38;
	[tilespmem:$0x1D060] =	vst v63  }
0x1c8: {  	_ =	swait.ge [sflag:s9], $0x1800  }
0x1c9: {  	[sflag:s9] =	ssyncset.done $0x0  }
0x1ca: {  	s14 =	rddreg [dreg:$0x1b];
	[sflag:s9] =	ssyncadd.s32 $0xFFFFE800  }
0x1cb: {  	[tilespmem:s10], [sflag:$0x2] =	stream.linear.gather [spmem:s14], $0x1800, $0x38;
	[tilespmem:$0x1D060] =	vst v63  }
0x1cc: {  	_ =	swait.ge [sflag:s9], $0x1800  }
0x1cd: {  	[sflag:s9] =	ssyncset.done $0x0  }
0x1ce: {  	s26 =	rddreg [dreg:$0xf];
	[sflag:s9] =	ssyncadd.s32 $0xFFFFE800  }
0x1cf: {  	[hbm4b:s26+s1] =	stream.linear.scatter [tilespmem:s10], [sflag:$0x2], $0x1800, $0x38;
	[tilespmem:$0x1D060] =	vst v63  }
0x1d0: {  	_ =	swait.ge [sflag:s9], $0x1800  }
0x1d1: {  	[sflag:s9] =	ssyncset.done $0x0  }
0x1d2: {  	[sflag:s9] =	ssyncadd.s32 $0xFFFFE800  }
0x1d3: {  	[tilespmem:s10], [sflag:$0x2] =	stream.linear.gather [spmem:s4], $0x1800, $0x38;
	[tilespmem:$0x1D060] =	vst v63  }
0x1d4: {  	_ =	swait.ge [sflag:s9], $0x1800  }
0x1d5: {  	[sflag:s9] =	ssyncset.done $0x0  }
0x1d6: {  	s28 =	rddreg [dreg:$0x10];
	[sflag:s9] =	ssyncadd.s32 $0xFFFFE800  }
0x1d7: {  	[hbm4b:s28+s1] =	stream.linear.scatter [tilespmem:s10], [sflag:$0x2], $0x1800, $0x38;
	[tilespmem:$0x1D060] =	vst v63  }
0x1d8: {  	_ =	swait.ge [sflag:s9], $0x1800  }
0x1d9: {  	[sflag:s9] =	ssyncset.done $0x0  }
0x1da: {  	s0 =	simm.s32 @!p0 $0x7FE0;
	s14 =	simm.s32 @!p0 $0x2;
	[sflag:s9] =	ssyncadd.s32 $0xFFFFE800  }
0x1db: {  	[tilespmem:s0], [sflag:$0x2] =	stream.linear.gather @!p0 [spmem:s8], $0x800, $0x38;
	[tilespmem:$0x1D060] =	vst v63  }
0x1dc: {  	_ =	swait.ge @!p0 [sflag:s14], $0x800  }
0x1dd: {  	[sflag:s14] =	ssyncset.done @!p0 $0x0  }
0x1de: {  	s26 =	simm.s32 @!p0 $0x0;
	s2 =	rddreg [dreg:$0x1c];
	[sflag:s14] =	ssyncadd.s32 @!p0 $0xFFFFF800  }
0x1df: {  	[hbm4b:s2+s26] =	stream.linear.scatter @!p0 [tilespmem:s0], [sflag:$0x2], $0x800, $0x38;
	[tilespmem:$0x1D060] =	vst v63  }
0x1e0: {  	_ =	swait.ge @!p0 [sflag:s14], $0x800  }
0x1e1: {  	s25 =	sadd.s32 $0x1, s25;
	s29 =	rddreg [dreg:$0x1d]  }
0x1e2: {  	p1 =	sne.s32 s25, s29  }
.Ltmp3:
0x1e3: {  	_ = 	snop;
	(pc) =	sbr.rel @p1 .LBB2_1-.Ltmp3, $3  }
0x1e4: {  	_ =	sdelay $0x1  }
0x1e5: {  	[sflag:s14] =	ssyncset.done @!p0 $0x0  }
0x1e6: {  	[sflag:s14] =	ssyncadd.s32 @!p0 $0xFFFFF800  }
0x1e7: {  	_ =	sfence.sel $0x180000  }
0x1e8: {  	[bflag:$0x0] =	sbarrier.arrive $0xFFFF  }
0x1e9: {  	_ =	strace $0x9000004A  }
0x1ea: {  	s0 =	stileid.u32;
	[bflag:$0x2] =	sbarrier.arrive $0xFFFF  }
0x1eb: {  	p0 =	sne.s32 s0, $0x0;
	s0 =	rddreg [dreg:$0x3]  }
0x1ec: {  	s0 =	sadd.s32 @!p0 $0x100000, s0  }
0x1ed: {  	[sflag:s0] =	ssyncadd.tile.s32 @!p0 $0x1;
	_ =	shalt  }
.Lfunc_end2:
_tile_overlayer_lowered:
.L_overlay_start_2:
0x1ee: {  	(tag) =	ssettag $0x2  }
0x1ef: {  	s0 =	rddreg [dreg:$0x0];
	s2 =	stileid.u32  }
0x1f0: {  	s1 =	rddreg [dreg:$0x1];
	p0 =	sne.s32 s2, $0x0  }
0x1f1: {  	s3 =	rddreg [dreg:$0x2];
	[bflag:$0x3] =	sbarrier.arrive $0xFFFF;
	s2 =	simm.s32 @!p0 $0x1C02  }
0x1f2: {  	[timem:s3], [sflag:s2] =	dma.local @!p0 [hbm:s0], s1  }
0x1f3: {  	s0 =	simm.s32 @!p0 $0x2  }
0x1f4: {  	_ =	swait.ge @!p0 [sflag:s0], s1  }
0x1f5: {  	s1 =	ssub.s32 @!p0 $0x0, s1;
	[sflag:s0] =	ssyncset.done @!p0 $0x0  }
0x1f6: {  	[sflag:s0] =	ssyncadd.s32 @!p0 s1  }
0x1f7: {  	[bflag:$0x3] =	sbarrier.arrive $0xFFFF  }
0x1f8: {  	_ =	shalt  }

// kernel: kernel.8.cloned.1.call-start
scs
__scs_entry_jumppad:
0x0: {  	(pc) =	sbr.rel $0x88, $3  }
0x1: {  	(tag) =	ssettag $0x0;
	lr =	simm.s32 $0x1  }
0x2: {  	[smem:$0x3F9B] =	sst lr;
	_ =	strace $0xD0000000  }
0x3: {  	_ = 	snop  }
0x4: {  	_ = 	snop  }
0x5: {  	_ = 	snop  }
0x6: {  	_ = 	snop  }
0x7: {  	_ = 	snop  }
__scs_overlays_trampoline_lowered:
0x8: {  	[smem:$0x3FAA] =	sst s0  }
0x9: {  	[smem:$0x3FAB] =	sst s1  }
0xa: {  	[smem:$0x3FAC] =	sst s2  }
0xb: {  	[smem:$0x3FAD] =	sst s3  }
0xc: {  	[smem:$0x3FAE] =	sst s4  }
0xd: {  	[smem:$0x3FAF] =	sst s5  }
0xe: {  	[smem:$0x3FB0] =	sst s6  }
0xf: {  	[smem:$0x3FB1] =	sst s7  }
0x10: {  	[smem:$0x3FB2] =	sst s8  }
0x11: {  	[smem:$0x3FB3] =	sst s9;
	s0 =	simm.s32 @!p0 $0x0  }
0x12: {  	s1 =	sld [smem:$0x3F99];
	s0 =	simm.s32 @p0 $0x1  }
0x13: {  	[smem:$0x3FB4] =	sst s0;
	s0 =	simm.s32 @!p1 $0x0  }
0x14: {  	s2 =	sld [smem:$0x3F98];
	s0 =	simm.s32 @p1 $0x1  }
0x15: {  	[smem:$0x3FB5] =	sst s0;
	s0 =	simm.s32 @!p2 $0x0  }
0x16: {  	s3 =	sld [smem:$0x3FDB];
	s0 =	simm.s32 @p2 $0x1  }
0x17: {  	s4 =	simm.s32 $0x1BF5;
	[smem:$0x3FB7] =	sst s0  }
0x18: {  	s0 =	sld [smem:$0x3F9A];
	_ =	swait.ge [sflag:s4], $0x0  }
0x19: {  	s7 =	sld [smem:$0x3F9B]  }
0x1a: {  	s8 =	sadd.s32 $0xFFFFE003, lr  }
0x1b: {  	s9 =	sadd.s32 $0xFFFFFEF7, lr;
	s5 =	simm.s32 $0xFFFFFFFF;
	p2 =	slt.u32 s8, $0xFFFFF086  }
0x1c: {  	p1 =	slt.u32 s9, $0xF7A;
	s5 =	simm.s32 @!p2 $0x0  }
0x1d: {  	s5 =	simm.s32 @p1 $0x1;
	p0 =	seq.s32 s7, s2  }
0x1e: {  	s7 =	smul.u32 @!p0 $0xF7A, s2;
	p2 =	seq.s32 @!p0 s5, $0x0  }
0x1f: {  	s9 =	smul.u32 $0xF7A, s1;
	s8 =	simm.s32 @!p0 $0x1BF5;
	p2 =	por !p2, p0  }
0x20: {  	[sflag:s8] =	ssyncset.s32 @!p0 $0xFFFFF086;
	s6 =	sadd.s32 @!p0 s3, s7;
	s7 =	simm.s32 @!p0 $0x108  }
0x21: {  	s3 =	sadd.s32 s3, s9;
	s6 =	sadd.s32 @!p0 $0x88, s6;
	s7 =	simm.s32 @p2 $0x1082  }
0x22: {  	[simem:s7], [sflag:s8] =	dma.local @!p0 [hbm:s6], $0xF7A  }
0x23: {  	s9 =	sor.u32 $0xD0000000, s2;
	s6 =	simm.s32 $0x108;
	_ =	swait.ge @!p0 [sflag:s8], $0x0  }
0x24: {  	s3 =	sadd.s32 $0x88, s3;
	s6 =	simm.s32 @!p1 $0x1082;
	[sflag:s4] =	ssyncset.s32 $0xFFFFF086  }
0x25: {  	[simem:s6], [sflag:s4] =	dma.local [hbm:s3], $0xF7A  }
0x26: {  	[smem:$0x3F9B] =	sst s1;
	(tag) =	ssettag s2;
	_ =	strace s9  }
0x27: {  	s1 =	sld [smem:$0x3FAB]  }
0x28: {  	s2 =	sld [smem:$0x3FAC]  }
0x29: {  	s4 =	sld [smem:$0x3FAE]  }
0x2a: {  	p0 =	seq.s32 s5, $0x0;
	s5 =	sld [smem:$0x3FAF]  }
0x2b: {  	s6 =	sld [smem:$0x3FB0]  }
0x2c: {  	s7 =	sld [smem:$0x3FB1]  }
0x2d: {  	s3 =	simm.s32 $0x108;
	s8 =	sld [smem:$0x3FB2]  }
0x2e: {  	s3 =	simm.s32 @!p0 $0x1082;
	s9 =	sld [smem:$0x3FB3]  }
0x2f: {  	lr =	sadd.s32 s0, s3;
	s0 =	sld [smem:$0x3FAA]  }
0x30: {  	s3 =	sld [smem:$0x3FAD]  }
0x31: {  	[smem:$0x3FB6] =	sst s10  }
0x32: {  	s10 =	sld [smem:$0x3FB4];
	_ =	sdelay $0x3  }
0x33: {  	p0 =	seq.s32 s10, $0x1;
	s10 =	sld [smem:$0x3FB6];
	_ =	sdelay $0x3  }
0x34: {  	[smem:$0x3FB6] =	sst s10  }
0x35: {  	s10 =	sld [smem:$0x3FB5];
	_ =	sdelay $0x3  }
0x36: {  	p1 =	seq.s32 s10, $0x1;
	s10 =	sld [smem:$0x3FB6];
	_ =	sdelay $0x3  }
0x37: {  	[smem:$0x3FB6] =	sst s10  }
0x38: {  	s10 =	sld [smem:$0x3FB7]  }
0x39: {  	_ = 	snop;
	(pc) =	sbr.ind lr, $3  }
0x3a: {  	_ = 	snop  }
0x3b: {  	_ = 	snop  }
0x3c: {  	p2 =	seq.s32 s10, $0x1;
	s10 =	sld [smem:$0x3FB6]  }
0x3d: {  	_ =	shalt  }
0x3e: {  	_ =	shalt  }
0x3f: {  	_ =	shalt  }
0x40: {  	_ =	shalt  }
0x41: {  	_ =	shalt  }
0x42: {  	_ =	shalt  }
0x43: {  	_ =	shalt  }
0x44: {  	_ =	shalt  }
0x45: {  	_ =	shalt  }
0x46: {  	_ =	shalt  }
0x47: {  	_ =	shalt  }
0x48: {  	_ =	shalt  }
0x49: {  	_ =	shalt  }
0x4a: {  	_ =	shalt  }
0x4b: {  	_ =	shalt  }
0x4c: {  	_ =	shalt  }
0x4d: {  	_ =	shalt  }
0x4e: {  	_ =	shalt  }
0x4f: {  	_ =	shalt  }
0x50: {  	_ =	shalt  }
0x51: {  	_ =	shalt  }
0x52: {  	_ =	shalt  }
0x53: {  	_ =	shalt  }
0x54: {  	_ =	shalt  }
0x55: {  	_ =	shalt  }
0x56: {  	_ =	shalt  }
0x57: {  	_ =	shalt  }
0x58: {  	_ =	shalt  }
0x59: {  	_ =	shalt  }
0x5a: {  	_ =	shalt  }
0x5b: {  	_ =	shalt  }
0x5c: {  	_ =	shalt  }
0x5d: {  	_ =	shalt  }
0x5e: {  	_ =	shalt  }
0x5f: {  	_ =	shalt  }
0x60: {  	_ =	shalt  }
0x61: {  	_ =	shalt  }
0x62: {  	_ =	shalt  }
0x63: {  	_ =	shalt  }
0x64: {  	_ =	shalt  }
0x65: {  	_ =	shalt  }
0x66: {  	_ =	shalt  }
0x67: {  	_ =	shalt  }
0x68: {  	_ =	shalt  }
0x69: {  	_ =	shalt  }
0x6a: {  	_ =	shalt  }
0x6b: {  	_ =	shalt  }
0x6c: {  	_ =	shalt  }
0x6d: {  	_ =	shalt  }
0x6e: {  	_ =	shalt  }
0x6f: {  	_ =	shalt  }
0x70: {  	_ =	shalt  }
0x71: {  	_ =	shalt  }
0x72: {  	_ =	shalt  }
0x73: {  	_ =	shalt  }
0x74: {  	_ =	shalt  }
0x75: {  	_ =	shalt  }
0x76: {  	_ =	shalt  }
0x77: {  	_ =	shalt  }
0x78: {  	_ =	shalt  }
0x79: {  	_ =	shalt  }
0x7a: {  	_ =	shalt  }
0x7b: {  	_ =	shalt  }
0x7c: {  	_ =	shalt  }
0x7d: {  	_ =	shalt  }
0x7e: {  	_ =	shalt  }
0x7f: {  	_ =	shalt  }
0x80: {  	_ =	shalt  }
0x81: {  	_ =	shalt  }
0x82: {  	_ =	shalt  }
0x83: {  	_ =	shalt  }
0x84: {  	_ =	shalt  }
0x85: {  	_ =	shalt  }
0x86: {  	_ =	shalt  }
0x87: {  	_ =	shalt  }
.Lfunc_end0:
.L_simem_size_0:
called_computation_lowered:
.L_overlay_start_0:
0x88: {  	s2 =	sld [smem:$0x3FD9]  }
0x89: {  	s3 =	sld [smem:$0x3FFE];
	_ =	sdelay $0x1  }
0x8a: {  	s1 =	srdreg.scid  }
0x8b: {  	s0 =	sand.u32 $0x1, s1  }
0x8c: {  	s17 =	sshll.u32 s0, $0xA;
	s2 =	sadd.s32 s3, s2  }
0x8d: {  	s2 =	sadd.s32 s2, s17  }
0x8e: {  	[smem:$0x3FC2] =	sst s2  }
0x8f: {  	_ = 	snop  }
0x90: {  	s2 =	sld [smem:$0x3FD0];
	(tm) =	ssettm $0x1  }
0x91: {  	s18 =	sld [smem:$0x3FFB];
	_ =	sdelay $0x3  }
0x92: {  	_ =	strace s18  }
0x93: {  	s3 =	sld [smem:$0x3FFC];
	_ =	sdelay $0x3  }
0x94: {  	_ =	strace s3  }
0x95: {  	s3 =	sld [smem:$0x3FFD];
	_ =	sdelay $0x3  }
0x96: {  	_ =	strace s3  }
0x97: {  	_ =	strace $0x8FFFFFFF  }
0x98: {  	s19 =	sld [smem:$0x3FDB];
	_ =	sdelay $0x1  }
0x99: {  	s4 =	simm.s32 $_scs_section_size  }
0x9a: {  	s5 =	simm.s32 $_size__tile_overlayer_lowered;
	s6 =	simm.s32 $_tile_overlayer_lowered  }
0x9b: {  	s22 =	simm.s32 $0x1BFF;
	s21 =	sshll.u32 s6, $0x1;
	s3 =	sadd.s32 s4, s19  }
0x9c: {  	s7 =	simm.s32 $0x0;
	s20 =	sshll.u32 s5, $0x1;
	s5 =	sadd.s32 s21, s3  }
0x9d: {  	[timem:s7], [sflag:s22] =	dma.local [hbm:s5], s20  }
0x9e: {  	_ =	swait.ge [sflag:s22], s20  }
0x9f: {  	s4 =	ssub.s32 $0x0, s20;
	[sflag:s22] =	ssyncset.done $0x0  }
0xa0: {  	[sflag:s22] =	ssyncadd.s32 s4;
	_ =	sdelay $0x1  }
0xa1: {  	s23 =	simm.s32 $0x1B8B  }
0xa2: {  	_ =	swait.ge [sflag:s23], $0x1  }
0xa3: {  	[sflag:s23] =	ssyncset.done $0x0  }
0xa4: {  	s25 =	simm.s32 $0x1B8E;
	s24 =	sld [smem:$0x3FFE];
	[sflag:s23] =	ssyncadd.s32 $0xFFFFFFFF  }
0xa5: {  	s26 =	simm.s32 $execute0_lowered;
	[smem:$0x3FD2] =	sst s25  }
0xa6: {  	s5 =	sshll.u32 s26, $0x1;
	_ =	strace $0x80000046;
	[dreg:$0x1] =	wrdreg $0xFFFFFFFF  }
0xa7: {  	s28 =	simm.s32 $_size_execute0_lowered;
	s3 =	sadd.s32 s3, s5;
	[dreg:$0x0] =	wrdreg $0x0  }
0xa8: {  	s5 =	sshll.u32 s28, $0x1;
	[dreg:$0x2] =	wrdreg s3  }
0xa9: {  	[dreg:$0x3] =	wrdreg s5  }
0xaa: {  	[dreg:$0x4] =	wrdreg $0xC0  }
0xab: {  	_ =	task [dreg:s7], $0x5FFFF  }
0xac: {  	[dreg:$0x1] =	wrdreg $0xFFFFFFFF  }
0xad: {  	[dreg:$0x0] =	wrdreg $0x60  }
0xae: {  	[dreg:$0x2] =	wrdreg s24  }
0xaf: {  	[dreg:$0x3] =	wrdreg s2  }
0xb0: {  	[dreg:$0x4] =	wrdreg $0x16300  }
0xb1: {  	[dreg:$0x5] =	wrdreg $0x9  }
0xb2: {  	_ =	task.clear_ibuf [dreg:s7], $0x6FFFF;
	_ =	strace $0x90000046  }
0xb3: {  	s29 =	simm.s32 $0x9;
	_ =	strace $0x80000048  }
0xb4: {  	_ =	swait.ge [sflag:s29], $0x1  }
0xb5: {  	[sflag:s29] =	ssyncadd.s32 $0xFFFFFFFF  }
0xb6: {  	_ =	strace $0x90000048  }
0xb7: {  	_ =	sfence  }
0xb8: {  	s30 =	sld [smem:$0x0];
	_ =	sdelay $0x2  }
0xb9: {  	s31 =	sshll.u32 s1, $0xD;
	s1 =	sshrl.u32 s1, $0x2  }
0xba: {  	s3 =	sand.u32 $0x4000, s31;
	s1 =	sadd.s32 s1, s30  }
0xbb: {  	s0 =	sor.u32 s3, s0;
	s1 =	sshll.u32 s1, $0x11  }
0xbc: {  	s0 =	sor.u32 s1, s0  }
0xbd: {  	s0 =	sadd.s32 $0x8F2B, s0  }
0xbe: {  	[sflag:s0] =	ssyncadd.remote.s32 $0x1  }
0xbf: {  	_ =	sfence.sel $0xFFFF  }
0xc0: {  	[dreg:$0x0] =	wrdreg $0xFFFFFFFF;
	(pc) =	sbr.abs _section_cstart, $3  }
0xc1: {  	[dreg:$0x1] =	wrdreg $0xFFFFFFFF  }
0xc2: {  	_ =	task.clear_ibuf [dreg:s7], $0x2FFFF;
	_ =	strace $0x9FFFFFFF  }
0xc3: {  	(tm) =	ssettm $0x7FFFFFFF  }
tec
execute0_lowered:
.L_overlay_start_1:
0x0: {  	(tag) =	ssettag $0x1  }
0x1: {  	s0 =	rddreg [dreg:$0x0]  }
0x2: {  	s1 =	rddreg [dreg:$0x1]  }
0x3: {  	s2 =	rddreg [dreg:$0x2];
	s3 =	simm.s32 $0x0  }
0x4: {  	s4 =	srdreg.scid;
	s22 =	stileid.u32;
	s28 =	simm.s32 $0x60  }
0x5: {  	s29 =	simm.s32 $0x50;
	s30 =	simm.s32 $0xB0;
	s31 =	simm.s32 $0x1  }
0x6: {  	[smem:$0x7FF] =	sst s3;
	s5 =	sadd.s32 $0x1600, s0;
	s4 =	sand.u32 $0x1, s4  }
0x7: {  	s6 =	sadd.s32 $0x1400, s0;
	s7 =	sadd.s32 $0x6600, s0;
	s12 =	smul.u32 $0x2700, s22  }
0x8: {  	s0 =	sadd.s32 $0x10400, s0;
	p0 =	sne.s32 s22, $0xF;
	_ =	strace $0x80000047  }
0x9: {  	[dreg:$0x4] =	wrdreg s6;
	s24 =	ssub.s32 $0x2, s4;
	s25 =	sshll.u32 s4, $0x4  }
0xa: {  	s4 =	smul.u32 $0x27100, s4;
	s8 =	sshrl.u32 s24, $0x1;
	s15 =	sor.u32 s22, s25  }
0xb: {  	s23 =	sadd.s32 s12, s2;
	s16 =	sadd.s32 $0x680, s12;
	s17 =	sadd.s32 $0xD00, s12  }
0xc: {  	s18 =	sadd.s32 $0x1380, s12;
	s19 =	sadd.s32 $0x1A00, s12;
	s20 =	sadd.s32 $0x2080, s12  }
0xd: {  	s6 =	ssub.s32 s24, s8;
	s26 =	sadd.s32 s16, s2;
	s10 =	sadd.s32 s17, s2  }
0xe: {  	s11 =	sadd.s32 s18, s2;
	s14 =	sadd.s32 s12, s4;
	s12 =	sadd.s32 s19, s2  }
0xf: {  	s13 =	sadd.s32 s20, s2;
	s15 =	smul.u32 $0x2710, s15;
	s16 =	sadd.s32 s4, s16  }
0x10: {  	s17 =	sadd.s32 s4, s17;
	s18 =	sadd.s32 s4, s18;
	s19 =	sadd.s32 s4, s19  }
0x11: {  	[dreg:$0x5] =	wrdreg s26;
	s21 =	sshrl.u32 s14, $0x3;
	s14 =	sadd.s32 $0x27000, s2  }
0x12: {  	s16 =	sshrl.u32 s16, $0x3;
	s17 =	sshrl.u32 s17, $0x3;
	s26 =	smax.u32 s6, $0x1  }
0x13: {  	s18 =	sshrl.u32 s18, $0x3;
	s9 =	sadd.s32 s0, s21;
	[dreg:$0xd] =	wrdreg s26  }
0x14: {  	v0 =	vimm.s32 $0xFEDCBA98;
	s16 =	sadd.s32 s0, s16;
	s17 =	sadd.s32 s0, s17;
	[dreg:$0x6] =	wrdreg s9  }
0x15: {  	v1 =	vimm.s32 $0x76543210;
	v0 =	vunpack.c.l.s4.s8 v0;
	s18 =	sadd.s32 s0, s18;
	s21 =	sadd.s32 s4, s20;
	[dreg:$0x7] =	wrdreg s16  }
0x16: {  	v1 =	vunpack.c.l.s4.s8 v1;
	s4 =	sshrl.u32 s4, $0x3;
	[dreg:$0x8] =	wrdreg s17;
	s16 =	sshrl.u32 s19, $0x3  }
0x17: {  	v2 =	vunpack.c.0.s8.s32 v0;
	[dreg:$0x9] =	wrdreg s18;
	s17 =	sshrl.u32 s21, $0x3;
	s24 =	sadd.s32 s0, s16  }
0x18: {  	v1 =	vunpack.c.0.s8.s32 v1;
	s4 =	sadd.s32 s0, s4;
	s0 =	sadd.s32 s0, s17;
	[dreg:$0xa] =	wrdreg s24  }
0x19: {  	v2 =	vand.u32 $0xF, v2;
	s6 =	simm.s32 $0x0;
	s25 =	sadd.s32 $0x4E00, s4;
	[dreg:$0xb] =	wrdreg s0  }
0x1a: {  	vm0 =	vcmask $0x1300;
	v0 =	vimm.f32 $0.0e+00;
	s26 =	simm.s32 $0x10;
	v1 =	vcombine.low v2, v1;
	s4 =	simm.s32 $0xAB0;
	[dreg:$0xc] =	wrdreg s25  }
0x1b: {  	v2 =	vsel vm0, $0x3F800000, v0;
	s24 =	simm.s32 $0x2;
	s25 =	simm.s32 $0xFB0;
	s0 =	simm.s32 $0x5B0  }
.LBB2_1:
0x1c: {  	s8 =	rddreg [dreg:$0x4]  }
0x1d: {  	[tilespmem:s3], [sflag:$0x2] =	stream.linear.gather [hbm4b:s8+s3], $0x10, $0x38;
	[tilespmem:$0x3D40] =	vst v63  }
0x1e: {  	_ =	swait.ge [sflag:s24], $0x10  }
0x1f: {  	[sflag:s24] =	ssyncset.done $0x0  }
0x20: {  	s16 =	simm.s32 $0x40;
	s17 =	simm.s32 $0x0;
	[sflag:s24] =	ssyncadd.s32 $0xFFFFFFF0  }
.LBB2_2:
0x21: {  	p1 =	sne.s32 s16, $0x19C0;
	[tilespmem:s17+$0xFB0] =	vst v0;
	s17 =	smov.u32 s16;
	s16 =	sadd.s32 $0x40, s16  }
.Ltmp0:
0x22: {  	(pc) =	sbr.rel @p1 .LBB2_2-.Ltmp0, $2  }
0x23: {  	_ =	sdelay $0x2  }
0x24: {  	s17 =	sshra.s32 s17, $0x2  }
0x25: {  	[tilespmem:s17+$0xFB0] =	vst v0  }
0x26: {  	[spmem:s23] =	stream.linear.scatter [tilespmem:s25], [sflag:$0x2], $0x680, $0x38;
	[tilespmem:$0x3D40] =	vst v63  }
0x27: {  	_ =	swait.ge [sflag:s24], $0x680  }
0x28: {  	[sflag:s24] =	ssyncset.done $0x0  }
0x29: {  	s8 =	rddreg [dreg:$0x5];
	[sflag:s24] =	ssyncadd.s32 $0xFFFFF980  }
0x2a: {  	[spmem:s8] =	stream.linear.scatter [tilespmem:s25], [sflag:$0x2], $0x680, $0x38;
	[tilespmem:$0x3D40] =	vst v63  }
0x2b: {  	_ =	swait.ge [sflag:s24], $0x680  }
0x2c: {  	[sflag:s24] =	ssyncset.done $0x0  }
0x2d: {  	[sflag:s24] =	ssyncadd.s32 $0xFFFFF980  }
0x2e: {  	[spmem:s10] =	stream.linear.scatter [tilespmem:s25], [sflag:$0x2], $0x680, $0x38;
	[tilespmem:$0x3D40] =	vst v63  }
0x2f: {  	_ =	swait.ge [sflag:s24], $0x680  }
0x30: {  	[sflag:s24] =	ssyncset.done $0x0  }
0x31: {  	[sflag:s24] =	ssyncadd.s32 $0xFFFFF980  }
0x32: {  	[spmem:s11] =	stream.linear.scatter [tilespmem:s25], [sflag:$0x2], $0x680, $0x38;
	[tilespmem:$0x3D40] =	vst v63  }
0x33: {  	_ =	swait.ge [sflag:s24], $0x680  }
0x34: {  	[sflag:s24] =	ssyncset.done $0x0  }
0x35: {  	[sflag:s24] =	ssyncadd.s32 $0xFFFFF980  }
0x36: {  	[spmem:s12] =	stream.linear.scatter [tilespmem:s25], [sflag:$0x2], $0x680, $0x38;
	[tilespmem:$0x3D40] =	vst v63  }
0x37: {  	_ =	swait.ge [sflag:s24], $0x680  }
0x38: {  	[sflag:s24] =	ssyncset.done $0x0  }
0x39: {  	[sflag:s24] =	ssyncadd.s32 $0xFFFFF980  }
0x3a: {  	[spmem:s13] =	stream.linear.scatter [tilespmem:s25], [sflag:$0x2], $0x680, $0x38;
	[tilespmem:$0x3D40] =	vst v63  }
0x3b: {  	_ =	swait.ge [sflag:s24], $0x680  }
0x3c: {  	[sflag:s24] =	ssyncset.done $0x0  }
0x3d: {  	s16 =	simm.s32 @!p0 $0xFB0;
	[sflag:s24] =	ssyncadd.s32 $0xFFFFF980  }
0x3e: {  	[spmem:s14] =	stream.linear.scatter @!p0 [tilespmem:s16], [sflag:$0x2], $0x100, $0x38;
	[tilespmem:$0x3D40] =	vst v63  }
0x3f: {  	s16 =	simm.s32 @!p0 $0x2  }
0x40: {  	_ =	swait.ge @!p0 [sflag:s16], $0x100  }
0x41: {  	[sflag:s16] =	ssyncset.done @!p0 $0x0  }
0x42: {  	[sflag:s16] =	ssyncadd.s32 @!p0 $0xFFFFFF00  }
0x43: {  	[bflag:$0x0] =	sbarrier.arrive $0xFFFF  }
0x44: {  	v3 =	vld [tilespmem:$0x0];
	_ =	sdelay $0x2  }
0x45: {  	s9 =	smov.u32 s23;
	s17 =	simm.s32 $0x0;
	s16 =	simm.s32 $0x0  }
.LBB2_4:
0x46: {  	s18 =	smul.u32 $0x50, s17;
	_ =	sdelay $0x1  }
0x47: {  	s18 =	sadd.s32 s15, s18  }
0x48: {  	s18 =	sshrl.u32 s18, $0x3  }
0x49: {  	s19 =	sadd.s32 s7, s18  }
0x4a: {  	[tilespmem:s26], [sflag:$0x2] =	stream.linear.gather [hbm4b:s19+s16], $0x50, $0x38;
	[tilespmem:$0x3D40] =	vst v63  }
0x4b: {  	_ =	swait.ge [sflag:s24], $0x50  }
0x4c: {  	[sflag:s24] =	ssyncset.done $0x0  }
0x4d: {  	s18 =	sadd.s32 s1, s18;
	[sflag:s24] =	ssyncadd.s32 $0xFFFFFFB0  }
0x4e: {  	[tilespmem:s28], [sflag:$0x2] =	stream.linear.gather [hbm4b:s18+s16], $0x50, $0x38;
	[tilespmem:$0x3D40] =	vst v63  }
0x4f: {  	_ =	swait.ge [sflag:s24], $0x50  }
0x50: {  	[sflag:s24] =	ssyncset.done $0x0  }
0x51: {  	[sflag:s24] =	ssyncadd.s32 $0xFFFFFFB0  }
0x52: {  	[tilespmem:s30], [sflag:$0x1] =	stream.indirect.gather [hbm4b:s5+s29], $0x10, s26, s29, $0xb8;
	[tilespmem:$0x3D40] =	vst v63  }
0x53: {  	_ =	swait.ge [sflag:s31], $0x500  }
0x54: {  	[sflag:s31] =	ssyncset.done $0x0  }
0x55: {  	[sflag:s31] =	ssyncadd.s32 $0xFFFFFB00  }
0x56: {  	[tilespmem:s0], [sflag:$0x1] =	stream.indirect.gather [hbm4b:s5+s29], $0x10, s28, s29, $0xb8;
	[tilespmem:$0x3D40] =	vst v63  }
0x57: {  	_ =	swait.ge [sflag:s31], $0x500  }
0x58: {  	[sflag:s31] =	ssyncset.done $0x0  }
0x59: {  	s19 =	simm.s32 $0x0;
	[sflag:s31] =	ssyncadd.s32 $0xFFFFFB00  }
0x5a: {  	s18 =	simm.s32 $0x10;
	v4 =	vld [tilespmem:s19+$0x5B0]  }
0x5b: {  	v5 =	vld [tilespmem:s18+$0x5B0]  }
0x5c: {  	v6 =	vld [tilespmem:s19+$0xB0];
	_ =	sdelay $0x1  }
0x5d: {  	v7 =	vld [tilespmem:s18+$0xB0]  }
0x5e: {  	v4 =	vperm.xlane v4, v1;
	_ =	sdelay $0x1  }
0x5f: {  	v5 =	vperm.xlane v5, v1;
	v4 =	vadd.f32 v4, v6;
	_ =	sdelay $0x1  }
0x60: {  	s20 =	simm.s32 $0x20;
	v5 =	vadd.f32 v5, v7;
	v7 =	vmul.f32 $2.000000030e-01, v4  }
0x61: {  	v6 =	vld [tilespmem:s20+$0x5B0];
	vm0 =	vge.f32 v4, $0.0e+00  }
0x62: {  	v4 =	vsel vm0, v4, v7  }
0x63: {  	v8 =	vld [tilespmem:s20+$0xB0];
	v9 =	vmul.f32 $2.000000030e-01, v5;
	v4 =	vsub.f32 v4, v3  }
0x64: {  	vm0 =	vge.f32 v5, $0.0e+00  }
0x65: {  	v5 =	vsel vm0, v5, v9;
	v7 =	vmul.f32 $1.442695020e+00, v4  }
0x66: {  	v6 =	vperm.xlane v6, v1;
	v5 =	vsub.f32 v5, v3  }
0x67: {  	(erf) = vpow2.f32 v7  }
0x68: {  	s21 =	simm.s32 $0x30;
	v4 =	vadd.f32 v6, v8;
	v8 =	vmul.f32 $1.442695020e+00, v5  }
0x69: {  	v5 =	vld [tilespmem:s21+$0x5B0]  }
0x6a: {  	(erf) = vpow2.f32 v8  }
0x6b: {  	v6 =	vld [tilespmem:s21+$0xB0]  }
0x6c: {  	v7 =	vmul.f32 $2.000000030e-01, v4  }
0x6d: {  	s22 =	simm.s32 $0x100;
	vm0 =	vge.f32 v4, $0.0e+00  }
.LBB2_5:
0x6e: {  	s23 =	sshra.s32 s22, $0x2;
	p1 =	sne.s32 s22, $0x13C0;
	s22 =	sadd.s32 $0x40, s22;
	v9 =	vperm.xlane v5, v1;
	v4 =	vsel vm0, v4, v7  }
.Ltmp1:
0x6f: {  	s8 =	smov.u32 s21;
	v5 =	vld [tilespmem:s23+$0x5B0];
	v7 =	vsub.f32 v4, v3;
	s21 =	smov.u32 s23;
	(pc) =	sbr.rel @p1 .LBB2_5-.Ltmp1, $4  }
0x70: {  	v4 =	vadd.f32 v9, v6;
	v8 =	vpop (erf)  }
0x71: {  	v6 =	vld [tilespmem:s21+$0xB0];
	v9 =	vmul.f32 $1.442695020e+00, v7;
	v8 =	vmul.f32 v2, v8  }
0x72: {  	v7 =	vmul.f32 $2.000000030e-01, v4  }
0x73: {  	vm0 =	vge.f32 v4, $0.0e+00;
	(erf) = vpow2.f32 v9;
	[tilespmem:s19+$0xAB0] =	vst v8;
	s19 =	smov.u32 s18;
	s18 =	smov.u32 s20;
	s20 =	smov.u32 s8  }
0x74: {  	v5 =	vperm.xlane v5, v1;
	_ =	sdelay $0x1  }
0x75: {  	v5 =	vadd.f32 v5, v6;
	_ =	sdelay $0x1  }
0x76: {  	v6 =	vmul.f32 $2.000000030e-01, v5  }
0x77: {  	v4 =	vsel vm0, v4, v7;
	vm15 =	vge.f32 v5, $0.0e+00  }
0x78: {  	v4 =	vsub.f32 v4, v3;
	v5 =	vsel vm15, v5, v6  }
0x79: {  	v5 =	vsub.f32 v5, v3  }
0x7a: {  	v4 =	vmul.f32 $1.442695020e+00, v4  }
0x7b: {  	v5 =	vmul.f32 $1.442695020e+00, v5  }
0x7c: {  	(erf) = vpow2.f32 v4  }
0x7d: {  	(erf) = vpow2.f32 v5;
	_ =	sdelay $0x5  }
0x7e: {  	v4 =	vpop (erf)  }
0x7f: {  	v4 =	vmul.f32 v2, v4;
	v5 =	vpop (erf)  }
0x80: {  	v5 =	vmul.f32 v2, v5;
	v62 =	vpop (erf)  }
0x81: {  	[tilespmem:s19+$0xAB0] =	vst v4;
	v4 =	vmul.f32 v2, v62;
	v63 =	vpop (erf)  }
0x82: {  	s17 =	sadd.s32 $0x1, s17;
	[tilespmem:s18+$0xAB0] =	vst v5;
	v5 =	vmul.f32 v2, v63  }
0x83: {  	p1 =	sne.s32 s17, $0x7D;
	[tilespmem:s20+$0xAB0] =	vst v4  }
.Ltmp2:
0x84: {  	[tilespmem:s21+$0xAB0] =	vst v5;
	(pc) =	sbr.rel @p1 .LBB2_4-.Ltmp2, $4  }
0x85: {  	[spmem:s2] =	stream.indirect.scatter.add.f32 [tilespmem:s4], [sflag:$0x2], $0x10, s28, s29, $0xb8;
	[tilespmem:$0x3D40] =	vst v63  }
0x86: {  	_ =	swait.ge [sflag:s24], $0x500  }
0x87: {  	[sflag:s24] =	ssyncset.done $0x0  }
0x88: {  	[sflag:s24] =	ssyncadd.s32 $0xFFFFFB00  }
0x89: {  	[bflag:$0x0] =	sbarrier.arrive $0xFFFF  }
0x8a: {  	[tilespmem:s25], [sflag:$0x2] =	stream.linear.gather [spmem:s9], $0x680, $0x38;
	[tilespmem:$0x3D40] =	vst v63  }
0x8b: {  	_ =	swait.ge [sflag:s24], $0x680  }
0x8c: {  	[sflag:s24] =	ssyncset.done $0x0  }
0x8d: {  	s8 =	rddreg [dreg:$0x6];
	[sflag:s24] =	ssyncadd.s32 $0xFFFFF980  }
0x8e: {  	[hbm4b:s8+s3] =	stream.linear.scatter [tilespmem:s25], [sflag:$0x2], $0x680, $0x38;
	[tilespmem:$0x3D40] =	vst v63  }
0x8f: {  	_ =	swait.ge [sflag:s24], $0x680  }
0x90: {  	[sflag:s24] =	ssyncset.done $0x0  }
0x91: {  	s16 =	rddreg [dreg:$0x5];
	[sflag:s24] =	ssyncadd.s32 $0xFFFFF980  }
0x92: {  	[tilespmem:s25], [sflag:$0x2] =	stream.linear.gather [spmem:s16], $0x680, $0x38;
	[tilespmem:$0x3D40] =	vst v63  }
0x93: {  	_ =	swait.ge [sflag:s24], $0x680  }
0x94: {  	[sflag:s24] =	ssyncset.done $0x0  }
0x95: {  	s17 =	rddreg [dreg:$0x7];
	[sflag:s24] =	ssyncadd.s32 $0xFFFFF980  }
0x96: {  	[hbm4b:s17+s3] =	stream.linear.scatter [tilespmem:s25], [sflag:$0x2], $0x680, $0x38;
	[tilespmem:$0x3D40] =	vst v63  }
0x97: {  	_ =	swait.ge [sflag:s24], $0x680  }
0x98: {  	[sflag:s24] =	ssyncset.done $0x0  }
0x99: {  	[sflag:s24] =	ssyncadd.s32 $0xFFFFF980  }
0x9a: {  	[tilespmem:s25], [sflag:$0x2] =	stream.linear.gather [spmem:s10], $0x680, $0x38;
	[tilespmem:$0x3D40] =	vst v63  }
0x9b: {  	_ =	swait.ge [sflag:s24], $0x680  }
0x9c: {  	[sflag:s24] =	ssyncset.done $0x0  }
0x9d: {  	s18 =	rddreg [dreg:$0x8];
	[sflag:s24] =	ssyncadd.s32 $0xFFFFF980  }
0x9e: {  	[hbm4b:s18+s3] =	stream.linear.scatter [tilespmem:s25], [sflag:$0x2], $0x680, $0x38;
	[tilespmem:$0x3D40] =	vst v63  }
0x9f: {  	_ =	swait.ge [sflag:s24], $0x680  }
0xa0: {  	[sflag:s24] =	ssyncset.done $0x0  }
0xa1: {  	[sflag:s24] =	ssyncadd.s32 $0xFFFFF980  }
0xa2: {  	[tilespmem:s25], [sflag:$0x2] =	stream.linear.gather [spmem:s11], $0x680, $0x38;
	[tilespmem:$0x3D40] =	vst v63  }
0xa3: {  	_ =	swait.ge [sflag:s24], $0x680  }
0xa4: {  	[sflag:s24] =	ssyncset.done $0x0  }
0xa5: {  	s19 =	rddreg [dreg:$0x9];
	[sflag:s24] =	ssyncadd.s32 $0xFFFFF980  }
0xa6: {  	[hbm4b:s19+s3] =	stream.linear.scatter [tilespmem:s25], [sflag:$0x2], $0x680, $0x38;
	[tilespmem:$0x3D40] =	vst v63  }
0xa7: {  	_ =	swait.ge [sflag:s24], $0x680  }
0xa8: {  	[sflag:s24] =	ssyncset.done $0x0  }
0xa9: {  	[sflag:s24] =	ssyncadd.s32 $0xFFFFF980  }
0xaa: {  	[tilespmem:s25], [sflag:$0x2] =	stream.linear.gather [spmem:s12], $0x680, $0x38;
	[tilespmem:$0x3D40] =	vst v63  }
0xab: {  	_ =	swait.ge [sflag:s24], $0x680  }
0xac: {  	[sflag:s24] =	ssyncset.done $0x0  }
0xad: {  	s20 =	rddreg [dreg:$0xa];
	[sflag:s24] =	ssyncadd.s32 $0xFFFFF980  }
0xae: {  	[hbm4b:s20+s3] =	stream.linear.scatter [tilespmem:s25], [sflag:$0x2], $0x680, $0x38;
	[tilespmem:$0x3D40] =	vst v63  }
0xaf: {  	_ =	swait.ge [sflag:s24], $0x680  }
0xb0: {  	[sflag:s24] =	ssyncset.done $0x0  }
0xb1: {  	[sflag:s24] =	ssyncadd.s32 $0xFFFFF980  }
0xb2: {  	[tilespmem:s25], [sflag:$0x2] =	stream.linear.gather [spmem:s13], $0x680, $0x38;
	[tilespmem:$0x3D40] =	vst v63  }
0xb3: {  	_ =	swait.ge [sflag:s24], $0x680  }
0xb4: {  	[sflag:s24] =	ssyncset.done $0x0  }
0xb5: {  	s21 =	rddreg [dreg:$0xb];
	[sflag:s24] =	ssyncadd.s32 $0xFFFFF980  }
0xb6: {  	[hbm4b:s21+s3] =	stream.linear.scatter [tilespmem:s25], [sflag:$0x2], $0x680, $0x38;
	[tilespmem:$0x3D40] =	vst v63  }
0xb7: {  	_ =	swait.ge [sflag:s24], $0x680  }
0xb8: {  	[sflag:s24] =	ssyncset.done $0x0  }
0xb9: {  	s8 =	simm.s32 @!p0 $0xFB0;
	s16 =	simm.s32 @!p0 $0x2;
	[sflag:s24] =	ssyncadd.s32 $0xFFFFF980  }
0xba: {  	[tilespmem:s8], [sflag:$0x2] =	stream.linear.gather @!p0 [spmem:s14], $0x100, $0x38;
	[tilespmem:$0x3D40] =	vst v63  }
0xbb: {  	_ =	swait.ge @!p0 [sflag:s16], $0x100  }
0xbc: {  	s23 =	smov.u32 s9;
	[sflag:s16] =	ssyncset.done @!p0 $0x0  }
0xbd: {  	s17 =	simm.s32 @!p0 $0x0;
	s9 =	rddreg [dreg:$0xc];
	[sflag:s16] =	ssyncadd.s32 @!p0 $0xFFFFFF00  }
0xbe: {  	[hbm4b:s9+s17] =	stream.linear.scatter @!p0 [tilespmem:s8], [sflag:$0x2], $0x100, $0x38;
	[tilespmem:$0x3D40] =	vst v63  }
0xbf: {  	_ =	swait.ge @!p0 [sflag:s16], $0x100  }
0xc0: {  	s6 =	sadd.s32 $0x1, s6;
	s22 =	rddreg [dreg:$0xd]  }
0xc1: {  	p1 =	sne.s32 s6, s22  }
.Ltmp3:
0xc2: {  	_ = 	snop;
	(pc) =	sbr.rel @p1 .LBB2_1-.Ltmp3, $3  }
0xc3: {  	_ =	sdelay $0x1  }
0xc4: {  	[sflag:s16] =	ssyncset.done @!p0 $0x0  }
0xc5: {  	[sflag:s16] =	ssyncadd.s32 @!p0 $0xFFFFFF00  }
0xc6: {  	_ =	sfence.sel $0x180000  }
0xc7: {  	[bflag:$0x0] =	sbarrier.arrive $0xFFFF  }
0xc8: {  	_ =	strace $0x90000047  }
0xc9: {  	s0 =	stileid.u32;
	[bflag:$0x2] =	sbarrier.arrive $0xFFFF  }
0xca: {  	p0 =	sne.s32 s0, $0x0;
	s0 =	rddreg [dreg:$0x3]  }
0xcb: {  	s0 =	sadd.s32 @!p0 $0x100000, s0  }
0xcc: {  	[sflag:s0] =	ssyncadd.tile.s32 @!p0 $0x1;
	_ =	shalt  }
.Lfunc_end2:
_tile_overlayer_lowered:
.L_overlay_start_2:
0xcd: {  	(tag) =	ssettag $0x2  }
0xce: {  	s0 =	rddreg [dreg:$0x0];
	s2 =	stileid.u32  }
0xcf: {  	s1 =	rddreg [dreg:$0x1];
	p0 =	sne.s32 s2, $0x0  }
0xd0: {  	s3 =	rddreg [dreg:$0x2];
	[bflag:$0x3] =	sbarrier.arrive $0xFFFF;
	s2 =	simm.s32 @!p0 $0x1C02  }
0xd1: {  	[timem:s3], [sflag:s2] =	dma.local @!p0 [hbm:s0], s1  }
0xd2: {  	s0 =	simm.s32 @!p0 $0x2  }
0xd3: {  	_ =	swait.ge @!p0 [sflag:s0], s1  }
0xd4: {  	s1 =	ssub.s32 @!p0 $0x0, s1;
	[sflag:s0] =	ssyncset.done @!p0 $0x0  }
0xd5: {  	[sflag:s0] =	ssyncadd.s32 @!p0 s1  }
0xd6: {  	[bflag:$0x3] =	sbarrier.arrive $0xFFFF  }
0xd7: {  	_ =	shalt  }

</sc_bundles>
